<compile_context>
chip_gen: v7x
topology: tpu7x:2x2x1
jax: 0.10.2.dev20260603
libtpu: 0.0.44.dev20260713+nightly
codegen_flags: <defaults>
</compile_context>

<pallas_src>
import functools

import jax
import jax.numpy as jnp
import numpy as np
from jax import lax
from jax.experimental import pallas as pl
from jax.experimental.pallas import tpu as pltpu
from jax.experimental.pallas import tpu_sc as plsc

N = 10000
E = 320000
D = 128
HID = 128
OUT_DIM = 64
N_LAYERS = 3
NUM_SUB = 1000
NUM_GRAPHS = 16

NPAD = 10112
NBLK = NPAD // 128
NW = 32
EPW = 10240
EPAD = NW * EPW
EPB = 10496
CHB = EPB // 128
ROWS_PER_TILE = NPAD // 16
LOGIT_MIN_SCORE = float(np.log(0.3 / 0.7))
SUBPAD = 1024
FEAT = 512

_mesh = plsc.VectorSubcoreMesh(core_axis_name="c", subcore_axis_name="s")


def _k1_score(x3_ref, w_ref, xw_ref, t_ref):
    x3 = x3_ref[...]
    w = w_ref[...]
    xw = jnp.sum(x3 * w[None, :, :], axis=2)
    flat = (lax.broadcasted_iota(jnp.int32, (NBLK, 128), 0) * 128
            + lax.broadcasted_iota(jnp.int32, (NBLK, 128), 1))
    xw_ref[...] = jnp.where(flat < N, xw, -1e30)
    nrm = jnp.sqrt(jnp.sum(w * w)) + 1e-12
    t_ref[...] = jnp.full((1, 128), LOGIT_MIN_SCORE, jnp.float32) * nrm


def _k2_mask(xw_hbm, t_hbm, src_hbm, dst_hbm,
             srcc_out, dstc_out, cnt_out, touch_out,
             xw_v, t_v, src_v, dst_v, srcc_v, dstc_v, touch_v, cnt_v,
             ksem, ssem, dsem):
    c = lax.axis_index("c")
    s = lax.axis_index("s")
    w = c * 16 + s
    base = w * EPW
    dx = pltpu.async_copy(xw_hbm, xw_v, ksem)
    ds_ = pltpu.async_copy(src_hbm.at[pl.ds(base, EPW)], src_v, ssem)
    dd = pltpu.async_copy(dst_hbm.at[pl.ds(base, EPW)], dst_v, dsem)
    pltpu.sync_copy(t_hbm, t_v)
    t16 = t_v[...]
    ones = jnp.full((16,), 1.0, jnp.float32)
    padv = N + 64 + lax.broadcasted_iota(jnp.int32, (16,), 0)

    def zbody(i, carry):
        touch_v[pl.ds(i * 16, 16)] = jnp.zeros((16,), jnp.float32)
        return carry

    lax.fori_loop(0, NPAD // 16, zbody, 0)
    dx.wait()
    ds_.wait()
    dd.wait()

    def body(i, cnt):
        sl = pl.ds(i * 16, 16)
        s16 = src_v[sl]
        d16 = dst_v[sl]
        z = plsc.load_gather(xw_v, [s16]) + plsc.load_gather(xw_v, [d16])
        keep = z > t16
        plsc.store_scatter(touch_v, [s16], ones, mask=keep)
        plsc.store_scatter(touch_v, [d16], ones, mask=keep)
        plsc.store_compressed(srcc_v.at[pl.ds(cnt, 16)], s16, mask=keep)
        plsc.store_compressed(dstc_v.at[pl.ds(cnt, 16)], d16, mask=keep)
        return cnt + plsc.all_reduce_population_count(keep)[0]

    cnt = lax.fori_loop(0, EPW // 16, body, jnp.int32(0))
    for q in range(8):
        srcc_v[pl.ds(cnt + q * 16, 16)] = jnp.zeros((16,), jnp.int32)
        dstc_v[pl.ds(cnt + q * 16, 16)] = padv
    nch = (cnt + 127) // 128
    cnt_v[...] = jnp.broadcast_to(nch, (16,))
    pltpu.sync_copy(srcc_v, srcc_out.at[w])
    pltpu.sync_copy(dstc_v, dstc_out.at[w])
    pltpu.sync_copy(cnt_v, cnt_out.at[w])
    pltpu.sync_copy(touch_v, touch_out.at[w])


def _k3_msg(h_hbm, src3_hbm, dst3_hbm, cnt_hbm, zeros_hbm, out_hbm,
            sidx_v, didx_v, stage_v, cnt_v, acc_sh, sema, semb):
    c = lax.axis_index("c")
    s = lax.axis_index("s")
    w = c * 16 + s
    rows = pl.ds(s * ROWS_PER_TILE, ROWS_PER_TILE)
    dz = pltpu.async_copy(zeros_hbm, acc_sh.at[rows], sema)
    ds_ = pltpu.async_copy(src3_hbm.at[w], sidx_v, semb)
    pltpu.sync_copy(dst3_hbm.at[w], didx_v)
    pltpu.sync_copy(cnt_hbm.at[w], cnt_v)
    nch = cnt_v[...][0]
    ds_.wait()
    dz.wait()
    plsc.subcore_barrier()

    def body(j, carry):
        da = pltpu.async_copy(h_hbm.at[sidx_v.at[j, pl.ds(0, 64)]],
                              stage_v.at[pl.ds(0, 64)], sema)
        db = pltpu.async_copy(h_hbm.at[sidx_v.at[j, pl.ds(64, 64)]],
                              stage_v.at[pl.ds(64, 64)], semb)
        da.wait()
        db.wait()
        pltpu.sync_copy(stage_v, acc_sh.at[didx_v.at[j]], add=True)
        return carry

    lax.fori_loop(0, nch, body, 0)
    plsc.subcore_barrier()
    pltpu.sync_copy(acc_sh.at[rows], out_hbm.at[c].at[rows])


def _k4_mlp(h_ref, m0_ref, m1_ref, eps_ref, w1_ref, b1_ref, w2_ref, b2_ref,
            o_ref):
    agg = h_ref[...] * eps_ref[...] + m0_ref[...] + m1_ref[...]
    hh = jnp.maximum(
        jnp.dot(agg, w1_ref[...], preferred_element_type=jnp.float32)
        + b1_ref[...], 0.0)
    o_ref[...] = (jnp.dot(hh, w2_ref[...], preferred_element_type=jnp.float32)
                  + b2_ref[...])


def _k5_pool(b3_ref, t_ref, h1_ref, h2_ref, h3_ref, s2g_ref, w1_ref, b1_ref,
             w2_ref, b2_ref, o_ref, x_scr, sums_scr):
    i = pl.program_id(0)
    batch = b3_ref[...].reshape(1, 128)
    m = (jnp.sum(t_ref[...], axis=0, keepdims=True) > 0.0).astype(
        jnp.bfloat16)
    seg = lax.broadcasted_iota(jnp.int32, (SUBPAD, 128), 0)
    sm = ((seg == batch).astype(jnp.float32).astype(jnp.bfloat16)
          * m)
    x_scr[:, 0:128] = h1_ref[...].astype(jnp.bfloat16)
    x_scr[:, 128:256] = h2_ref[...].astype(jnp.bfloat16)
    x_scr[:, 256:384] = h3_ref[...].astype(jnp.bfloat16)
    lane = lax.broadcasted_iota(jnp.int32, (128, 128), 1)
    x_scr[:, 384:512] = (lane == 0).astype(jnp.float32).astype(jnp.bfloat16)

    @pl.when(i == 0)
    def _():
        sums_scr[...] = jnp.zeros((SUBPAD, FEAT), jnp.float32)

    sums_scr[...] += jnp.dot(sm, x_scr[...],
                             preferred_element_type=jnp.float32)

    @pl.when(i == NBLK - 1)
    def _():
        _k6_final(sums_scr, s2g_ref, w1_ref, b1_ref, w2_ref, b2_ref, o_ref)


def _k6_final(sums_ref, s2g_ref, w1_ref, b1_ref, w2_ref, b2_ref, o_ref):
    sums = sums_ref[...]
    s2g = s2g_ref[...].reshape(1, SUBPAD)
    cnt0 = sums[:, 384:512]
    ones_j = jnp.ones((128, 128), jnp.float32)
    den = jnp.maximum(
        jnp.dot(cnt0, ones_j, preferred_element_type=jnp.float32), 1.0)
    gmat = (lax.broadcasted_iota(jnp.int32, (NUM_GRAPHS, SUBPAD), 0)
            == s2g).astype(jnp.float32)
    g1 = jnp.dot(gmat, sums[:, 0:128] / den,
                 preferred_element_type=jnp.float32)
    g2 = jnp.dot(gmat, sums[:, 128:256] / den,
                 preferred_element_type=jnp.float32)
    g3 = jnp.dot(gmat, sums[:, 256:384] / den,
                 preferred_element_type=jnp.float32)
    gcat = jnp.concatenate([g1, g2, g3], axis=1)
    hh = jnp.maximum(
        jnp.dot(gcat, w1_ref[...], preferred_element_type=jnp.float32)
        + b1_ref[...], 0.0)
    o_ref[...] = (jnp.dot(hh, w2_ref[...], preferred_element_type=jnp.float32)
                  + b2_ref[...])


_sc_params = pltpu.CompilerParams(needs_layout_passes=False)

_k2_call = functools.partial(
    pl.kernel, _k2_mask, mesh=_mesh, compiler_params=_sc_params,
    out_type=[jax.ShapeDtypeStruct((NW, EPB), jnp.int32),
              jax.ShapeDtypeStruct((NW, EPB), jnp.int32),
              jax.ShapeDtypeStruct((NW, 16), jnp.int32),
              jax.ShapeDtypeStruct((NW, NPAD), jnp.float32)],
    scratch_types=[pltpu.VMEM((NPAD,), jnp.float32),
                   pltpu.VMEM((16,), jnp.float32),
                   pltpu.VMEM((EPW,), jnp.int32),
                   pltpu.VMEM((EPW,), jnp.int32),
                   pltpu.VMEM((EPB,), jnp.int32),
                   pltpu.VMEM((EPB,), jnp.int32),
                   pltpu.VMEM((NPAD,), jnp.float32),
                   pltpu.VMEM((16,), jnp.int32),
                   pltpu.SemaphoreType.DMA,
                   pltpu.SemaphoreType.DMA,
                   pltpu.SemaphoreType.DMA])

_k3_call = functools.partial(
    pl.kernel, _k3_msg, mesh=_mesh, compiler_params=_sc_params,
    out_type=jax.ShapeDtypeStruct((2, NPAD, D), jnp.float32),
    scratch_types=[pltpu.VMEM((CHB, 128), jnp.int32),
                   pltpu.VMEM((CHB, 128), jnp.int32),
                   pltpu.VMEM((128, D), jnp.float32),
                   pltpu.VMEM((16,), jnp.int32),
                   pltpu.VMEM_SHARED((NPAD, D), jnp.float32),
                   pltpu.SemaphoreType.DMA,
                   pltpu.SemaphoreType.DMA])


def kernel(x, edge_index, edge_attr, node_to_subgraph, edge_to_subgraph,
           subgraph_to_graph, params):
    f32 = jnp.float32
    src, dst = edge_index[0], edge_index[1]

    xp = jnp.zeros((NPAD, D), f32).at[:N].set(x)
    npadE = EPAD - E
    srcp = jnp.concatenate([src, jnp.full((npadE,), N, jnp.int32)])
    dstp = jnp.concatenate([dst, (jnp.arange(npadE, dtype=jnp.int32) % 64)])
    batchp = jnp.concatenate(
        [node_to_subgraph, jnp.full((NPAD - N,), SUBPAD - 1, jnp.int32)])
    s2gp = jnp.concatenate(
        [subgraph_to_graph,
         jnp.full((SUBPAD - NUM_SUB,), NUM_GRAPHS, jnp.int32)])

    xw79, tvec = pl.pallas_call(
        _k1_score,
        out_shape=[jax.ShapeDtypeStruct((NBLK, 128), f32),
                   jax.ShapeDtypeStruct((1, 128), f32)],
    )(xp.reshape(NBLK, 128, D), params['pool_w'].reshape(1, D))
    xw = xw79.reshape(NPAD)
    t16 = tvec.reshape(128)[:16]

    srcc, dstc, cnts, touch = _k2_call()(xw, t16, srcp, dstp)
    src3 = srcc.reshape(NW, CHB, 128)
    dst3 = dstc.reshape(NW, CHB, 128)

    zeros_tile = jnp.zeros((ROWS_PER_TILE, D), f32)

    nblk = 4
    rblk = NPAD // nblk
    h = xp
    hs = []
    for l in range(N_LAYERS):
        msg2 = _k3_call()(h, src3, dst3, cnts, zeros_tile)
        epsv = jnp.full((1, HID), 1.0 + params['eps_%d' % l], f32)
        h = pl.pallas_call(
            _k4_mlp,
            grid=(nblk,),
            in_specs=[
                pl.BlockSpec((rblk, D), lambda i: (i, 0)),
                pl.BlockSpec((rblk, D), lambda i: (i, 0)),
                pl.BlockSpec((rblk, D), lambda i: (i, 0)),
                pl.BlockSpec((1, HID), lambda i: (0, 0)),
                pl.BlockSpec((D, HID), lambda i: (0, 0)),
                pl.BlockSpec((1, HID), lambda i: (0, 0)),
                pl.BlockSpec((HID, HID), lambda i: (0, 0)),
                pl.BlockSpec((1, HID), lambda i: (0, 0)),
            ],
            out_specs=pl.BlockSpec((rblk, D), lambda i: (i, 0)),
            out_shape=jax.ShapeDtypeStruct((NPAD, HID), f32),
        )(h, msg2[0], msg2[1], epsv, params['W1_%d' % l],
          params['b1_%d' % l].reshape(1, HID), params['W2_%d' % l],
          params['b2_%d' % l].reshape(1, HID))
        hs.append(h)

    w2p = jnp.zeros((HID, 128), f32).at[:, :OUT_DIM].set(params['lin2_W'])
    b2p = jnp.zeros((128,), f32).at[:OUT_DIM].set(params['lin2_b'])
    outp = pl.pallas_call(
        _k5_pool,
        grid=(NBLK,),
        in_specs=[
            pl.BlockSpec((1, 1, 128), lambda i: (i, 0, 0)),
            pl.BlockSpec((NW, 128), lambda i: (0, i)),
            pl.BlockSpec((128, HID), lambda i: (i, 0)),
            pl.BlockSpec((128, HID), lambda i: (i, 0)),
            pl.BlockSpec((128, HID), lambda i: (i, 0)),
            pl.BlockSpec((8, 128), lambda i: (0, 0)),
            pl.BlockSpec((HID * N_LAYERS, HID), lambda i: (0, 0)),
            pl.BlockSpec((1, HID), lambda i: (0, 0)),
            pl.BlockSpec((HID, 128), lambda i: (0, 0)),
            pl.BlockSpec((1, 128), lambda i: (0, 0)),
        ],
        out_specs=pl.BlockSpec((NUM_GRAPHS, 128), lambda i: (0, 0)),
        out_shape=jax.ShapeDtypeStruct((NUM_GRAPHS, 128), f32),
        scratch_shapes=[pltpu.VMEM((128, FEAT), jnp.bfloat16),
                        pltpu.VMEM((SUBPAD, FEAT), f32)],
    )(batchp.reshape(NBLK, 1, 128), touch, hs[0], hs[1], hs[2],
      s2gp.reshape(8, 128), params['lin1_W'],
      params['lin1_b'].reshape(1, HID), w2p, b2p.reshape(1, 128))
    return outp[:, :OUT_DIM]

# --- scband reference (transcript-rebuilt; emitter-appended) ---
"""Pipeline reference for scband-nested-gin-27522150432785 (READ-ONLY COPY).

The authoritative reference and input builder live on the scoring server;
editing this copy changes nothing except your own understanding.
"""

import jax, jax.numpy as jnp
import numpy as np

N_NODES = 10000
N_EDGES = 320000
D_IN = 128
HID = 128
OUT_DIM = 64
N_LAYERS = 3
NUM_E_HID = 128
NUM_SUB = 1000
NUM_GRAPHS = 16
MIN_SCORE = 0.3


def make_params(key):
    ks = jax.random.split(key, 16)
    p = {}
    p['pool_w'] = jax.random.normal(ks[0], (D_IN,), dtype=jnp.float32) / np.sqrt(D_IN)
    for l in range(N_LAYERS):
        din = D_IN if l == 0 else HID
        p['W1_%d' % l] = jax.random.normal(ks[1 + 3 * l], (din, HID), dtype=jnp.float32) / np.sqrt(din)
        p['b1_%d' % l] = jnp.zeros((HID,), jnp.float32)
        p['W2_%d' % l] = jax.random.normal(ks[2 + 3 * l], (HID, HID), dtype=jnp.float32) / np.sqrt(HID)
        p['b2_%d' % l] = jnp.zeros((HID,), jnp.float32)
        p['eps_%d' % l] = jnp.zeros((), jnp.float32)
    p['lin1_W'] = jax.random.normal(ks[12], (HID * N_LAYERS, HID), dtype=jnp.float32) / np.sqrt(HID * N_LAYERS)
    p['lin1_b'] = jnp.zeros((HID,), jnp.float32)
    p['lin2_W'] = jax.random.normal(ks[13], (HID, OUT_DIM), dtype=jnp.float32) / np.sqrt(HID)
    p['lin2_b'] = jnp.zeros((OUT_DIM,), jnp.float32)
    return p


def setup_inputs(seed: int = 0):
    key = jax.random.key(seed)
    ks = jax.random.split(key, 8)
    x = jax.random.normal(ks[0], (N_NODES, D_IN), dtype=jnp.float32)
    edge_index = jax.random.randint(ks[1], (2, N_EDGES), 0, N_NODES, dtype=jnp.int32)
    edge_attr = jax.random.uniform(ks[2], (N_EDGES,), dtype=jnp.float32)
    node_to_subgraph = jnp.sort(jax.random.randint(ks[3], (N_NODES,), 0, NUM_SUB, dtype=jnp.int32))
    edge_to_subgraph = jnp.sort(jax.random.randint(ks[4], (N_EDGES,), 0, NUM_SUB, dtype=jnp.int32))
    subgraph_to_graph = jnp.sort(jax.random.randint(ks[5], (NUM_SUB,), 0, NUM_GRAPHS, dtype=jnp.int32))
    params = make_params(ks[6])
    return {"x": x, "edge_index": edge_index, "edge_attr": edge_attr,
            "node_to_subgraph": node_to_subgraph, "edge_to_subgraph": edge_to_subgraph,
            "subgraph_to_graph": subgraph_to_graph, "params": params}


def reference(x, edge_index, edge_attr, node_to_subgraph, edge_to_subgraph, subgraph_to_graph, params):
    # edge_attr.view(-1,1).expand(-1, num_e_hid)
    ea = jnp.broadcast_to(edge_attr.reshape(-1, 1), (edge_attr.shape[0], NUM_E_HID))
    # TopKEdgePooling (min_score=0.3): score edges via learned vector on endpoint feats,
    # keep edges above threshold, scale kept edge_attr by score (nodes kept in place).
    w = params['pool_w']
    src, dst = edge_index[0], edge_index[1]
    score = jax.nn.sigmoid(((x[src] + x[dst]) @ w) / (jnp.linalg.norm(w) + 1e-12))
    keep = score > MIN_SCORE
    keepf = keep.astype(jnp.float32)
    ea = jnp.where(keep[:, None], ea * score[:, None], 0.0)
    batch = node_to_subgraph
    N = x.shape[0]
    h = x
    xs = []
    for l in range(N_LAYERS):
        # GINConv: MLP((1+eps)*x + sum_{j in N(i)} x_j)
        msg = jax.ops.segment_sum(jnp.where(keep[:, None], h[src], 0.0), dst, num_segments=N)
        agg = (1.0 + params['eps_%d' % l]) * h + msg
        h = jnp.maximum(agg @ params['W1_%d' % l] + params['b1_%d' % l], 0.0) @ params['W2_%d' % l] + params['b2_%d' % l]
        # dropout in eval mode: identity
        xs.append(h)
    xcat = jnp.concatenate(xs, axis=1)
    # mask = zeros(num_nodes, bool); mask[edge_index] = 1
    touch = jax.ops.segment_sum(keepf, src, num_segments=N) + jax.ops.segment_sum(keepf, dst, num_segments=N)
    maskf = (touch > 0.0).astype(jnp.float32)
    # global_mean_pool over subgraphs
    sums = jax.ops.segment_sum(xcat * maskf[:, None], batch, num_segments=NUM_SUB)
    cnt = jax.ops.segment_sum(maskf, batch, num_segments=NUM_SUB)
    mean = sums / jnp.clip(cnt, 1.0)[:, None]
    # global_add_pool over graphs
    g = jax.ops.segment_sum(mean, subgraph_to_graph, num_segments=NUM_GRAPHS)
    out = jnp.maximum(g @ params['lin1_W'] + params['lin1_b'], 0.0)
    out = out @ params['lin2_W'] + params['lin2_b']
    return out

if __name__ == "__main__":
    import jax
    _d = setup_inputs()
    print(jax.jit(kernel)(*tuple(_d.values())))

</pallas_src>

<mosaic_0001>
#map = affine_map<(d0, d1) -> (0, 0)>
#map1 = affine_map<(d0, d1) -> (0, 0, 0)>
module attributes {stable_mosaic.version = 14 : i64} {
  func.func @_k3_msg(%arg0: i32, %arg1: i32, %arg2: memref<10112x128xf32, #tpu.memory_space<hbm>>, %arg3: memref<32x82x128xi32, #tpu.memory_space<hbm>>, %arg4: memref<32x82x128xi32, #tpu.memory_space<hbm>>, %arg5: memref<32x16xi32, #tpu.memory_space<hbm>>, %arg6: memref<632x128xf32, #tpu.memory_space<hbm>>, %arg7: memref<2x10112x128xf32, #tpu.memory_space<hbm>>, %arg8: memref<82x128xi32, #tpu.memory_space<vmem>>, %arg9: memref<82x128xi32, #tpu.memory_space<vmem>>, %arg10: memref<128x128xf32, #tpu.memory_space<vmem>>, %arg11: memref<16xi32, #tpu.memory_space<vmem>>, %arg12: memref<10112x128xf32, #tpu.memory_space<vmem_shared>>, %arg13: memref<!tpu.dma_semaphore, #tpu.memory_space<semaphore_mem>>, %arg14: memref<!tpu.dma_semaphore, #tpu.memory_space<semaphore_mem>>) attributes {dimension_semantics = [#tpu.dimension_semantics<core_parallel>, #tpu.dimension_semantics<subcore_parallel>], iteration_bounds = array<i64: 2, 16>, scalar_prefetch = 0 : i64, scratch_operands = 7 : i64, tpu.core_type = #tpu.core_type<sc_vector_subcore>, window_params = [{transform_indices = #map}, {transform_indices = #map1}, {transform_indices = #map1}, {transform_indices = #map}, {transform_indices = #map}, {transform_indices = #map1}]} {
    %mul3A = arith.constant 16 : i32
    %mul3A_0 = arith.muli %arg0, %mul3A : i32
    %add3A = arith.addi %mul3A_0, %arg1 : i32
    %mul3A_1 = arith.constant 632 : i32
    %mul3A_2 = arith.muli %arg1, %mul3A_1 : i32
    %dma_start3A = arith.constant 0 : i32
    %dma_start3A_3 = tpu.memref_slice %arg12[%mul3A_2, %dma_start3A] : memref<10112x128xf32, #tpu.memory_space<vmem_shared>> -> memref<632x128xf32, #tpu.memory_space<vmem_shared>>
    tpu.enqueue_dma source(%arg6 : memref<632x128xf32, #tpu.memory_space<hbm>>) target(%dma_start3A_3 : memref<632x128xf32, #tpu.memory_space<vmem_shared>>) target_semaphore(%arg13 : memref<!tpu.dma_semaphore, #tpu.memory_space<semaphore_mem>>)
    %dma_start3A_4 = arith.constant 0 : i32
    %dma_start3A_5 = arith.constant 0 : i32
    %dma_start3A_6 = tpu.memref_slice %arg3[%add3A, %dma_start3A_4, %dma_start3A_5] : memref<32x82x128xi32, #tpu.memory_space<hbm>> -> memref<1x82x128xi32, #tpu.memory_space<hbm>>
    %dma_start3A_7 = tpu.memref_squeeze %dma_start3A_6 : memref<1x82x128xi32, #tpu.memory_space<hbm>> -> memref<82x128xi32, #tpu.memory_space<hbm>>
    %dma_start3A_8 = arith.constant 0 : i32
    %dma_start3A_9 = arith.constant 0 : i32
    %dma_start3A_10 = tpu.memref_slice %arg3[%add3A, %dma_start3A_8, %dma_start3A_9] : memref<32x82x128xi32, #tpu.memory_space<hbm>> -> memref<1x82x128xi32, #tpu.memory_space<hbm>>
    %dma_start3A_11 = tpu.memref_squeeze %dma_start3A_10 : memref<1x82x128xi32, #tpu.memory_space<hbm>> -> memref<82x128xi32, #tpu.memory_space<hbm>>
    tpu.enqueue_dma source(%dma_start3A_11 : memref<82x128xi32, #tpu.memory_space<hbm>>) target(%arg8 : memref<82x128xi32, #tpu.memory_space<vmem>>) target_semaphore(%arg14 : memref<!tpu.dma_semaphore, #tpu.memory_space<semaphore_mem>>)
    "tpu.region"() ({
      %run_scoped3A = tpu.sem_alloc : memref<!tpu.dma_semaphore, #tpu.memory_space<semaphore_mem>>
      %dma_start3A_32 = arith.constant 0 : i32
      %dma_start3A_33 = arith.constant 0 : i32
      %dma_start3A_34 = tpu.memref_slice %arg4[%add3A, %dma_start3A_32, %dma_start3A_33] : memref<32x82x128xi32, #tpu.memory_space<hbm>> -> memref<1x82x128xi32, #tpu.memory_space<hbm>>
      %dma_start3A_35 = tpu.memref_squeeze %dma_start3A_34 : memref<1x82x128xi32, #tpu.memory_space<hbm>> -> memref<82x128xi32, #tpu.memory_space<hbm>>
      %dma_start3A_36 = arith.constant 0 : i32
      %dma_start3A_37 = arith.constant 0 : i32
      %dma_start3A_38 = tpu.memref_slice %arg4[%add3A, %dma_start3A_36, %dma_start3A_37] : memref<32x82x128xi32, #tpu.memory_space<hbm>> -> memref<1x82x128xi32, #tpu.memory_space<hbm>>
      %dma_start3A_39 = tpu.memref_squeeze %dma_start3A_38 : memref<1x82x128xi32, #tpu.memory_space<hbm>> -> memref<82x128xi32, #tpu.memory_space<hbm>>
      tpu.enqueue_dma source(%dma_start3A_39 : memref<82x128xi32, #tpu.memory_space<hbm>>) target(%arg9 : memref<82x128xi32, #tpu.memory_space<vmem>>) target_semaphore(%run_scoped3A : memref<!tpu.dma_semaphore, #tpu.memory_space<semaphore_mem>>)
      %dma_wait3A_40 = arith.constant 0 : i32
      %dma_wait3A_41 = arith.constant 0 : i32
      %dma_wait3A_42 = tpu.memref_slice %arg4[%add3A, %dma_wait3A_40, %dma_wait3A_41] : memref<32x82x128xi32, #tpu.memory_space<hbm>> -> memref<1x82x128xi32, #tpu.memory_space<hbm>>
      %dma_wait3A_43 = tpu.memref_squeeze %dma_wait3A_42 : memref<1x82x128xi32, #tpu.memory_space<hbm>> -> memref<82x128xi32, #tpu.memory_space<hbm>>
      %dma_wait3A_44 = arith.constant 0 : i32
      %dma_wait3A_45 = arith.constant 0 : i32
      %dma_wait3A_46 = tpu.memref_slice %arg4[%add3A, %dma_wait3A_44, %dma_wait3A_45] : memref<32x82x128xi32, #tpu.memory_space<hbm>> -> memref<1x82x128xi32, #tpu.memory_space<hbm>>
      %dma_wait3A_47 = tpu.memref_squeeze %dma_wait3A_46 : memref<1x82x128xi32, #tpu.memory_space<hbm>> -> memref<82x128xi32, #tpu.memory_space<hbm>>
      tpu.wait_dma2 semaphore(%run_scoped3A : memref<!tpu.dma_semaphore, #tpu.memory_space<semaphore_mem>>) src(%dma_wait3A_47 : memref<82x128xi32, #tpu.memory_space<hbm>>) dst(%arg9 : memref<82x128xi32, #tpu.memory_space<vmem>>)
      tpu.yield
    }) : () -> ()
    "tpu.region"() ({
      %run_scoped3A = tpu.sem_alloc : memref<!tpu.dma_semaphore, #tpu.memory_space<semaphore_mem>>
      %dma_start3A_32 = arith.constant 0 : i32
      %dma_start3A_33 = tpu.memref_slice %arg5[%add3A, %dma_start3A_32] : memref<32x16xi32, #tpu.memory_space<hbm>> -> memref<1x16xi32, #tpu.memory_space<hbm>>
      %dma_start3A_34 = tpu.memref_squeeze %dma_start3A_33 : memref<1x16xi32, #tpu.memory_space<hbm>> -> memref<16xi32, #tpu.memory_space<hbm>>
      %dma_start3A_35 = arith.constant 0 : i32
      %dma_start3A_36 = tpu.memref_slice %arg5[%add3A, %dma_start3A_35] : memref<32x16xi32, #tpu.memory_space<hbm>> -> memref<1x16xi32, #tpu.memory_space<hbm>>
      %dma_start3A_37 = tpu.memref_squeeze %dma_start3A_36 : memref<1x16xi32, #tpu.memory_space<hbm>> -> memref<16xi32, #tpu.memory_space<hbm>>
      tpu.enqueue_dma source(%dma_start3A_37 : memref<16xi32, #tpu.memory_space<hbm>>) target(%arg11 : memref<16xi32, #tpu.memory_space<vmem>>) target_semaphore(%run_scoped3A : memref<!tpu.dma_semaphore, #tpu.memory_space<semaphore_mem>>)
      %dma_wait3A_38 = arith.constant 0 : i32
      %dma_wait3A_39 = tpu.memref_slice %arg5[%add3A, %dma_wait3A_38] : memref<32x16xi32, #tpu.memory_space<hbm>> -> memref<1x16xi32, #tpu.memory_space<hbm>>
      %dma_wait3A_40 = tpu.memref_squeeze %dma_wait3A_39 : memref<1x16xi32, #tpu.memory_space<hbm>> -> memref<16xi32, #tpu.memory_space<hbm>>
      %dma_wait3A_41 = arith.constant 0 : i32
      %dma_wait3A_42 = tpu.memref_slice %arg5[%add3A, %dma_wait3A_41] : memref<32x16xi32, #tpu.memory_space<hbm>> -> memref<1x16xi32, #tpu.memory_space<hbm>>
      %dma_wait3A_43 = tpu.memref_squeeze %dma_wait3A_42 : memref<1x16xi32, #tpu.memory_space<hbm>> -> memref<16xi32, #tpu.memory_space<hbm>>
      tpu.wait_dma2 semaphore(%run_scoped3A : memref<!tpu.dma_semaphore, #tpu.memory_space<semaphore_mem>>) src(%dma_wait3A_43 : memref<16xi32, #tpu.memory_space<hbm>>) dst(%arg11 : memref<16xi32, #tpu.memory_space<vmem>>)
      tpu.yield
    }) : () -> ()
    %get3A = arith.constant 0 : index
    %get3A_12 = tpu.vector_load %arg11[%get3A] {strides = array<i32>} : memref<16xi32, #tpu.memory_space<vmem>>, vector<16xi32>,
    %slice3A = vector.extract_strided_slice %get3A_12 {offsets = [0], sizes = [1], strides = [1]} : vector<16xi32> to vector<1xi32>
    %squeeze3A = vector.extract %slice3A[0] : i32 from vector<1xi32>
    %dma_wait3A = arith.constant 0 : i32
    %dma_wait3A_13 = arith.constant 0 : i32
    %dma_wait3A_14 = tpu.memref_slice %arg3[%add3A, %dma_wait3A, %dma_wait3A_13] : memref<32x82x128xi32, #tpu.memory_space<hbm>> -> memref<1x82x128xi32, #tpu.memory_space<hbm>>
    %dma_wait3A_15 = tpu.memref_squeeze %dma_wait3A_14 : memref<1x82x128xi32, #tpu.memory_space<hbm>> -> memref<82x128xi32, #tpu.memory_space<hbm>>
    %dma_wait3A_16 = arith.constant 0 : i32
    %dma_wait3A_17 = arith.constant 0 : i32
    %dma_wait3A_18 = tpu.memref_slice %arg3[%add3A, %dma_wait3A_16, %dma_wait3A_17] : memref<32x82x128xi32, #tpu.memory_space<hbm>> -> memref<1x82x128xi32, #tpu.memory_space<hbm>>
    %dma_wait3A_19 = tpu.memref_squeeze %dma_wait3A_18 : memref<1x82x128xi32, #tpu.memory_space<hbm>> -> memref<82x128xi32, #tpu.memory_space<hbm>>
    tpu.wait_dma2 semaphore(%arg14 : memref<!tpu.dma_semaphore, #tpu.memory_space<semaphore_mem>>) src(%dma_wait3A_19 : memref<82x128xi32, #tpu.memory_space<hbm>>) dst(%arg8 : memref<82x128xi32, #tpu.memory_space<vmem>>)
    %dma_wait3A_20 = arith.constant 0 : i32
    %dma_wait3A_21 = tpu.memref_slice %arg12[%mul3A_2, %dma_wait3A_20] : memref<10112x128xf32, #tpu.memory_space<vmem_shared>> -> memref<632x128xf32, #tpu.memory_space<vmem_shared>>
    tpu.wait_dma2 semaphore(%arg13 : memref<!tpu.dma_semaphore, #tpu.memory_space<semaphore_mem>>) src(%arg6 : memref<632x128xf32, #tpu.memory_space<hbm>>) dst(%dma_wait3A_21 : memref<632x128xf32, #tpu.memory_space<vmem_shared>>)
    %barrier3A = arith.constant 0 : index
    tpu.barrier barrier_id(%barrier3A)
    %while3A = arith.constant 0 : i32
    %while3A_22 = arith.constant 0 : i32
    %while3A_23 = arith.subi %squeeze3A, %while3A_22 : i32
    %while3A_24 = arith.addi %while3A_22, %while3A_23 : i32
    %while3A_25 = arith.constant 1 : i32
    %while3A_26 = arith.divsi %while3A_23, %while3A_25 : i32
    %while3A_27 = arith.muli %while3A_26, %while3A_25 : i32
    %while3A_28 = arith.addi %while3A_22, %while3A_27 : i32
    %while3A_29 = arith.constant 1 : i32
    scf.for %while3A_32 = %while3A_22 to %while3A_28 step %while3A_29  : i32 {
      %dma_start3A_33 = arith.constant 0 : i32
      %dma_start3A_34 = arith.constant 0 : i32
      %dma_start3A_35 = tpu.memref_slice %arg10[%dma_start3A_33, %dma_start3A_34] : memref<128x128xf32, #tpu.memory_space<vmem>> -> memref<64x128xf32, #tpu.memory_space<vmem>>
      %dma_start3A_36 = arith.constant 0 : i32
      %dma_start3A_37 = tpu.memref_slice %arg8[%while3A_32, %dma_start3A_36] : memref<82x128xi32, #tpu.memory_space<vmem>> -> memref<1x64xi32, #tpu.memory_space<vmem>>
      %dma_start3A_38 = tpu.memref_squeeze %dma_start3A_37 : memref<1x64xi32, #tpu.memory_space<vmem>> -> memref<64xi32, #tpu.memory_space<vmem>>
      %dma_start3A_39 = arith.constant 0 : i32
      %dma_start3A_40 = arith.constant 0 : i32
      %dma_start3A_41 = tpu.memref_slice %arg2[%dma_start3A_39, %dma_start3A_40] : memref<10112x128xf32, #tpu.memory_space<hbm>> -> memref<10112x128xf32, #tpu.memory_space<hbm>>
      tpu.enqueue_indirect_dma source(%dma_start3A_41 : memref<10112x128xf32, #tpu.memory_space<hbm>>) target(%dma_start3A_35 : memref<64x128xf32, #tpu.memory_space<vmem>>) offsets(%dma_start3A_38 : memref<64xi32, #tpu.memory_space<vmem>>) semaphore(%arg13 : memref<!tpu.dma_semaphore, #tpu.memory_space<semaphore_mem>>)
      %dma_start3A_42 = arith.constant 64 : i32
      %dma_start3A_43 = arith.constant 0 : i32
      %dma_start3A_44 = tpu.memref_slice %arg10[%dma_start3A_42, %dma_start3A_43] : memref<128x128xf32, #tpu.memory_space<vmem>> -> memref<64x128xf32, #tpu.memory_space<vmem>>
      %dma_start3A_45 = arith.constant 64 : i32
      %dma_start3A_46 = tpu.memref_slice %arg8[%while3A_32, %dma_start3A_45] : memref<82x128xi32, #tpu.memory_space<vmem>> -> memref<1x64xi32, #tpu.memory_space<vmem>>
      %dma_start3A_47 = tpu.memref_squeeze %dma_start3A_46 : memref<1x64xi32, #tpu.memory_space<vmem>> -> memref<64xi32, #tpu.memory_space<vmem>>
      %dma_start3A_48 = arith.constant 0 : i32
      %dma_start3A_49 = arith.constant 0 : i32
      %dma_start3A_50 = tpu.memref_slice %arg2[%dma_start3A_48, %dma_start3A_49] : memref<10112x128xf32, #tpu.memory_space<hbm>> -> memref<10112x128xf32, #tpu.memory_space<hbm>>
      tpu.enqueue_indirect_dma source(%dma_start3A_50 : memref<10112x128xf32, #tpu.memory_space<hbm>>) target(%dma_start3A_44 : memref<64x128xf32, #tpu.memory_space<vmem>>) offsets(%dma_start3A_47 : memref<64xi32, #tpu.memory_space<vmem>>) semaphore(%arg14 : memref<!tpu.dma_semaphore, #tpu.memory_space<semaphore_mem>>)
      %dma_wait3A_51 = arith.constant 0 : i32
      %dma_wait3A_52 = arith.constant 0 : i32
      %dma_wait3A_53 = tpu.memref_slice %arg10[%dma_wait3A_51, %dma_wait3A_52] : memref<128x128xf32, #tpu.memory_space<vmem>> -> memref<64x128xf32, #tpu.memory_space<vmem>>
      %dma_wait3A_54 = arith.constant 0 : i32
      %dma_wait3A_55 = tpu.memref_slice %arg8[%while3A_32, %dma_wait3A_54] : memref<82x128xi32, #tpu.memory_space<vmem>> -> memref<1x64xi32, #tpu.memory_space<vmem>>
      %dma_wait3A_56 = tpu.memref_squeeze %dma_wait3A_55 : memref<1x64xi32, #tpu.memory_space<vmem>> -> memref<64xi32, #tpu.memory_space<vmem>>
      %dma_wait3A_57 = arith.constant 0 : i32
      %dma_wait3A_58 = arith.constant 0 : i32
      %dma_wait3A_59 = tpu.memref_slice %arg2[%dma_wait3A_57, %dma_wait3A_58] : memref<10112x128xf32, #tpu.memory_space<hbm>> -> memref<10112x128xf32, #tpu.memory_space<hbm>>
      tpu.wait_indirect_dma semaphore(%arg13 : memref<!tpu.dma_semaphore, #tpu.memory_space<semaphore_mem>>) src(%dma_wait3A_59 : memref<10112x128xf32, #tpu.memory_space<hbm>>) dst(%dma_wait3A_53 : memref<64x128xf32, #tpu.memory_space<vmem>>)
      %dma_wait3A_60 = arith.constant 64 : i32
      %dma_wait3A_61 = arith.constant 0 : i32
      %dma_wait3A_62 = tpu.memref_slice %arg10[%dma_wait3A_60, %dma_wait3A_61] : memref<128x128xf32, #tpu.memory_space<vmem>> -> memref<64x128xf32, #tpu.memory_space<vmem>>
      %dma_wait3A_63 = arith.constant 64 : i32
      %dma_wait3A_64 = tpu.memref_slice %arg8[%while3A_32, %dma_wait3A_63] : memref<82x128xi32, #tpu.memory_space<vmem>> -> memref<1x64xi32, #tpu.memory_space<vmem>>
      %dma_wait3A_65 = tpu.memref_squeeze %dma_wait3A_64 : memref<1x64xi32, #tpu.memory_space<vmem>> -> memref<64xi32, #tpu.memory_space<vmem>>
      %dma_wait3A_66 = arith.constant 0 : i32
      %dma_wait3A_67 = arith.constant 0 : i32
      %dma_wait3A_68 = tpu.memref_slice %arg2[%dma_wait3A_66, %dma_wait3A_67] : memref<10112x128xf32, #tpu.memory_space<hbm>> -> memref<10112x128xf32, #tpu.memory_space<hbm>>
      tpu.wait_indirect_dma semaphore(%arg14 : memref<!tpu.dma_semaphore, #tpu.memory_space<semaphore_mem>>) src(%dma_wait3A_68 : memref<10112x128xf32, #tpu.memory_space<hbm>>) dst(%dma_wait3A_62 : memref<64x128xf32, #tpu.memory_space<vmem>>)
      "tpu.region"() ({
        %run_scoped3A = tpu.sem_alloc : memref<!tpu.dma_semaphore, #tpu.memory_space<semaphore_mem>>
        %dma_start3A_69 = arith.constant 0 : i32
        %dma_start3A_70 = tpu.memref_slice %arg9[%while3A_32, %dma_start3A_69] : memref<82x128xi32, #tpu.memory_space<vmem>> -> memref<1x128xi32, #tpu.memory_space<vmem>>
        %dma_start3A_71 = tpu.memref_squeeze %dma_start3A_70 : memref<1x128xi32, #tpu.memory_space<vmem>> -> memref<128xi32, #tpu.memory_space<vmem>>
        %dma_start3A_72 = arith.constant 0 : i32
        %dma_start3A_73 = arith.constant 0 : i32
        %dma_start3A_74 = tpu.memref_slice %arg12[%dma_start3A_72, %dma_start3A_73] : memref<10112x128xf32, #tpu.memory_space<vmem_shared>> -> memref<10112x128xf32, #tpu.memory_space<vmem_shared>>
        tpu.enqueue_indirect_dma source(%arg10 : memref<128x128xf32, #tpu.memory_space<vmem>>) target(%dma_start3A_74 : memref<10112x128xf32, #tpu.memory_space<vmem_shared>>) offsets(%dma_start3A_71 : memref<128xi32, #tpu.memory_space<vmem>>) semaphore(%run_scoped3A : memref<!tpu.dma_semaphore, #tpu.memory_space<semaphore_mem>>) {add = true}
        %dma_wait3A_75 = arith.constant 0 : i32
        %dma_wait3A_76 = tpu.memref_slice %arg9[%while3A_32, %dma_wait3A_75] : memref<82x128xi32, #tpu.memory_space<vmem>> -> memref<1x128xi32, #tpu.memory_space<vmem>>
        %dma_wait3A_77 = tpu.memref_squeeze %dma_wait3A_76 : memref<1x128xi32, #tpu.memory_space<vmem>> -> memref<128xi32, #tpu.memory_space<vmem>>
        %dma_wait3A_78 = arith.constant 0 : i32
        %dma_wait3A_79 = arith.constant 0 : i32
        %dma_wait3A_80 = tpu.memref_slice %arg12[%dma_wait3A_78, %dma_wait3A_79] : memref<10112x128xf32, #tpu.memory_space<vmem_shared>> -> memref<10112x128xf32, #tpu.memory_space<vmem_shared>>
        tpu.wait_indirect_dma semaphore(%run_scoped3A : memref<!tpu.dma_semaphore, #tpu.memory_space<semaphore_mem>>) src(%arg10 : memref<128x128xf32, #tpu.memory_space<vmem>>) dst(%dma_wait3A_80 : memref<10112x128xf32, #tpu.memory_space<vmem_shared>>)
        tpu.yield
      }) : () -> ()
    }
    %while3A_30 = arith.constant 1 : i32
    scf.for %while3A_32 = %while3A_28 to %while3A_24 step %while3A_30  : i32 {
      %dma_start3A_33 = arith.constant 0 : i32
      %dma_start3A_34 = arith.constant 0 : i32
      %dma_start3A_35 = tpu.memref_slice %arg10[%dma_start3A_33, %dma_start3A_34] : memref<128x128xf32, #tpu.memory_space<vmem>> -> memref<64x128xf32, #tpu.memory_space<vmem>>
      %dma_start3A_36 = arith.constant 0 : i32
      %dma_start3A_37 = tpu.memref_slice %arg8[%while3A_32, %dma_start3A_36] : memref<82x128xi32, #tpu.memory_space<vmem>> -> memref<1x64xi32, #tpu.memory_space<vmem>>
      %dma_start3A_38 = tpu.memref_squeeze %dma_start3A_37 : memref<1x64xi32, #tpu.memory_space<vmem>> -> memref<64xi32, #tpu.memory_space<vmem>>
      %dma_start3A_39 = arith.constant 0 : i32
      %dma_start3A_40 = arith.constant 0 : i32
      %dma_start3A_41 = tpu.memref_slice %arg2[%dma_start3A_39, %dma_start3A_40] : memref<10112x128xf32, #tpu.memory_space<hbm>> -> memref<10112x128xf32, #tpu.memory_space<hbm>>
      tpu.enqueue_indirect_dma source(%dma_start3A_41 : memref<10112x128xf32, #tpu.memory_space<hbm>>) target(%dma_start3A_35 : memref<64x128xf32, #tpu.memory_space<vmem>>) offsets(%dma_start3A_38 : memref<64xi32, #tpu.memory_space<vmem>>) semaphore(%arg13 : memref<!tpu.dma_semaphore, #tpu.memory_space<semaphore_mem>>)
      %dma_start3A_42 = arith.constant 64 : i32
      %dma_start3A_43 = arith.constant 0 : i32
      %dma_start3A_44 = tpu.memref_slice %arg10[%dma_start3A_42, %dma_start3A_43] : memref<128x128xf32, #tpu.memory_space<vmem>> -> memref<64x128xf32, #tpu.memory_space<vmem>>
      %dma_start3A_45 = arith.constant 64 : i32
      %dma_start3A_46 = tpu.memref_slice %arg8[%while3A_32, %dma_start3A_45] : memref<82x128xi32, #tpu.memory_space<vmem>> -> memref<1x64xi32, #tpu.memory_space<vmem>>
      %dma_start3A_47 = tpu.memref_squeeze %dma_start3A_46 : memref<1x64xi32, #tpu.memory_space<vmem>> -> memref<64xi32, #tpu.memory_space<vmem>>
      %dma_start3A_48 = arith.constant 0 : i32
      %dma_start3A_49 = arith.constant 0 : i32
      %dma_start3A_50 = tpu.memref_slice %arg2[%dma_start3A_48, %dma_start3A_49] : memref<10112x128xf32, #tpu.memory_space<hbm>> -> memref<10112x128xf32, #tpu.memory_space<hbm>>
      tpu.enqueue_indirect_dma source(%dma_start3A_50 : memref<10112x128xf32, #tpu.memory_space<hbm>>) target(%dma_start3A_44 : memref<64x128xf32, #tpu.memory_space<vmem>>) offsets(%dma_start3A_47 : memref<64xi32, #tpu.memory_space<vmem>>) semaphore(%arg14 : memref<!tpu.dma_semaphore, #tpu.memory_space<semaphore_mem>>)
      %dma_wait3A_51 = arith.constant 0 : i32
      %dma_wait3A_52 = arith.constant 0 : i32
      %dma_wait3A_53 = tpu.memref_slice %arg10[%dma_wait3A_51, %dma_wait3A_52] : memref<128x128xf32, #tpu.memory_space<vmem>> -> memref<64x128xf32, #tpu.memory_space<vmem>>
      %dma_wait3A_54 = arith.constant 0 : i32
      %dma_wait3A_55 = tpu.memref_slice %arg8[%while3A_32, %dma_wait3A_54] : memref<82x128xi32, #tpu.memory_space<vmem>> -> memref<1x64xi32, #tpu.memory_space<vmem>>
      %dma_wait3A_56 = tpu.memref_squeeze %dma_wait3A_55 : memref<1x64xi32, #tpu.memory_space<vmem>> -> memref<64xi32, #tpu.memory_space<vmem>>
      %dma_wait3A_57 = arith.constant 0 : i32
      %dma_wait3A_58 = arith.constant 0 : i32
      %dma_wait3A_59 = tpu.memref_slice %arg2[%dma_wait3A_57, %dma_wait3A_58] : memref<10112x128xf32, #tpu.memory_space<hbm>> -> memref<10112x128xf32, #tpu.memory_space<hbm>>
      tpu.wait_indirect_dma semaphore(%arg13 : memref<!tpu.dma_semaphore, #tpu.memory_space<semaphore_mem>>) src(%dma_wait3A_59 : memref<10112x128xf32, #tpu.memory_space<hbm>>) dst(%dma_wait3A_53 : memref<64x128xf32, #tpu.memory_space<vmem>>)
      %dma_wait3A_60 = arith.constant 64 : i32
      %dma_wait3A_61 = arith.constant 0 : i32
      %dma_wait3A_62 = tpu.memref_slice %arg10[%dma_wait3A_60, %dma_wait3A_61] : memref<128x128xf32, #tpu.memory_space<vmem>> -> memref<64x128xf32, #tpu.memory_space<vmem>>
      %dma_wait3A_63 = arith.constant 64 : i32
      %dma_wait3A_64 = tpu.memref_slice %arg8[%while3A_32, %dma_wait3A_63] : memref<82x128xi32, #tpu.memory_space<vmem>> -> memref<1x64xi32, #tpu.memory_space<vmem>>
      %dma_wait3A_65 = tpu.memref_squeeze %dma_wait3A_64 : memref<1x64xi32, #tpu.memory_space<vmem>> -> memref<64xi32, #tpu.memory_space<vmem>>
      %dma_wait3A_66 = arith.constant 0 : i32
      %dma_wait3A_67 = arith.constant 0 : i32
      %dma_wait3A_68 = tpu.memref_slice %arg2[%dma_wait3A_66, %dma_wait3A_67] : memref<10112x128xf32, #tpu.memory_space<hbm>> -> memref<10112x128xf32, #tpu.memory_space<hbm>>
      tpu.wait_indirect_dma semaphore(%arg14 : memref<!tpu.dma_semaphore, #tpu.memory_space<semaphore_mem>>) src(%dma_wait3A_68 : memref<10112x128xf32, #tpu.memory_space<hbm>>) dst(%dma_wait3A_62 : memref<64x128xf32, #tpu.memory_space<vmem>>)
      "tpu.region"() ({
        %run_scoped3A = tpu.sem_alloc : memref<!tpu.dma_semaphore, #tpu.memory_space<semaphore_mem>>
        %dma_start3A_69 = arith.constant 0 : i32
        %dma_start3A_70 = tpu.memref_slice %arg9[%while3A_32, %dma_start3A_69] : memref<82x128xi32, #tpu.memory_space<vmem>> -> memref<1x128xi32, #tpu.memory_space<vmem>>
        %dma_start3A_71 = tpu.memref_squeeze %dma_start3A_70 : memref<1x128xi32, #tpu.memory_space<vmem>> -> memref<128xi32, #tpu.memory_space<vmem>>
        %dma_start3A_72 = arith.constant 0 : i32
        %dma_start3A_73 = arith.constant 0 : i32
        %dma_start3A_74 = tpu.memref_slice %arg12[%dma_start3A_72, %dma_start3A_73] : memref<10112x128xf32, #tpu.memory_space<vmem_shared>> -> memref<10112x128xf32, #tpu.memory_space<vmem_shared>>
        tpu.enqueue_indirect_dma source(%arg10 : memref<128x128xf32, #tpu.memory_space<vmem>>) target(%dma_start3A_74 : memref<10112x128xf32, #tpu.memory_space<vmem_shared>>) offsets(%dma_start3A_71 : memref<128xi32, #tpu.memory_space<vmem>>) semaphore(%run_scoped3A : memref<!tpu.dma_semaphore, #tpu.memory_space<semaphore_mem>>) {add = true}
        %dma_wait3A_75 = arith.constant 0 : i32
        %dma_wait3A_76 = tpu.memref_slice %arg9[%while3A_32, %dma_wait3A_75] : memref<82x128xi32, #tpu.memory_space<vmem>> -> memref<1x128xi32, #tpu.memory_space<vmem>>
        %dma_wait3A_77 = tpu.memref_squeeze %dma_wait3A_76 : memref<1x128xi32, #tpu.memory_space<vmem>> -> memref<128xi32, #tpu.memory_space<vmem>>
        %dma_wait3A_78 = arith.constant 0 : i32
        %dma_wait3A_79 = arith.constant 0 : i32
        %dma_wait3A_80 = tpu.memref_slice %arg12[%dma_wait3A_78, %dma_wait3A_79] : memref<10112x128xf32, #tpu.memory_space<vmem_shared>> -> memref<10112x128xf32, #tpu.memory_space<vmem_shared>>
        tpu.wait_indirect_dma semaphore(%run_scoped3A : memref<!tpu.dma_semaphore, #tpu.memory_space<semaphore_mem>>) src(%arg10 : memref<128x128xf32, #tpu.memory_space<vmem>>) dst(%dma_wait3A_80 : memref<10112x128xf32, #tpu.memory_space<vmem_shared>>)
        tpu.yield
      }) : () -> ()
    }
    %barrier3A_31 = arith.constant 0 : index
    tpu.barrier barrier_id(%barrier3A_31)
    "tpu.region"() ({
      %run_scoped3A = tpu.sem_alloc : memref<!tpu.dma_semaphore, #tpu.memory_space<semaphore_mem>>
      %dma_start3A_32 = arith.constant 0 : i32
      %dma_start3A_33 = arith.constant 0 : i32
      %dma_start3A_34 = tpu.memref_slice %arg7[%arg0, %dma_start3A_32, %dma_start3A_33] : memref<2x10112x128xf32, #tpu.memory_space<hbm>> -> memref<1x10112x128xf32, #tpu.memory_space<hbm>>
      %dma_start3A_35 = tpu.memref_squeeze %dma_start3A_34 : memref<1x10112x128xf32, #tpu.memory_space<hbm>> -> memref<10112x128xf32, #tpu.memory_space<hbm>>
      %dma_start3A_36 = arith.constant 0 : i32
      %dma_start3A_37 = tpu.memref_slice %dma_start3A_35[%mul3A_2, %dma_start3A_36] : memref<10112x128xf32, #tpu.memory_space<hbm>> -> memref<632x128xf32, #tpu.memory_space<hbm>>
      %dma_start3A_38 = arith.constant 0 : i32
      %dma_start3A_39 = tpu.memref_slice %arg12[%mul3A_2, %dma_start3A_38] : memref<10112x128xf32, #tpu.memory_space<vmem_shared>> -> memref<632x128xf32, #tpu.memory_space<vmem_shared>>
      tpu.enqueue_dma source(%dma_start3A_39 : memref<632x128xf32, #tpu.memory_space<vmem_shared>>) target(%dma_start3A_37 : memref<632x128xf32, #tpu.memory_space<hbm>>) target_semaphore(%run_scoped3A : memref<!tpu.dma_semaphore, #tpu.memory_space<semaphore_mem>>)
      %dma_wait3A_40 = arith.constant 0 : i32
      %dma_wait3A_41 = arith.constant 0 : i32
      %dma_wait3A_42 = tpu.memref_slice %arg7[%arg0, %dma_wait3A_40, %dma_wait3A_41] : memref<2x10112x128xf32, #tpu.memory_space<hbm>> -> memref<1x10112x128xf32, #tpu.memory_space<hbm>>
      %dma_wait3A_43 = tpu.memref_squeeze %dma_wait3A_42 : memref<1x10112x128xf32, #tpu.memory_space<hbm>> -> memref<10112x128xf32, #tpu.memory_space<hbm>>
      %dma_wait3A_44 = arith.constant 0 : i32
      %dma_wait3A_45 = tpu.memref_slice %dma_wait3A_43[%mul3A_2, %dma_wait3A_44] : memref<10112x128xf32, #tpu.memory_space<hbm>> -> memref<632x128xf32, #tpu.memory_space<hbm>>
      %dma_wait3A_46 = arith.constant 0 : i32
      %dma_wait3A_47 = tpu.memref_slice %arg12[%mul3A_2, %dma_wait3A_46] : memref<10112x128xf32, #tpu.memory_space<vmem_shared>> -> memref<632x128xf32, #tpu.memory_space<vmem_shared>>
      tpu.wait_dma2 semaphore(%run_scoped3A : memref<!tpu.dma_semaphore, #tpu.memory_space<semaphore_mem>>) src(%dma_wait3A_47 : memref<632x128xf32, #tpu.memory_space<vmem_shared>>) dst(%dma_wait3A_45 : memref<632x128xf32, #tpu.memory_space<hbm>>)
      tpu.yield
    }) : () -> ()
    return
  }
}

#map = affine_map<(d0, d1) -> (0, 0)>
#map1 = affine_map<(d0, d1) -> (0, 0, 0)>
module attributes {stable_mosaic.version = 14 : i64} {
  func.func @_k3_msg(%arg0: i32, %arg1: i32, %arg2: memref<10112x128xf32, #tpu.memory_space<hbm>>, %arg3: memref<32x82x128xi32, #tpu.memory_space<hbm>>, %arg4: memref<32x82x128xi32, #tpu.memory_space<hbm>>, %arg5: memref<32x16xi32, #tpu.memory_space<hbm>>, %arg6: memref<632x128xf32, #tpu.memory_space<hbm>>, %arg7: memref<2x10112x128xf32, #tpu.memory_space<hbm>>, %arg8: memref<82x128xi32, #tpu.memory_space<vmem>>, %arg9: memref<82x128xi32, #tpu.memory_space<vmem>>, %arg10: memref<128x128xf32, #tpu.memory_space<vmem>>, %arg11: memref<16xi32, #tpu.memory_space<vmem>>, %arg12: memref<10112x128xf32, #tpu.memory_space<vmem_shared>>, %arg13: memref<!tpu.dma_semaphore, #tpu.memory_space<semaphore_mem>>, %arg14: memref<!tpu.dma_semaphore, #tpu.memory_space<semaphore_mem>>) attributes {dimension_semantics = [#tpu.dimension_semantics<core_parallel>, #tpu.dimension_semantics<subcore_parallel>], iteration_bounds = array<i64: 2, 16>, scalar_prefetch = 0 : i64, scratch_operands = 7 : i64, tpu.core_type = #tpu.core_type<sc_vector_subcore>, window_params = [{transform_indices = #map}, {transform_indices = #map1}, {transform_indices = #map1}, {transform_indices = #map}, {transform_indices = #map}, {transform_indices = #map1}]} {
    %mul3A = arith.constant 16 : i32
    %mul3A_0 = arith.muli %arg0, %mul3A : i32
    %add3A = arith.addi %mul3A_0, %arg1 : i32
    %mul3A_1 = arith.constant 632 : i32
    %mul3A_2 = arith.muli %arg1, %mul3A_1 : i32
    %dma_start3A = arith.constant 0 : i32
    %dma_start3A_3 = tpu.memref_slice %arg12[%mul3A_2, %dma_start3A] : memref<10112x128xf32, #tpu.memory_space<vmem_shared>> -> memref<632x128xf32, #tpu.memory_space<vmem_shared>>
    tpu.enqueue_dma source(%arg6 : memref<632x128xf32, #tpu.memory_space<hbm>>) target(%dma_start3A_3 : memref<632x128xf32, #tpu.memory_space<vmem_shared>>) target_semaphore(%arg13 : memref<!tpu.dma_semaphore, #tpu.memory_space<semaphore_mem>>)
    %dma_start3A_4 = arith.constant 0 : i32
    %dma_start3A_5 = arith.constant 0 : i32
    %dma_start3A_6 = tpu.memref_slice %arg3[%add3A, %dma_start3A_4, %dma_start3A_5] : memref<32x82x128xi32, #tpu.memory_space<hbm>> -> memref<1x82x128xi32, #tpu.memory_space<hbm>>
    %dma_start3A_7 = tpu.memref_squeeze %dma_start3A_6 : memref<1x82x128xi32, #tpu.memory_space<hbm>> -> memref<82x128xi32, #tpu.memory_space<hbm>>
    %dma_start3A_8 = arith.constant 0 : i32
    %dma_start3A_9 = arith.constant 0 : i32
    %dma_start3A_10 = tpu.memref_slice %arg3[%add3A, %dma_start3A_8, %dma_start3A_9] : memref<32x82x128xi32, #tpu.memory_space<hbm>> -> memref<1x82x128xi32, #tpu.memory_space<hbm>>
    %dma_start3A_11 = tpu.memref_squeeze %dma_start3A_10 : memref<1x82x128xi32, #tpu.memory_space<hbm>> -> memref<82x128xi32, #tpu.memory_space<hbm>>
    tpu.enqueue_dma source(%dma_start3A_11 : memref<82x128xi32, #tpu.memory_space<hbm>>) target(%arg8 : memref<82x128xi32, #tpu.memory_space<vmem>>) target_semaphore(%arg14 : memref<!tpu.dma_semaphore, #tpu.memory_space<semaphore_mem>>)
    "tpu.region"() ({
      %run_scoped3A = tpu.sem_alloc : memref<!tpu.dma_semaphore, #tpu.memory_space<semaphore_mem>>
      %dma_start3A_32 = arith.constant 0 : i32
      %dma_start3A_33 = arith.constant 0 : i32
      %dma_start3A_34 = tpu.memref_slice %arg4[%add3A, %dma_start3A_32, %dma_start3A_33] : memref<32x82x128xi32, #tpu.memory_space<hbm>> -> memref<1x82x128xi32, #tpu.memory_space<hbm>>
      %dma_start3A_35 = tpu.memref_squeeze %dma_start3A_34 : memref<1x82x128xi32, #tpu.memory_space<hbm>> -> memref<82x128xi32, #tpu.memory_space<hbm>>
      %dma_start3A_36 = arith.constant 0 : i32
      %dma_start3A_37 = arith.constant 0 : i32
      %dma_start3A_38 = tpu.memref_slice %arg4[%add3A, %dma_start3A_36, %dma_start3A_37] : memref<32x82x128xi32, #tpu.memory_space<hbm>> -> memref<1x82x128xi32, #tpu.memory_space<hbm>>
      %dma_start3A_39 = tpu.memref_squeeze %dma_start3A_38 : memref<1x82x128xi32, #tpu.memory_space<hbm>> -> memref<82x128xi32, #tpu.memory_space<hbm>>
      tpu.enqueue_dma source(%dma_start3A_39 : memref<82x128xi32, #tpu.memory_space<hbm>>) target(%arg9 : memref<82x128xi32, #tpu.memory_space<vmem>>) target_semaphore(%run_scoped3A : memref<!tpu.dma_semaphore, #tpu.memory_space<semaphore_mem>>)
      %dma_wait3A_40 = arith.constant 0 : i32
      %dma_wait3A_41 = arith.constant 0 : i32
      %dma_wait3A_42 = tpu.memref_slice %arg4[%add3A, %dma_wait3A_40, %dma_wait3A_41] : memref<32x82x128xi32, #tpu.memory_space<hbm>> -> memref<1x82x128xi32, #tpu.memory_space<hbm>>
      %dma_wait3A_43 = tpu.memref_squeeze %dma_wait3A_42 : memref<1x82x128xi32, #tpu.memory_space<hbm>> -> memref<82x128xi32, #tpu.memory_space<hbm>>
      %dma_wait3A_44 = arith.constant 0 : i32
      %dma_wait3A_45 = arith.constant 0 : i32
      %dma_wait3A_46 = tpu.memref_slice %arg4[%add3A, %dma_wait3A_44, %dma_wait3A_45] : memref<32x82x128xi32, #tpu.memory_space<hbm>> -> memref<1x82x128xi32, #tpu.memory_space<hbm>>
      %dma_wait3A_47 = tpu.memref_squeeze %dma_wait3A_46 : memref<1x82x128xi32, #tpu.memory_space<hbm>> -> memref<82x128xi32, #tpu.memory_space<hbm>>
      tpu.wait_dma2 semaphore(%run_scoped3A : memref<!tpu.dma_semaphore, #tpu.memory_space<semaphore_mem>>) src(%dma_wait3A_47 : memref<82x128xi32, #tpu.memory_space<hbm>>) dst(%arg9 : memref<82x128xi32, #tpu.memory_space<vmem>>)
      tpu.yield
    }) : () -> ()
    "tpu.region"() ({
      %run_scoped3A = tpu.sem_alloc : memref<!tpu.dma_semaphore, #tpu.memory_space<semaphore_mem>>
      %dma_start3A_32 = arith.constant 0 : i32
      %dma_start3A_33 = tpu.memref_slice %arg5[%add3A, %dma_start3A_32] : memref<32x16xi32, #tpu.memory_space<hbm>> -> memref<1x16xi32, #tpu.memory_space<hbm>>
      %dma_start3A_34 = tpu.memref_squeeze %dma_start3A_33 : memref<1x16xi32, #tpu.memory_space<hbm>> -> memref<16xi32, #tpu.memory_space<hbm>>
      %dma_start3A_35 = arith.constant 0 : i32
      %dma_start3A_36 = tpu.memref_slice %arg5[%add3A, %dma_start3A_35] : memref<32x16xi32, #tpu.memory_space<hbm>> -> memref<1x16xi32, #tpu.memory_space<hbm>>
      %dma_start3A_37 = tpu.memref_squeeze %dma_start3A_36 : memref<1x16xi32, #tpu.memory_space<hbm>> -> memref<16xi32, #tpu.memory_space<hbm>>
      tpu.enqueue_dma source(%dma_start3A_37 : memref<16xi32, #tpu.memory_space<hbm>>) target(%arg11 : memref<16xi32, #tpu.memory_space<vmem>>) target_semaphore(%run_scoped3A : memref<!tpu.dma_semaphore, #tpu.memory_space<semaphore_mem>>)
      %dma_wait3A_38 = arith.constant 0 : i32
      %dma_wait3A_39 = tpu.memref_slice %arg5[%add3A, %dma_wait3A_38] : memref<32x16xi32, #tpu.memory_space<hbm>> -> memref<1x16xi32, #tpu.memory_space<hbm>>
      %dma_wait3A_40 = tpu.memref_squeeze %dma_wait3A_39 : memref<1x16xi32, #tpu.memory_space<hbm>> -> memref<16xi32, #tpu.memory_space<hbm>>
      %dma_wait3A_41 = arith.constant 0 : i32
      %dma_wait3A_42 = tpu.memref_slice %arg5[%add3A, %dma_wait3A_41] : memref<32x16xi32, #tpu.memory_space<hbm>> -> memref<1x16xi32, #tpu.memory_space<hbm>>
      %dma_wait3A_43 = tpu.memref_squeeze %dma_wait3A_42 : memref<1x16xi32, #tpu.memory_space<hbm>> -> memref<16xi32, #tpu.memory_space<hbm>>
      tpu.wait_dma2 semaphore(%run_scoped3A : memref<!tpu.dma_semaphore, #tpu.memory_space<semaphore_mem>>) src(%dma_wait3A_43 : memref<16xi32, #tpu.memory_space<hbm>>) dst(%arg11 : memref<16xi32, #tpu.memory_space<vmem>>)
      tpu.yield
    }) : () -> ()
    %get3A = arith.constant 0 : index
    %get3A_12 = tpu.vector_load %arg11[%get3A] {strides = array<i32>} : memref<16xi32, #tpu.memory_space<vmem>>, vector<16xi32>,
    %slice3A = vector.extract_strided_slice %get3A_12 {offsets = [0], sizes = [1], strides = [1]} : vector<16xi32> to vector<1xi32>
    %squeeze3A = vector.extract %slice3A[0] : i32 from vector<1xi32>
    %dma_wait3A = arith.constant 0 : i32
    %dma_wait3A_13 = arith.constant 0 : i32
    %dma_wait3A_14 = tpu.memref_slice %arg3[%add3A, %dma_wait3A, %dma_wait3A_13] : memref<32x82x128xi32, #tpu.memory_space<hbm>> -> memref<1x82x128xi32, #tpu.memory_space<hbm>>
    %dma_wait3A_15 = tpu.memref_squeeze %dma_wait3A_14 : memref<1x82x128xi32, #tpu.memory_space<hbm>> -> memref<82x128xi32, #tpu.memory_space<hbm>>
    %dma_wait3A_16 = arith.constant 0 : i32
    %dma_wait3A_17 = arith.constant 0 : i32
    %dma_wait3A_18 = tpu.memref_slice %arg3[%add3A, %dma_wait3A_16, %dma_wait3A_17] : memref<32x82x128xi32, #tpu.memory_space<hbm>> -> memref<1x82x128xi32, #tpu.memory_space<hbm>>
    %dma_wait3A_19 = tpu.memref_squeeze %dma_wait3A_18 : memref<1x82x128xi32, #tpu.memory_space<hbm>> -> memref<82x128xi32, #tpu.memory_space<hbm>>
    tpu.wait_dma2 semaphore(%arg14 : memref<!tpu.dma_semaphore, #tpu.memory_space<semaphore_mem>>) src(%dma_wait3A_19 : memref<82x128xi32, #tpu.memory_space<hbm>>) dst(%arg8 : memref<82x128xi32, #tpu.memory_space<vmem>>)
    %dma_wait3A_20 = arith.constant 0 : i32
    %dma_wait3A_21 = tpu.memref_slice %arg12[%mul3A_2, %dma_wait3A_20] : memref<10112x128xf32, #tpu.memory_space<vmem_shared>> -> memref<632x128xf32, #tpu.memory_space<vmem_shared>>
    tpu.wait_dma2 semaphore(%arg13 : memref<!tpu.dma_semaphore, #tpu.memory_space<semaphore_mem>>) src(%arg6 : memref<632x128xf32, #tpu.memory_space<hbm>>) dst(%dma_wait3A_21 : memref<632x128xf32, #tpu.memory_space<vmem_shared>>)
    %barrier3A = arith.constant 0 : index
    tpu.barrier barrier_id(%barrier3A)
    %while3A = arith.constant 0 : i32
    %while3A_22 = arith.constant 0 : i32
    %while3A_23 = arith.subi %squeeze3A, %while3A_22 : i32
    %while3A_24 = arith.addi %while3A_22, %while3A_23 : i32
    %while3A_25 = arith.constant 1 : i32
    %while3A_26 = arith.divsi %while3A_23, %while3A_25 : i32
    %while3A_27 = arith.muli %while3A_26, %while3A_25 : i32
    %while3A_28 = arith.addi %while3A_22, %while3A_27 : i32
    %while3A_29 = arith.constant 1 : i32
    scf.for %while3A_32 = %while3A_22 to %while3A_28 step %while3A_29  : i32 {
      %dma_start3A_33 = arith.constant 0 : i32
      %dma_start3A_34 = arith.constant 0 : i32
      %dma_start3A_35 = tpu.memref_slice %arg10[%dma_start3A_33, %dma_start3A_34] : memref<128x128xf32, #tpu.memory_space<vmem>> -> memref<64x128xf32, #tpu.memory_space<vmem>>
      %dma_start3A_36 = arith.constant 0 : i32
      %dma_start3A_37 = tpu.memref_slice %arg8[%while3A_32, %dma_start3A_36] : memref<82x128xi32, #tpu.memory_space<vmem>> -> memref<1x64xi32, #tpu.memory_space<vmem>>
      %dma_start3A_38 = tpu.memref_squeeze %dma_start3A_37 : memref<1x64xi32, #tpu.memory_space<vmem>> -> memref<64xi32, #tpu.memory_space<vmem>>
      %dma_start3A_39 = arith.constant 0 : i32
      %dma_start3A_40 = arith.constant 0 : i32
      %dma_start3A_41 = tpu.memref_slice %arg2[%dma_start3A_39, %dma_start3A_40] : memref<10112x128xf32, #tpu.memory_space<hbm>> -> memref<10112x128xf32, #tpu.memory_space<hbm>>
      tpu.enqueue_indirect_dma source(%dma_start3A_41 : memref<10112x128xf32, #tpu.memory_space<hbm>>) target(%dma_start3A_35 : memref<64x128xf32, #tpu.memory_space<vmem>>) offsets(%dma_start3A_38 : memref<64xi32, #tpu.memory_space<vmem>>) semaphore(%arg13 : memref<!tpu.dma_semaphore, #tpu.memory_space<semaphore_mem>>)
      %dma_start3A_42 = arith.constant 64 : i32
      %dma_start3A_43 = arith.constant 0 : i32
      %dma_start3A_44 = tpu.memref_slice %arg10[%dma_start3A_42, %dma_start3A_43] : memref<128x128xf32, #tpu.memory_space<vmem>> -> memref<64x128xf32, #tpu.memory_space<vmem>>
      %dma_start3A_45 = arith.constant 64 : i32
      %dma_start3A_46 = tpu.memref_slice %arg8[%while3A_32, %dma_start3A_45] : memref<82x128xi32, #tpu.memory_space<vmem>> -> memref<1x64xi32, #tpu.memory_space<vmem>>
      %dma_start3A_47 = tpu.memref_squeeze %dma_start3A_46 : memref<1x64xi32, #tpu.memory_space<vmem>> -> memref<64xi32, #tpu.memory_space<vmem>>
      %dma_start3A_48 = arith.constant 0 : i32
      %dma_start3A_49 = arith.constant 0 : i32
      %dma_start3A_50 = tpu.memref_slice %arg2[%dma_start3A_48, %dma_start3A_49] : memref<10112x128xf32, #tpu.memory_space<hbm>> -> memref<10112x128xf32, #tpu.memory_space<hbm>>
      tpu.enqueue_indirect_dma source(%dma_start3A_50 : memref<10112x128xf32, #tpu.memory_space<hbm>>) target(%dma_start3A_44 : memref<64x128xf32, #tpu.memory_space<vmem>>) offsets(%dma_start3A_47 : memref<64xi32, #tpu.memory_space<vmem>>) semaphore(%arg14 : memref<!tpu.dma_semaphore, #tpu.memory_space<semaphore_mem>>)
      %dma_wait3A_51 = arith.constant 0 : i32
      %dma_wait3A_52 = arith.constant 0 : i32
      %dma_wait3A_53 = tpu.memref_slice %arg10[%dma_wait3A_51, %dma_wait3A_52] : memref<128x128xf32, #tpu.memory_space<vmem>> -> memref<64x128xf32, #tpu.memory_space<vmem>>
      %dma_wait3A_54 = arith.constant 0 : i32
      %dma_wait3A_55 = tpu.memref_slice %arg8[%while3A_32, %dma_wait3A_54] : memref<82x128xi32, #tpu.memory_space<vmem>> -> memref<1x64xi32, #tpu.memory_space<vmem>>
      %dma_wait3A_56 = tpu.memref_squeeze %dma_wait3A_55 : memref<1x64xi32, #tpu.memory_space<vmem>> -> memref<64xi32, #tpu.memory_space<vmem>>
      %dma_wait3A_57 = arith.constant 0 : i32
      %dma_wait3A_58 = arith.constant 0 : i32
      %dma_wait3A_59 = tpu.memref_slice %arg2[%dma_wait3A_57, %dma_wait3A_58] : memref<10112x128xf32, #tpu.memory_space<hbm>> -> memref<10112x128xf32, #tpu.memory_space<hbm>>
      tpu.wait_indirect_dma semaphore(%arg13 : memref<!tpu.dma_semaphore, #tpu.memory_space<semaphore_mem>>) src(%dma_wait3A_59 : memref<10112x128xf32, #tpu.memory_space<hbm>>) dst(%dma_wait3A_53 : memref<64x128xf32, #tpu.memory_space<vmem>>)
      %dma_wait3A_60 = arith.constant 64 : i32
      %dma_wait3A_61 = arith.constant 0 : i32
      %dma_wait3A_62 = tpu.memref_slice %arg10[%dma_wait3A_60, %dma_wait3A_61] : memref<128x128xf32, #tpu.memory_space<vmem>> -> memref<64x128xf32, #tpu.memory_space<vmem>>
      %dma_wait3A_63 = arith.constant 64 : i32
      %dma_wait3A_64 = tpu.memref_slice %arg8[%while3A_32, %dma_wait3A_63] : memref<82x128xi32, #tpu.memory_space<vmem>> -> memref<1x64xi32, #tpu.memory_space<vmem>>
      %dma_wait3A_65 = tpu.memref_squeeze %dma_wait3A_64 : memref<1x64xi32, #tpu.memory_space<vmem>> -> memref<64xi32, #tpu.memory_space<vmem>>
      %dma_wait3A_66 = arith.constant 0 : i32
      %dma_wait3A_67 = arith.constant 0 : i32
      %dma_wait3A_68 = tpu.memref_slice %arg2[%dma_wait3A_66, %dma_wait3A_67] : memref<10112x128xf32, #tpu.memory_space<hbm>> -> memref<10112x128xf32, #tpu.memory_space<hbm>>
      tpu.wait_indirect_dma semaphore(%arg14 : memref<!tpu.dma_semaphore, #tpu.memory_space<semaphore_mem>>) src(%dma_wait3A_68 : memref<10112x128xf32, #tpu.memory_space<hbm>>) dst(%dma_wait3A_62 : memref<64x128xf32, #tpu.memory_space<vmem>>)
      "tpu.region"() ({
        %run_scoped3A = tpu.sem_alloc : memref<!tpu.dma_semaphore, #tpu.memory_space<semaphore_mem>>
        %dma_start3A_69 = arith.constant 0 : i32
        %dma_start3A_70 = tpu.memref_slice %arg9[%while3A_32, %dma_start3A_69] : memref<82x128xi32, #tpu.memory_space<vmem>> -> memref<1x128xi32, #tpu.memory_space<vmem>>
        %dma_start3A_71 = tpu.memref_squeeze %dma_start3A_70 : memref<1x128xi32, #tpu.memory_space<vmem>> -> memref<128xi32, #tpu.memory_space<vmem>>
        %dma_start3A_72 = arith.constant 0 : i32
        %dma_start3A_73 = arith.constant 0 : i32
        %dma_start3A_74 = tpu.memref_slice %arg12[%dma_start3A_72, %dma_start3A_73] : memref<10112x128xf32, #tpu.memory_space<vmem_shared>> -> memref<10112x128xf32, #tpu.memory_space<vmem_shared>>
        tpu.enqueue_indirect_dma source(%arg10 : memref<128x128xf32, #tpu.memory_space<vmem>>) target(%dma_start3A_74 : memref<10112x128xf32, #tpu.memory_space<vmem_shared>>) offsets(%dma_start3A_71 : memref<128xi32, #tpu.memory_space<vmem>>) semaphore(%run_scoped3A : memref<!tpu.dma_semaphore, #tpu.memory_space<semaphore_mem>>) {add = true}
        %dma_wait3A_75 = arith.constant 0 : i32
        %dma_wait3A_76 = tpu.memref_slice %arg9[%while3A_32, %dma_wait3A_75] : memref<82x128xi32, #tpu.memory_space<vmem>> -> memref<1x128xi32, #tpu.memory_space<vmem>>
        %dma_wait3A_77 = tpu.memref_squeeze %dma_wait3A_76 : memref<1x128xi32, #tpu.memory_space<vmem>> -> memref<128xi32, #tpu.memory_space<vmem>>
        %dma_wait3A_78 = arith.constant 0 : i32
        %dma_wait3A_79 = arith.constant 0 : i32
        %dma_wait3A_80 = tpu.memref_slice %arg12[%dma_wait3A_78, %dma_wait3A_79] : memref<10112x128xf32, #tpu.memory_space<vmem_shared>> -> memref<10112x128xf32, #tpu.memory_space<vmem_shared>>
        tpu.wait_indirect_dma semaphore(%run_scoped3A : memref<!tpu.dma_semaphore, #tpu.memory_space<semaphore_mem>>) src(%arg10 : memref<128x128xf32, #tpu.memory_space<vmem>>) dst(%dma_wait3A_80 : memref<10112x128xf32, #tpu.memory_space<vmem_shared>>)
        tpu.yield
      }) : () -> ()
    }
    %while3A_30 = arith.constant 1 : i32
    scf.for %while3A_32 = %while3A_28 to %while3A_24 step %while3A_30  : i32 {
      %dma_start3A_33 = arith.constant 0 : i32
      %dma_start3A_34 = arith.constant 0 : i32
      %dma_start3A_35 = tpu.memref_slice %arg10[%dma_start3A_33, %dma_start3A_34] : memref<128x128xf32, #tpu.memory_space<vmem>> -> memref<64x128xf32, #tpu.memory_space<vmem>>
      %dma_start3A_36 = arith.constant 0 : i32
      %dma_start3A_37 = tpu.memref_slice %arg8[%while3A_32, %dma_start3A_36] : memref<82x128xi32, #tpu.memory_space<vmem>> -> memref<1x64xi32, #tpu.memory_space<vmem>>
      %dma_start3A_38 = tpu.memref_squeeze %dma_start3A_37 : memref<1x64xi32, #tpu.memory_space<vmem>> -> memref<64xi32, #tpu.memory_space<vmem>>
      %dma_start3A_39 = arith.constant 0 : i32
      %dma_start3A_40 = arith.constant 0 : i32
      %dma_start3A_41 = tpu.memref_slice %arg2[%dma_start3A_39, %dma_start3A_40] : memref<10112x128xf32, #tpu.memory_space<hbm>> -> memref<10112x128xf32, #tpu.memory_space<hbm>>
      tpu.enqueue_indirect_dma source(%dma_start3A_41 : memref<10112x128xf32, #tpu.memory_space<hbm>>) target(%dma_start3A_35 : memref<64x128xf32, #tpu.memory_space<vmem>>) offsets(%dma_start3A_38 : memref<64xi32, #tpu.memory_space<vmem>>) semaphore(%arg13 : memref<!tpu.dma_semaphore, #tpu.memory_space<semaphore_mem>>)
      %dma_start3A_42 = arith.constant 64 : i32
      %dma_start3A_43 = arith.constant 0 : i32
      %dma_start3A_44 = tpu.memref_slice %arg10[%dma_start3A_42, %dma_start3A_43] : memref<128x128xf32, #tpu.memory_space<vmem>> -> memref<64x128xf32, #tpu.memory_space<vmem>>
      %dma_start3A_45 = arith.constant 64 : i32
      %dma_start3A_46 = tpu.memref_slice %arg8[%while3A_32, %dma_start3A_45] : memref<82x128xi32, #tpu.memory_space<vmem>> -> memref<1x64xi32, #tpu.memory_space<vmem>>
      %dma_start3A_47 = tpu.memref_squeeze %dma_start3A_46 : memref<1x64xi32, #tpu.memory_space<vmem>> -> memref<64xi32, #tpu.memory_space<vmem>>
      %dma_start3A_48 = arith.constant 0 : i32
      %dma_start3A_49 = arith.constant 0 : i32
      %dma_start3A_50 = tpu.memref_slice %arg2[%dma_start3A_48, %dma_start3A_49] : memref<10112x128xf32, #tpu.memory_space<hbm>> -> memref<10112x128xf32, #tpu.memory_space<hbm>>
      tpu.enqueue_indirect_dma source(%dma_start3A_50 : memref<10112x128xf32, #tpu.memory_space<hbm>>) target(%dma_start3A_44 : memref<64x128xf32, #tpu.memory_space<vmem>>) offsets(%dma_start3A_47 : memref<64xi32, #tpu.memory_space<vmem>>) semaphore(%arg14 : memref<!tpu.dma_semaphore, #tpu.memory_space<semaphore_mem>>)
      %dma_wait3A_51 = arith.constant 0 : i32
      %dma_wait3A_52 = arith.constant 0 : i32
      %dma_wait3A_53 = tpu.memref_slice %arg10[%dma_wait3A_51, %dma_wait3A_52] : memref<128x128xf32, #tpu.memory_space<vmem>> -> memref<64x128xf32, #tpu.memory_space<vmem>>
      %dma_wait3A_54 = arith.constant 0 : i32
      %dma_wait3A_55 = tpu.memref_slice %arg8[%while3A_32, %dma_wait3A_54] : memref<82x128xi32, #tpu.memory_space<vmem>> -> memref<1x64xi32, #tpu.memory_space<vmem>>
      %dma_wait3A_56 = tpu.memref_squeeze %dma_wait3A_55 : memref<1x64xi32, #tpu.memory_space<vmem>> -> memref<64xi32, #tpu.memory_space<vmem>>
      %dma_wait3A_57 = arith.constant 0 : i32
      %dma_wait3A_58 = arith.constant 0 : i32
      %dma_wait3A_59 = tpu.memref_slice %arg2[%dma_wait3A_57, %dma_wait3A_58] : memref<10112x128xf32, #tpu.memory_space<hbm>> -> memref<10112x128xf32, #tpu.memory_space<hbm>>
      tpu.wait_indirect_dma semaphore(%arg13 : memref<!tpu.dma_semaphore, #tpu.memory_space<semaphore_mem>>) src(%dma_wait3A_59 : memref<10112x128xf32, #tpu.memory_space<hbm>>) dst(%dma_wait3A_53 : memref<64x128xf32, #tpu.memory_space<vmem>>)
      %dma_wait3A_60 = arith.constant 64 : i32
      %dma_wait3A_61 = arith.constant 0 : i32
      %dma_wait3A_62 = tpu.memref_slice %arg10[%dma_wait3A_60, %dma_wait3A_61] : memref<128x128xf32, #tpu.memory_space<vmem>> -> memref<64x128xf32, #tpu.memory_space<vmem>>
      %dma_wait3A_63 = arith.constant 64 : i32
      %dma_wait3A_64 = tpu.memref_slice %arg8[%while3A_32, %dma_wait3A_63] : memref<82x128xi32, #tpu.memory_space<vmem>> -> memref<1x64xi32, #tpu.memory_space<vmem>>
      %dma_wait3A_65 = tpu.memref_squeeze %dma_wait3A_64 : memref<1x64xi32, #tpu.memory_space<vmem>> -> memref<64xi32, #tpu.memory_space<vmem>>
      %dma_wait3A_66 = arith.constant 0 : i32
      %dma_wait3A_67 = arith.constant 0 : i32
      %dma_wait3A_68 = tpu.memref_slice %arg2[%dma_wait3A_66, %dma_wait3A_67] : memref<10112x128xf32, #tpu.memory_space<hbm>> -> memref<10112x128xf32, #tpu.memory_space<hbm>>
      tpu.wait_indirect_dma semaphore(%arg14 : memref<!tpu.dma_semaphore, #tpu.memory_space<semaphore_mem>>) src(%dma_wait3A_68 : memref<10112x128xf32, #tpu.memory_space<hbm>>) dst(%dma_wait3A_62 : memref<64x128xf32, #tpu.memory_space<vmem>>)
      "tpu.region"() ({
        %run_scoped3A = tpu.sem_alloc : memref<!tpu.dma_semaphore, #tpu.memory_space<semaphore_mem>>
        %dma_start3A_69 = arith.constant 0 : i32
        %dma_start3A_70 = tpu.memref_slice %arg9[%while3A_32, %dma_start3A_69] : memref<82x128xi32, #tpu.memory_space<vmem>> -> memref<1x128xi32, #tpu.memory_space<vmem>>
        %dma_start3A_71 = tpu.memref_squeeze %dma_start3A_70 : memref<1x128xi32, #tpu.memory_space<vmem>> -> memref<128xi32, #tpu.memory_space<vmem>>
        %dma_start3A_72 = arith.constant 0 : i32
        %dma_start3A_73 = arith.constant 0 : i32
        %dma_start3A_74 = tpu.memref_slice %arg12[%dma_start3A_72, %dma_start3A_73] : memref<10112x128xf32, #tpu.memory_space<vmem_shared>> -> memref<10112x128xf32, #tpu.memory_space<vmem_shared>>
        tpu.enqueue_indirect_dma source(%arg10 : memref<128x128xf32, #tpu.memory_space<vmem>>) target(%dma_start3A_74 : memref<10112x128xf32, #tpu.memory_space<vmem_shared>>) offsets(%dma_start3A_71 : memref<128xi32, #tpu.memory_space<vmem>>) semaphore(%run_scoped3A : memref<!tpu.dma_semaphore, #tpu.memory_space<semaphore_mem>>) {add = true}
        %dma_wait3A_75 = arith.constant 0 : i32
        %dma_wait3A_76 = tpu.memref_slice %arg9[%while3A_32, %dma_wait3A_75] : memref<82x128xi32, #tpu.memory_space<vmem>> -> memref<1x128xi32, #tpu.memory_space<vmem>>
        %dma_wait3A_77 = tpu.memref_squeeze %dma_wait3A_76 : memref<1x128xi32, #tpu.memory_space<vmem>> -> memref<128xi32, #tpu.memory_space<vmem>>
        %dma_wait3A_78 = arith.constant 0 : i32
        %dma_wait3A_79 = arith.constant 0 : i32
        %dma_wait3A_80 = tpu.memref_slice %arg12[%dma_wait3A_78, %dma_wait3A_79] : memref<10112x128xf32, #tpu.memory_space<vmem_shared>> -> memref<10112x128xf32, #tpu.memory_space<vmem_shared>>
        tpu.wait_indirect_dma semaphore(%run_scoped3A : memref<!tpu.dma_semaphore, #tpu.memory_space<semaphore_mem>>) src(%arg10 : memref<128x128xf32, #tpu.memory_space<vmem>>) dst(%dma_wait3A_80 : memref<10112x128xf32, #tpu.memory_space<vmem_shared>>)
        tpu.yield
      }) : () -> ()
    }
    %barrier3A_31 = arith.constant 0 : index
    tpu.barrier barrier_id(%barrier3A_31)
    "tpu.region"() ({
      %run_scoped3A = tpu.sem_alloc : memref<!tpu.dma_semaphore, #tpu.memory_space<semaphore_mem>>
      %dma_start3A_32 = arith.constant 0 : i32
      %dma_start3A_33 = arith.constant 0 : i32
      %dma_start3A_34 = tpu.memref_slice %arg7[%arg0, %dma_start3A_32, %dma_start3A_33] : memref<2x10112x128xf32, #tpu.memory_space<hbm>> -> memref<1x10112x128xf32, #tpu.memory_space<hbm>>
      %dma_start3A_35 = tpu.memref_squeeze %dma_start3A_34 : memref<1x10112x128xf32, #tpu.memory_space<hbm>> -> memref<10112x128xf32, #tpu.memory_space<hbm>>
      %dma_start3A_36 = arith.constant 0 : i32
      %dma_start3A_37 = tpu.memref_slice %dma_start3A_35[%mul3A_2, %dma_start3A_36] : memref<10112x128xf32, #tpu.memory_space<hbm>> -> memref<632x128xf32, #tpu.memory_space<hbm>>
      %dma_start3A_38 = arith.constant 0 : i32
      %dma_start3A_39 = tpu.memref_slice %arg12[%mul3A_2, %dma_start3A_38] : memref<10112x128xf32, #tpu.memory_space<vmem_shared>> -> memref<632x128xf32, #tpu.memory_space<vmem_shared>>
      tpu.enqueue_dma source(%dma_start3A_39 : memref<632x128xf32, #tpu.memory_space<vmem_shared>>) target(%dma_start3A_37 : memref<632x128xf32, #tpu.memory_space<hbm>>) target_semaphore(%run_scoped3A : memref<!tpu.dma_semaphore, #tpu.memory_space<semaphore_mem>>)
      %dma_wait3A_40 = arith.constant 0 : i32
      %dma_wait3A_41 = arith.constant 0 : i32
      %dma_wait3A_42 = tpu.memref_slice %arg7[%arg0, %dma_wait3A_40, %dma_wait3A_41] : memref<2x10112x128xf32, #tpu.memory_space<hbm>> -> memref<1x10112x128xf32, #tpu.memory_space<hbm>>
      %dma_wait3A_43 = tpu.memref_squeeze %dma_wait3A_42 : memref<1x10112x128xf32, #tpu.memory_space<hbm>> -> memref<10112x128xf32, #tpu.memory_space<hbm>>
      %dma_wait3A_44 = arith.constant 0 : i32
      %dma_wait3A_45 = tpu.memref_slice %dma_wait3A_43[%mul3A_2, %dma_wait3A_44] : memref<10112x128xf32, #tpu.memory_space<hbm>> -> memref<632x128xf32, #tpu.memory_space<hbm>>
      %dma_wait3A_46 = arith.constant 0 : i32
      %dma_wait3A_47 = tpu.memref_slice %arg12[%mul3A_2, %dma_wait3A_46] : memref<10112x128xf32, #tpu.memory_space<vmem_shared>> -> memref<632x128xf32, #tpu.memory_space<vmem_shared>>
      tpu.wait_dma2 semaphore(%run_scoped3A : memref<!tpu.dma_semaphore, #tpu.memory_space<semaphore_mem>>) src(%dma_wait3A_47 : memref<632x128xf32, #tpu.memory_space<vmem_shared>>) dst(%dma_wait3A_45 : memref<632x128xf32, #tpu.memory_space<hbm>>)
      tpu.yield
    }) : () -> ()
    return
  }
}

#map = affine_map<(d0, d1) -> (0)>
#map1 = affine_map<(d0, d1) -> (0, 0)>
module attributes {stable_mosaic.version = 14 : i64} {
  func.func @_k2_mask(%arg0: i32, %arg1: i32, %arg2: memref<10112xf32, #tpu.memory_space<hbm>>, %arg3: memref<16xf32, #tpu.memory_space<hbm>>, %arg4: memref<327680xi32, #tpu.memory_space<hbm>>, %arg5: memref<327680xi32, #tpu.memory_space<hbm>>, %arg6: memref<32x10496xi32, #tpu.memory_space<hbm>>, %arg7: memref<32x10496xi32, #tpu.memory_space<hbm>>, %arg8: memref<32x16xi32, #tpu.memory_space<hbm>>, %arg9: memref<32x10112xf32, #tpu.memory_space<hbm>>, %arg10: memref<10112xf32, #tpu.memory_space<vmem>>, %arg11: memref<16xf32, #tpu.memory_space<vmem>>, %arg12: memref<10240xi32, #tpu.memory_space<vmem>>, %arg13: memref<10240xi32, #tpu.memory_space<vmem>>, %arg14: memref<10496xi32, #tpu.memory_space<vmem>>, %arg15: memref<10496xi32, #tpu.memory_space<vmem>>, %arg16: memref<10112xf32, #tpu.memory_space<vmem>>, %arg17: memref<16xi32, #tpu.memory_space<vmem>>, %arg18: memref<!tpu.dma_semaphore, #tpu.memory_space<semaphore_mem>>, %arg19: memref<!tpu.dma_semaphore, #tpu.memory_space<semaphore_mem>>, %arg20: memref<!tpu.dma_semaphore, #tpu.memory_space<semaphore_mem>>) attributes {dimension_semantics = [#tpu.dimension_semantics<core_parallel>, #tpu.dimension_semantics<subcore_parallel>], iteration_bounds = array<i64: 2, 16>, scalar_prefetch = 0 : i64, scratch_operands = 11 : i64, tpu.core_type = #tpu.core_type<sc_vector_subcore>, window_params = [{transform_indices = #map}, {transform_indices = #map}, {transform_indices = #map}, {transform_indices = #map}, {transform_indices = #map1}, {transform_indices = #map1}, {transform_indices = #map1}, {transform_indices = #map1}]} {
    %mul3A = arith.constant 16 : i32
    %mul3A_0 = arith.muli %arg0, %mul3A : i32
    %add3A = arith.addi %mul3A_0, %arg1 : i32
    %mul3A_1 = arith.constant 10240 : i32
    %mul3A_2 = arith.muli %add3A, %mul3A_1 : i32
    tpu.enqueue_dma source(%arg2 : memref<10112xf32, #tpu.memory_space<hbm>>) target(%arg10 : memref<10112xf32, #tpu.memory_space<vmem>>) target_semaphore(%arg18 : memref<!tpu.dma_semaphore, #tpu.memory_space<semaphore_mem>>)
    %dma_start3A = tpu.memref_slice %arg4[%mul3A_2] : memref<327680xi32, #tpu.memory_space<hbm>> -> memref<10240xi32, #tpu.memory_space<hbm>>
    %dma_start3A_3 = tpu.memref_slice %arg4[%mul3A_2] : memref<327680xi32, #tpu.memory_space<hbm>> -> memref<10240xi32, #tpu.memory_space<hbm>>
    tpu.enqueue_dma source(%dma_start3A_3 : memref<10240xi32, #tpu.memory_space<hbm>>) target(%arg12 : memref<10240xi32, #tpu.memory_space<vmem>>) target_semaphore(%arg19 : memref<!tpu.dma_semaphore, #tpu.memory_space<semaphore_mem>>)
    %dma_start3A_4 = tpu.memref_slice %arg5[%mul3A_2] : memref<327680xi32, #tpu.memory_space<hbm>> -> memref<10240xi32, #tpu.memory_space<hbm>>
    %dma_start3A_5 = tpu.memref_slice %arg5[%mul3A_2] : memref<327680xi32, #tpu.memory_space<hbm>> -> memref<10240xi32, #tpu.memory_space<hbm>>
    tpu.enqueue_dma source(%dma_start3A_5 : memref<10240xi32, #tpu.memory_space<hbm>>) target(%arg13 : memref<10240xi32, #tpu.memory_space<vmem>>) target_semaphore(%arg20 : memref<!tpu.dma_semaphore, #tpu.memory_space<semaphore_mem>>)
    "tpu.region"() ({
      %run_scoped3A = tpu.sem_alloc : memref<!tpu.dma_semaphore, #tpu.memory_space<semaphore_mem>>
      tpu.enqueue_dma source(%arg3 : memref<16xf32, #tpu.memory_space<hbm>>) target(%arg11 : memref<16xf32, #tpu.memory_space<vmem>>) target_semaphore(%run_scoped3A : memref<!tpu.dma_semaphore, #tpu.memory_space<semaphore_mem>>)
      tpu.wait_dma2 semaphore(%run_scoped3A : memref<!tpu.dma_semaphore, #tpu.memory_space<semaphore_mem>>) src(%arg3 : memref<16xf32, #tpu.memory_space<hbm>>) dst(%arg11 : memref<16xf32, #tpu.memory_space<vmem>>)
      tpu.yield
    }) : () -> ()
    %get3A = arith.constant 0 : index
    %get3A_6 = tpu.vector_load %arg11[%get3A] {strides = array<i32>} : memref<16xf32, #tpu.memory_space<vmem>>, vector<16xf32>,
    %broadcast_in_dim3A = arith.constant 1.000000e+00 : f32
    %broadcast_in_dim3A_7 = vector.broadcast %broadcast_in_dim3A : f32 to vector<16xf32>
    %iota3A = tpu.iota {dimensions = array<i32: 0>} : vector<16xi32>
    %add3A_8 = arith.constant 10064 : i32
    %add3A_9 = vector.broadcast %add3A_8 : i32 to vector<16xi32>
    %add3A_10 = arith.addi %add3A_9, %iota3A : vector<16xi32>
    %scan3A = arith.constant 0 : i32
    %scan3A_11 = arith.constant 0 : i32
    %scan3A_12 = arith.constant 632 : i32
    %scan3A_13 = arith.addi %scan3A_11, %scan3A_12 : i32
    %scan3A_14 = arith.constant 1 : i32
    scf.for %scan3A_126 = %scan3A_11 to %scan3A_13 step %scan3A_14  : i32 {
      %broadcast_in_dim3A_127 = arith.constant 0.000000e+00 : f32
      %broadcast_in_dim3A_128 = vector.broadcast %broadcast_in_dim3A_127 : f32 to vector<16xf32>
      %mul3A_129 = arith.constant 16 : i32
      %mul3A_130 = arith.muli %scan3A_126, %mul3A_129 : i32
      %swap3A_131 = arith.index_cast %mul3A_130 : i32 to index
      %swap3A_132 = tpu.vector_load %arg16[%swap3A_131] {strides = array<i32>} : memref<10112xf32, #tpu.memory_space<vmem>>, vector<16xf32>,
      tpu.vector_store %arg16[%swap3A_131], %broadcast_in_dim3A_128 {strides = array<i32>} : memref<10112xf32, #tpu.memory_space<vmem>>, vector<16xf32>,
    }
    %scan3A_15 = arith.constant 632 : i32
    tpu.wait_dma2 semaphore(%arg18 : memref<!tpu.dma_semaphore, #tpu.memory_space<semaphore_mem>>) src(%arg2 : memref<10112xf32, #tpu.memory_space<hbm>>) dst(%arg10 : memref<10112xf32, #tpu.memory_space<vmem>>)
    %dma_wait3A = tpu.memref_slice %arg4[%mul3A_2] : memref<327680xi32, #tpu.memory_space<hbm>> -> memref<10240xi32, #tpu.memory_space<hbm>>
    %dma_wait3A_16 = tpu.memref_slice %arg4[%mul3A_2] : memref<327680xi32, #tpu.memory_space<hbm>> -> memref<10240xi32, #tpu.memory_space<hbm>>
    tpu.wait_dma2 semaphore(%arg19 : memref<!tpu.dma_semaphore, #tpu.memory_space<semaphore_mem>>) src(%dma_wait3A_16 : memref<10240xi32, #tpu.memory_space<hbm>>) dst(%arg12 : memref<10240xi32, #tpu.memory_space<vmem>>)
    %dma_wait3A_17 = tpu.memref_slice %arg5[%mul3A_2] : memref<327680xi32, #tpu.memory_space<hbm>> -> memref<10240xi32, #tpu.memory_space<hbm>>
    %dma_wait3A_18 = tpu.memref_slice %arg5[%mul3A_2] : memref<327680xi32, #tpu.memory_space<hbm>> -> memref<10240xi32, #tpu.memory_space<hbm>>
    tpu.wait_dma2 semaphore(%arg20 : memref<!tpu.dma_semaphore, #tpu.memory_space<semaphore_mem>>) src(%dma_wait3A_18 : memref<10240xi32, #tpu.memory_space<hbm>>) dst(%arg13 : memref<10240xi32, #tpu.memory_space<vmem>>)
    %scan3A_19 = arith.constant 0 : i32
    %scan3A_20 = arith.constant 0 : i32
    %scan3A_21 = arith.constant 640 : i32
    %scan3A_22 = arith.addi %scan3A_20, %scan3A_21 : i32
    %scan3A_23 = arith.constant 1 : i32
    %scan3A_24 = scf.for %scan3A_126 = %scan3A_20 to %scan3A_22 step %scan3A_23 iter_args(%scan3A_127 = %scan3A_19) -> (i32)  : i32 {
      %mul3A_128 = arith.constant 16 : i32
      %mul3A_129 = arith.muli %scan3A_126, %mul3A_128 : i32
      %get3A_130 = arith.index_cast %mul3A_129 : i32 to index
      %get3A_131 = tpu.vector_load %arg12[%get3A_130] {strides = array<i32>} : memref<10240xi32, #tpu.memory_space<vmem>>, vector<16xi32>,
      %get3A_132 = arith.index_cast %mul3A_129 : i32 to index
      %get3A_133 = tpu.vector_load %arg13[%get3A_132] {strides = array<i32>} : memref<10240xi32, #tpu.memory_space<vmem>>, vector<16xi32>,
      %gather3A = tpu.vector_load_idx %arg10[%get3A_131] : memref<10112xf32, #tpu.memory_space<vmem>>[vector<16xi32>], vector<16xf32>,
      %gather3A_134 = tpu.vector_load_idx %arg10[%get3A_133] : memref<10112xf32, #tpu.memory_space<vmem>>[vector<16xi32>], vector<16xf32>,
      %add3A_135 = arith.addf %gather3A, %gather3A_134 : vector<16xf32>
      %gt3A = arith.cmpf ogt, %add3A_135, %get3A_6 : vector<16xf32>
      tpu.vector_store_idx %arg16[%get3A_131], %broadcast_in_dim3A_7 masked %gt3A : memref<10112xf32, #tpu.memory_space<vmem>>[vector<16xi32>], vector<16xf32>, vector<16xi1>
      tpu.vector_store_idx %arg16[%get3A_133], %broadcast_in_dim3A_7 masked %gt3A : memref<10112xf32, #tpu.memory_space<vmem>>[vector<16xi32>], vector<16xf32>, vector<16xi1>
      %swap3A_136 = arith.index_cast %scan3A_127 : i32 to index
      %swap3A_137 = tpu.vector_load %arg14[%swap3A_136] masked %gt3A {strides = array<i32>} : memref<10496xi32, #tpu.memory_space<vmem>>, vector<16xi32>, vector<16xi1>
      tpu.vector_store %arg14[%swap3A_136], %get3A_131 masked %gt3A {strides = array<i32>} : memref<10496xi32, #tpu.memory_space<vmem>>, vector<16xi32>, vector<16xi1>
      %swap3A_138 = arith.index_cast %scan3A_127 : i32 to index
      %swap3A_139 = tpu.vector_load %arg15[%swap3A_138] masked %gt3A {strides = array<i32>} : memref<10496xi32, #tpu.memory_space<vmem>>, vector<16xi32>, vector<16xi1>
      tpu.vector_store %arg15[%swap3A_138], %get3A_133 masked %gt3A {strides = array<i32>} : memref<10496xi32, #tpu.memory_space<vmem>>, vector<16xi32>, vector<16xi1>
      %all_reduce_population_count3A = tpu.all_reduce %gt3A {dim = 0 : i64, kind = #tpu.reduction_kind<sum>} : vector<16xi1> -> vector<16xi32>
      %slice3A = vector.extract_strided_slice %all_reduce_population_count3A {offsets = [0], sizes = [1], strides = [1]} : vector<16xi32> to vector<1xi32>
      %squeeze3A = vector.extract %slice3A[0] : i32 from vector<1xi32>
      %add3A_140 = arith.addi %scan3A_127, %squeeze3A : i32
      scf.yield %add3A_140 : i32
    }
    %scan3A_25 = arith.constant 640 : i32
    %broadcast_in_dim3A_26 = arith.constant 0 : i32
    %broadcast_in_dim3A_27 = vector.broadcast %broadcast_in_dim3A_26 : i32 to vector<16xi32>
    %add3A_28 = arith.constant 0 : i32
    %add3A_29 = arith.addi %scan3A_24, %add3A_28 : i32
    %swap3A = arith.index_cast %add3A_29 : i32 to index
    %swap3A_30 = tpu.vector_load %arg14[%swap3A] {strides = array<i32>} : memref<10496xi32, #tpu.memory_space<vmem>>, vector<16xi32>,
    tpu.vector_store %arg14[%swap3A], %broadcast_in_dim3A_27 {strides = array<i32>} : memref<10496xi32, #tpu.memory_space<vmem>>, vector<16xi32>,
    %add3A_31 = arith.constant 0 : i32
    %add3A_32 = arith.addi %scan3A_24, %add3A_31 : i32
    %swap3A_33 = arith.index_cast %add3A_32 : i32 to index
    %swap3A_34 = tpu.vector_load %arg15[%swap3A_33] {strides = array<i32>} : memref<10496xi32, #tpu.memory_space<vmem>>, vector<16xi32>,
    tpu.vector_store %arg15[%swap3A_33], %add3A_10 {strides = array<i32>} : memref<10496xi32, #tpu.memory_space<vmem>>, vector<16xi32>,
    %broadcast_in_dim3A_35 = arith.constant 0 : i32
    %broadcast_in_dim3A_36 = vector.broadcast %broadcast_in_dim3A_35 : i32 to vector<16xi32>
    %add3A_37 = arith.constant 16 : i32
    %add3A_38 = arith.addi %scan3A_24, %add3A_37 : i32
    %swap3A_39 = arith.index_cast %add3A_38 : i32 to index
    %swap3A_40 = tpu.vector_load %arg14[%swap3A_39] {strides = array<i32>} : memref<10496xi32, #tpu.memory_space<vmem>>, vector<16xi32>,
    tpu.vector_store %arg14[%swap3A_39], %broadcast_in_dim3A_36 {strides = array<i32>} : memref<10496xi32, #tpu.memory_space<vmem>>, vector<16xi32>,
    %add3A_41 = arith.constant 16 : i32
    %add3A_42 = arith.addi %scan3A_24, %add3A_41 : i32
    %swap3A_43 = arith.index_cast %add3A_42 : i32 to index
    %swap3A_44 = tpu.vector_load %arg15[%swap3A_43] {strides = array<i32>} : memref<10496xi32, #tpu.memory_space<vmem>>, vector<16xi32>,
    tpu.vector_store %arg15[%swap3A_43], %add3A_10 {strides = array<i32>} : memref<10496xi32, #tpu.memory_space<vmem>>, vector<16xi32>,
    %broadcast_in_dim3A_45 = arith.constant 0 : i32
    %broadcast_in_dim3A_46 = vector.broadcast %broadcast_in_dim3A_45 : i32 to vector<16xi32>
    %add3A_47 = arith.constant 32 : i32
    %add3A_48 = arith.addi %scan3A_24, %add3A_47 : i32
    %swap3A_49 = arith.index_cast %add3A_48 : i32 to index
    %swap3A_50 = tpu.vector_load %arg14[%swap3A_49] {strides = array<i32>} : memref<10496xi32, #tpu.memory_space<vmem>>, vector<16xi32>,
    tpu.vector_store %arg14[%swap3A_49], %broadcast_in_dim3A_46 {strides = array<i32>} : memref<10496xi32, #tpu.memory_space<vmem>>, vector<16xi32>,
    %add3A_51 = arith.constant 32 : i32
    %add3A_52 = arith.addi %scan3A_24, %add3A_51 : i32
    %swap3A_53 = arith.index_cast %add3A_52 : i32 to index
    %swap3A_54 = tpu.vector_load %arg15[%swap3A_53] {strides = array<i32>} : memref<10496xi32, #tpu.memory_space<vmem>>, vector<16xi32>,
    tpu.vector_store %arg15[%swap3A_53], %add3A_10 {strides = array<i32>} : memref<10496xi32, #tpu.memory_space<vmem>>, vector<16xi32>,
    %broadcast_in_dim3A_55 = arith.constant 0 : i32
    %broadcast_in_dim3A_56 = vector.broadcast %broadcast_in_dim3A_55 : i32 to vector<16xi32>
    %add3A_57 = arith.constant 48 : i32
    %add3A_58 = arith.addi %scan3A_24, %add3A_57 : i32
    %swap3A_59 = arith.index_cast %add3A_58 : i32 to index
    %swap3A_60 = tpu.vector_load %arg14[%swap3A_59] {strides = array<i32>} : memref<10496xi32, #tpu.memory_space<vmem>>, vector<16xi32>,
    tpu.vector_store %arg14[%swap3A_59], %broadcast_in_dim3A_56 {strides = array<i32>} : memref<10496xi32, #tpu.memory_space<vmem>>, vector<16xi32>,
    %add3A_61 = arith.constant 48 : i32
    %add3A_62 = arith.addi %scan3A_24, %add3A_61 : i32
    %swap3A_63 = arith.index_cast %add3A_62 : i32 to index
    %swap3A_64 = tpu.vector_load %arg15[%swap3A_63] {strides = array<i32>} : memref<10496xi32, #tpu.memory_space<vmem>>, vector<16xi32>,
    tpu.vector_store %arg15[%swap3A_63], %add3A_10 {strides = array<i32>} : memref<10496xi32, #tpu.memory_space<vmem>>, vector<16xi32>,
    %broadcast_in_dim3A_65 = arith.constant 0 : i32
    %broadcast_in_dim3A_66 = vector.broadcast %broadcast_in_dim3A_65 : i32 to vector<16xi32>
    %add3A_67 = arith.constant 64 : i32
    %add3A_68 = arith.addi %scan3A_24, %add3A_67 : i32
    %swap3A_69 = arith.index_cast %add3A_68 : i32 to index
    %swap3A_70 = tpu.vector_load %arg14[%swap3A_69] {strides = array<i32>} : memref<10496xi32, #tpu.memory_space<vmem>>, vector<16xi32>,
    tpu.vector_store %arg14[%swap3A_69], %broadcast_in_dim3A_66 {strides = array<i32>} : memref<10496xi32, #tpu.memory_space<vmem>>, vector<16xi32>,
    %add3A_71 = arith.constant 64 : i32
    %add3A_72 = arith.addi %scan3A_24, %add3A_71 : i32
    %swap3A_73 = arith.index_cast %add3A_72 : i32 to index
    %swap3A_74 = tpu.vector_load %arg15[%swap3A_73] {strides = array<i32>} : memref<10496xi32, #tpu.memory_space<vmem>>, vector<16xi32>,
    tpu.vector_store %arg15[%swap3A_73], %add3A_10 {strides = array<i32>} : memref<10496xi32, #tpu.memory_space<vmem>>, vector<16xi32>,
    %broadcast_in_dim3A_75 = arith.constant 0 : i32
    %broadcast_in_dim3A_76 = vector.broadcast %broadcast_in_dim3A_75 : i32 to vector<16xi32>
    %add3A_77 = arith.constant 80 : i32
    %add3A_78 = arith.addi %scan3A_24, %add3A_77 : i32
    %swap3A_79 = arith.index_cast %add3A_78 : i32 to index
    %swap3A_80 = tpu.vector_load %arg14[%swap3A_79] {strides = array<i32>} : memref<10496xi32, #tpu.memory_space<vmem>>, vector<16xi32>,
    tpu.vector_store %arg14[%swap3A_79], %broadcast_in_dim3A_76 {strides = array<i32>} : memref<10496xi32, #tpu.memory_space<vmem>>, vector<16xi32>,
    %add3A_81 = arith.constant 80 : i32
    %add3A_82 = arith.addi %scan3A_24, %add3A_81 : i32
    %swap3A_83 = arith.index_cast %add3A_82 : i32 to index
    %swap3A_84 = tpu.vector_load %arg15[%swap3A_83] {strides = array<i32>} : memref<10496xi32, #tpu.memory_space<vmem>>, vector<16xi32>,
    tpu.vector_store %arg15[%swap3A_83], %add3A_10 {strides = array<i32>} : memref<10496xi32, #tpu.memory_space<vmem>>, vector<16xi32>,
    %broadcast_in_dim3A_85 = arith.constant 0 : i32
    %broadcast_in_dim3A_86 = vector.broadcast %broadcast_in_dim3A_85 : i32 to vector<16xi32>
    %add3A_87 = arith.constant 96 : i32
    %add3A_88 = arith.addi %scan3A_24, %add3A_87 : i32
    %swap3A_89 = arith.index_cast %add3A_88 : i32 to index
    %swap3A_90 = tpu.vector_load %arg14[%swap3A_89] {strides = array<i32>} : memref<10496xi32, #tpu.memory_space<vmem>>, vector<16xi32>,
    tpu.vector_store %arg14[%swap3A_89], %broadcast_in_dim3A_86 {strides = array<i32>} : memref<10496xi32, #tpu.memory_space<vmem>>, vector<16xi32>,
    %add3A_91 = arith.constant 96 : i32
    %add3A_92 = arith.addi %scan3A_24, %add3A_91 : i32
    %swap3A_93 = arith.index_cast %add3A_92 : i32 to index
    %swap3A_94 = tpu.vector_load %arg15[%swap3A_93] {strides = array<i32>} : memref<10496xi32, #tpu.memory_space<vmem>>, vector<16xi32>,
    tpu.vector_store %arg15[%swap3A_93], %add3A_10 {strides = array<i32>} : memref<10496xi32, #tpu.memory_space<vmem>>, vector<16xi32>,
    %broadcast_in_dim3A_95 = arith.constant 0 : i32
    %broadcast_in_dim3A_96 = vector.broadcast %broadcast_in_dim3A_95 : i32 to vector<16xi32>
    %add3A_97 = arith.constant 112 : i32
    %add3A_98 = arith.addi %scan3A_24, %add3A_97 : i32
    %swap3A_99 = arith.index_cast %add3A_98 : i32 to index
    %swap3A_100 = tpu.vector_load %arg14[%swap3A_99] {strides = array<i32>} : memref<10496xi32, #tpu.memory_space<vmem>>, vector<16xi32>,
    tpu.vector_store %arg14[%swap3A_99], %broadcast_in_dim3A_96 {strides = array<i32>} : memref<10496xi32, #tpu.memory_space<vmem>>, vector<16xi32>,
    %add3A_101 = arith.constant 112 : i32
    %add3A_102 = arith.addi %scan3A_24, %add3A_101 : i32
    %swap3A_103 = arith.index_cast %add3A_102 : i32 to index
    %swap3A_104 = tpu.vector_load %arg15[%swap3A_103] {strides = array<i32>} : memref<10496xi32, #tpu.memory_space<vmem>>, vector<16xi32>,
    tpu.vector_store %arg15[%swap3A_103], %add3A_10 {strides = array<i32>} : memref<10496xi32, #tpu.memory_space<vmem>>, vector<16xi32>,
    %add3A_105 = arith.constant 127 : i32
    %add3A_106 = arith.addi %scan3A_24, %add3A_105 : i32
    %jit3A = arith.constant 128 : i32
    %div3A = arith.divsi %add3A_106, %jit3A : i32
    %sign3A = arith.constant 0 : i32
    %sign3A_107 = arith.cmpi sgt, %add3A_106, %sign3A : i32
    %sign3A_108 = arith.extui %sign3A_107 : i1 to i32
    %sign3A_109 = arith.constant 0 : i32
    %sign3A_110 = arith.cmpi slt, %add3A_106, %sign3A_109 : i32
    %sign3A_111 = arith.extui %sign3A_110 : i1 to i32
    %sign3A_112 = arith.subi %sign3A_108, %sign3A_111 : i32
    %sign3A_113 = arith.constant 0 : i32
    %sign3A_114 = arith.cmpi sgt, %jit3A, %sign3A_113 : i32
    %sign3A_115 = arith.extui %sign3A_114 : i1 to i32
    %sign3A_116 = arith.constant 0 : i32
    %sign3A_117 = arith.cmpi slt, %jit3A, %sign3A_116 : i32
    %sign3A_118 = arith.extui %sign3A_117 : i1 to i32
    %sign3A_119 = arith.subi %sign3A_115, %sign3A_118 : i32
    %ne3A = arith.cmpi ne, %sign3A_112, %sign3A_119 : i32
    %rem3A = arith.remsi %add3A_106, %jit3A : i32
    %ne3A_120 = arith.constant 0 : i32
    %ne3A_121 = arith.cmpi ne, %rem3A, %ne3A_120 : i32
    %and3A = arith.andi %ne3A, %ne3A_121 : i1
    %sub3A = arith.constant 1 : i32
    %sub3A_122 = arith.subi %div3A, %sub3A : i32
    %select_n3A = arith.select %and3A, %sub3A_122, %div3A : i32
    %broadcast_in_dim3A_123 = vector.broadcast %select_n3A : i32 to vector<16xi32>
    %swap3A_124 = arith.constant 0 : index
    %swap3A_125 = tpu.vector_load %arg17[%swap3A_124] {strides = array<i32>} : memref<16xi32, #tpu.memory_space<vmem>>, vector<16xi32>,
    tpu.vector_store %arg17[%swap3A_124], %broadcast_in_dim3A_123 {strides = array<i32>} : memref<16xi32, #tpu.memory_space<vmem>>, vector<16xi32>,
    "tpu.region"() ({
      %run_scoped3A = tpu.sem_alloc : memref<!tpu.dma_semaphore, #tpu.memory_space<semaphore_mem>>
      %dma_start3A_126 = arith.constant 0 : i32
      %dma_start3A_127 = tpu.memref_slice %arg6[%add3A, %dma_start3A_126] : memref<32x10496xi32, #tpu.memory_space<hbm>> -> memref<1x10496xi32, #tpu.memory_space<hbm>>
      %dma_start3A_128 = tpu.memref_squeeze %dma_start3A_127 : memref<1x10496xi32, #tpu.memory_space<hbm>> -> memref<10496xi32, #tpu.memory_space<hbm>>
      %dma_start3A_129 = arith.constant 0 : i32
      %dma_start3A_130 = tpu.memref_slice %arg6[%add3A, %dma_start3A_129] : memref<32x10496xi32, #tpu.memory_space<hbm>> -> memref<1x10496xi32, #tpu.memory_space<hbm>>
      %dma_start3A_131 = tpu.memref_squeeze %dma_start3A_130 : memref<1x10496xi32, #tpu.memory_space<hbm>> -> memref<10496xi32, #tpu.memory_space<hbm>>
      tpu.enqueue_dma source(%arg14 : memref<10496xi32, #tpu.memory_space<vmem>>) target(%dma_start3A_131 : memref<10496xi32, #tpu.memory_space<hbm>>) target_semaphore(%run_scoped3A : memref<!tpu.dma_semaphore, #tpu.memory_space<semaphore_mem>>)
      %dma_wait3A_132 = arith.constant 0 : i32
      %dma_wait3A_133 = tpu.memref_slice %arg6[%add3A, %dma_wait3A_132] : memref<32x10496xi32, #tpu.memory_space<hbm>> -> memref<1x10496xi32, #tpu.memory_space<hbm>>
      %dma_wait3A_134 = tpu.memref_squeeze %dma_wait3A_133 : memref<1x10496xi32, #tpu.memory_space<hbm>> -> memref<10496xi32, #tpu.memory_space<hbm>>
      %dma_wait3A_135 = arith.constant 0 : i32
      %dma_wait3A_136 = tpu.memref_slice %arg6[%add3A, %dma_wait3A_135] : memref<32x10496xi32, #tpu.memory_space<hbm>> -> memref<1x10496xi32, #tpu.memory_space<hbm>>
      %dma_wait3A_137 = tpu.memref_squeeze %dma_wait3A_136 : memref<1x10496xi32, #tpu.memory_space<hbm>> -> memref<10496xi32, #tpu.memory_space<hbm>>
      tpu.wait_dma2 semaphore(%run_scoped3A : memref<!tpu.dma_semaphore, #tpu.memory_space<semaphore_mem>>) src(%arg14 : memref<10496xi32, #tpu.memory_space<vmem>>) dst(%dma_wait3A_137 : memref<10496xi32, #tpu.memory_space<hbm>>)
      tpu.yield
    }) : () -> ()
    "tpu.region"() ({
      %run_scoped3A = tpu.sem_alloc : memref<!tpu.dma_semaphore, #tpu.memory_space<semaphore_mem>>
      %dma_start3A_126 = arith.constant 0 : i32
      %dma_start3A_127 = tpu.memref_slice %arg7[%add3A, %dma_start3A_126] : memref<32x10496xi32, #tpu.memory_space<hbm>> -> memref<1x10496xi32, #tpu.memory_space<hbm>>
      %dma_start3A_128 = tpu.memref_squeeze %dma_start3A_127 : memref<1x10496xi32, #tpu.memory_space<hbm>> -> memref<10496xi32, #tpu.memory_space<hbm>>
      %dma_start3A_129 = arith.constant 0 : i32
      %dma_start3A_130 = tpu.memref_slice %arg7[%add3A, %dma_start3A_129] : memref<32x10496xi32, #tpu.memory_space<hbm>> -> memref<1x10496xi32, #tpu.memory_space<hbm>>
      %dma_start3A_131 = tpu.memref_squeeze %dma_start3A_130 : memref<1x10496xi32, #tpu.memory_space<hbm>> -> memref<10496xi32, #tpu.memory_space<hbm>>
      tpu.enqueue_dma source(%arg15 : memref<10496xi32, #tpu.memory_space<vmem>>) target(%dma_start3A_131 : memref<10496xi32, #tpu.memory_space<hbm>>) target_semaphore(%run_scoped3A : memref<!tpu.dma_semaphore, #tpu.memory_space<semaphore_mem>>)
      %dma_wait3A_132 = arith.constant 0 : i32
      %dma_wait3A_133 = tpu.memref_slice %arg7[%add3A, %dma_wait3A_132] : memref<32x10496xi32, #tpu.memory_space<hbm>> -> memref<1x10496xi32, #tpu.memory_space<hbm>>
      %dma_wait3A_134 = tpu.memref_squeeze %dma_wait3A_133 : memref<1x10496xi32, #tpu.memory_space<hbm>> -> memref<10496xi32, #tpu.memory_space<hbm>>
      %dma_wait3A_135 = arith.constant 0 : i32
      %dma_wait3A_136 = tpu.memref_slice %arg7[%add3A, %dma_wait3A_135] : memref<32x10496xi32, #tpu.memory_space<hbm>> -> memref<1x10496xi32, #tpu.memory_space<hbm>>
      %dma_wait3A_137 = tpu.memref_squeeze %dma_wait3A_136 : memref<1x10496xi32, #tpu.memory_space<hbm>> -> memref<10496xi32, #tpu.memory_space<hbm>>
      tpu.wait_dma2 semaphore(%run_scoped3A : memref<!tpu.dma_semaphore, #tpu.memory_space<semaphore_mem>>) src(%arg15 : memref<10496xi32, #tpu.memory_space<vmem>>) dst(%dma_wait3A_137 : memref<10496xi32, #tpu.memory_space<hbm>>)
      tpu.yield
    }) : () -> ()
    "tpu.region"() ({
      %run_scoped3A = tpu.sem_alloc : memref<!tpu.dma_semaphore, #tpu.memory_space<semaphore_mem>>
      %dma_start3A_126 = arith.constant 0 : i32
      %dma_start3A_127 = tpu.memref_slice %arg8[%add3A, %dma_start3A_126] : memref<32x16xi32, #tpu.memory_space<hbm>> -> memref<1x16xi32, #tpu.memory_space<hbm>>
      %dma_start3A_128 = tpu.memref_squeeze %dma_start3A_127 : memref<1x16xi32, #tpu.memory_space<hbm>> -> memref<16xi32, #tpu.memory_space<hbm>>
      %dma_start3A_129 = arith.constant 0 : i32
      %dma_start3A_130 = tpu.memref_slice %arg8[%add3A, %dma_start3A_129] : memref<32x16xi32, #tpu.memory_space<hbm>> -> memref<1x16xi32, #tpu.memory_space<hbm>>
      %dma_start3A_131 = tpu.memref_squeeze %dma_start3A_130 : memref<1x16xi32, #tpu.memory_space<hbm>> -> memref<16xi32, #tpu.memory_space<hbm>>
      tpu.enqueue_dma source(%arg17 : memref<16xi32, #tpu.memory_space<vmem>>) target(%dma_start3A_131 : memref<16xi32, #tpu.memory_space<hbm>>) target_semaphore(%run_scoped3A : memref<!tpu.dma_semaphore, #tpu.memory_space<semaphore_mem>>)
      %dma_wait3A_132 = arith.constant 0 : i32
      %dma_wait3A_133 = tpu.memref_slice %arg8[%add3A, %dma_wait3A_132] : memref<32x16xi32, #tpu.memory_space<hbm>> -> memref<1x16xi32, #tpu.memory_space<hbm>>
      %dma_wait3A_134 = tpu.memref_squeeze %dma_wait3A_133 : memref<1x16xi32, #tpu.memory_space<hbm>> -> memref<16xi32, #tpu.memory_space<hbm>>
      %dma_wait3A_135 = arith.constant 0 : i32
      %dma_wait3A_136 = tpu.memref_slice %arg8[%add3A, %dma_wait3A_135] : memref<32x16xi32, #tpu.memory_space<hbm>> -> memref<1x16xi32, #tpu.memory_space<hbm>>
      %dma_wait3A_137 = tpu.memref_squeeze %dma_wait3A_136 : memref<1x16xi32, #tpu.memory_space<hbm>> -> memref<16xi32, #tpu.memory_space<hbm>>
      tpu.wait_dma2 semaphore(%run_scoped3A : memref<!tpu.dma_semaphore, #tpu.memory_space<semaphore_mem>>) src(%arg17 : memref<16xi32, #tpu.memory_space<vmem>>) dst(%dma_wait3A_137 : memref<16xi32, #tpu.memory_space<hbm>>)
      tpu.yield
    }) : () -> ()
    "tpu.region"() ({
      %run_scoped3A = tpu.sem_alloc : memref<!tpu.dma_semaphore, #tpu.memory_space<semaphore_mem>>
      %dma_start3A_126 = arith.constant 0 : i32
      %dma_start3A_127 = tpu.memref_slice %arg9[%add3A, %dma_start3A_126] : memref<32x10112xf32, #tpu.memory_space<hbm>> -> memref<1x10112xf32, #tpu.memory_space<hbm>>
      %dma_start3A_128 = tpu.memref_squeeze %dma_start3A_127 : memref<1x10112xf32, #tpu.memory_space<hbm>> -> memref<10112xf32, #tpu.memory_space<hbm>>
      %dma_start3A_129 = arith.constant 0 : i32
      %dma_start3A_130 = tpu.memref_slice %arg9[%add3A, %dma_start3A_129] : memref<32x10112xf32, #tpu.memory_space<hbm>> -> memref<1x10112xf32, #tpu.memory_space<hbm>>
      %dma_start3A_131 = tpu.memref_squeeze %dma_start3A_130 : memref<1x10112xf32, #tpu.memory_space<hbm>> -> memref<10112xf32, #tpu.memory_space<hbm>>
      tpu.enqueue_dma source(%arg16 : memref<10112xf32, #tpu.memory_space<vmem>>) target(%dma_start3A_131 : memref<10112xf32, #tpu.memory_space<hbm>>) target_semaphore(%run_scoped3A : memref<!tpu.dma_semaphore, #tpu.memory_space<semaphore_mem>>)
      %dma_wait3A_132 = arith.constant 0 : i32
      %dma_wait3A_133 = tpu.memref_slice %arg9[%add3A, %dma_wait3A_132] : memref<32x10112xf32, #tpu.memory_space<hbm>> -> memref<1x10112xf32, #tpu.memory_space<hbm>>
      %dma_wait3A_134 = tpu.memref_squeeze %dma_wait3A_133 : memref<1x10112xf32, #tpu.memory_space<hbm>> -> memref<10112xf32, #tpu.memory_space<hbm>>
      %dma_wait3A_135 = arith.constant 0 : i32
      %dma_wait3A_136 = tpu.memref_slice %arg9[%add3A, %dma_wait3A_135] : memref<32x10112xf32, #tpu.memory_space<hbm>> -> memref<1x10112xf32, #tpu.memory_space<hbm>>
      %dma_wait3A_137 = tpu.memref_squeeze %dma_wait3A_136 : memref<1x10112xf32, #tpu.memory_space<hbm>> -> memref<10112xf32, #tpu.memory_space<hbm>>
      tpu.wait_dma2 semaphore(%run_scoped3A : memref<!tpu.dma_semaphore, #tpu.memory_space<semaphore_mem>>) src(%arg16 : memref<10112xf32, #tpu.memory_space<vmem>>) dst(%dma_wait3A_137 : memref<10112xf32, #tpu.memory_space<hbm>>)
      tpu.yield
    }) : () -> ()
    return
  }
}

#map = affine_map<(d0, d1) -> (0, 0)>
#map1 = affine_map<(d0, d1) -> (0, 0, 0)>
module attributes {stable_mosaic.version = 14 : i64} {
  func.func @_k3_msg(%arg0: i32, %arg1: i32, %arg2: memref<10112x128xf32, #tpu.memory_space<hbm>>, %arg3: memref<32x82x128xi32, #tpu.memory_space<hbm>>, %arg4: memref<32x82x128xi32, #tpu.memory_space<hbm>>, %arg5: memref<32x16xi32, #tpu.memory_space<hbm>>, %arg6: memref<632x128xf32, #tpu.memory_space<hbm>>, %arg7: memref<2x10112x128xf32, #tpu.memory_space<hbm>>, %arg8: memref<82x128xi32, #tpu.memory_space<vmem>>, %arg9: memref<82x128xi32, #tpu.memory_space<vmem>>, %arg10: memref<128x128xf32, #tpu.memory_space<vmem>>, %arg11: memref<16xi32, #tpu.memory_space<vmem>>, %arg12: memref<10112x128xf32, #tpu.memory_space<vmem_shared>>, %arg13: memref<!tpu.dma_semaphore, #tpu.memory_space<semaphore_mem>>, %arg14: memref<!tpu.dma_semaphore, #tpu.memory_space<semaphore_mem>>) attributes {dimension_semantics = [#tpu.dimension_semantics<core_parallel>, #tpu.dimension_semantics<subcore_parallel>], iteration_bounds = array<i64: 2, 16>, scalar_prefetch = 0 : i64, scratch_operands = 7 : i64, tpu.core_type = #tpu.core_type<sc_vector_subcore>, window_params = [{transform_indices = #map}, {transform_indices = #map1}, {transform_indices = #map1}, {transform_indices = #map}, {transform_indices = #map}, {transform_indices = #map1}]} {
    %mul3A = arith.constant 16 : i32
    %mul3A_0 = arith.muli %arg0, %mul3A : i32
    %add3A = arith.addi %mul3A_0, %arg1 : i32
    %mul3A_1 = arith.constant 632 : i32
    %mul3A_2 = arith.muli %arg1, %mul3A_1 : i32
    %dma_start3A = arith.constant 0 : i32
    %dma_start3A_3 = tpu.memref_slice %arg12[%mul3A_2, %dma_start3A] : memref<10112x128xf32, #tpu.memory_space<vmem_shared>> -> memref<632x128xf32, #tpu.memory_space<vmem_shared>>
    tpu.enqueue_dma source(%arg6 : memref<632x128xf32, #tpu.memory_space<hbm>>) target(%dma_start3A_3 : memref<632x128xf32, #tpu.memory_space<vmem_shared>>) target_semaphore(%arg13 : memref<!tpu.dma_semaphore, #tpu.memory_space<semaphore_mem>>)
    %dma_start3A_4 = arith.constant 0 : i32
    %dma_start3A_5 = arith.constant 0 : i32
    %dma_start3A_6 = tpu.memref_slice %arg3[%add3A, %dma_start3A_4, %dma_start3A_5] : memref<32x82x128xi32, #tpu.memory_space<hbm>> -> memref<1x82x128xi32, #tpu.memory_space<hbm>>
    %dma_start3A_7 = tpu.memref_squeeze %dma_start3A_6 : memref<1x82x128xi32, #tpu.memory_space<hbm>> -> memref<82x128xi32, #tpu.memory_space<hbm>>
    %dma_start3A_8 = arith.constant 0 : i32
    %dma_start3A_9 = arith.constant 0 : i32
    %dma_start3A_10 = tpu.memref_slice %arg3[%add3A, %dma_start3A_8, %dma_start3A_9] : memref<32x82x128xi32, #tpu.memory_space<hbm>> -> memref<1x82x128xi32, #tpu.memory_space<hbm>>
    %dma_start3A_11 = tpu.memref_squeeze %dma_start3A_10 : memref<1x82x128xi32, #tpu.memory_space<hbm>> -> memref<82x128xi32, #tpu.memory_space<hbm>>
    tpu.enqueue_dma source(%dma_start3A_11 : memref<82x128xi32, #tpu.memory_space<hbm>>) target(%arg8 : memref<82x128xi32, #tpu.memory_space<vmem>>) target_semaphore(%arg14 : memref<!tpu.dma_semaphore, #tpu.memory_space<semaphore_mem>>)
    "tpu.region"() ({
      %run_scoped3A = tpu.sem_alloc : memref<!tpu.dma_semaphore, #tpu.memory_space<semaphore_mem>>
      %dma_start3A_32 = arith.constant 0 : i32
      %dma_start3A_33 = arith.constant 0 : i32
      %dma_start3A_34 = tpu.memref_slice %arg4[%add3A, %dma_start3A_32, %dma_start3A_33] : memref<32x82x128xi32, #tpu.memory_space<hbm>> -> memref<1x82x128xi32, #tpu.memory_space<hbm>>
      %dma_start3A_35 = tpu.memref_squeeze %dma_start3A_34 : memref<1x82x128xi32, #tpu.memory_space<hbm>> -> memref<82x128xi32, #tpu.memory_space<hbm>>
      %dma_start3A_36 = arith.constant 0 : i32
      %dma_start3A_37 = arith.constant 0 : i32
      %dma_start3A_38 = tpu.memref_slice %arg4[%add3A, %dma_start3A_36, %dma_start3A_37] : memref<32x82x128xi32, #tpu.memory_space<hbm>> -> memref<1x82x128xi32, #tpu.memory_space<hbm>>
      %dma_start3A_39 = tpu.memref_squeeze %dma_start3A_38 : memref<1x82x128xi32, #tpu.memory_space<hbm>> -> memref<82x128xi32, #tpu.memory_space<hbm>>
      tpu.enqueue_dma source(%dma_start3A_39 : memref<82x128xi32, #tpu.memory_space<hbm>>) target(%arg9 : memref<82x128xi32, #tpu.memory_space<vmem>>) target_semaphore(%run_scoped3A : memref<!tpu.dma_semaphore, #tpu.memory_space<semaphore_mem>>)
      %dma_wait3A_40 = arith.constant 0 : i32
      %dma_wait3A_41 = arith.constant 0 : i32
      %dma_wait3A_42 = tpu.memref_slice %arg4[%add3A, %dma_wait3A_40, %dma_wait3A_41] : memref<32x82x128xi32, #tpu.memory_space<hbm>> -> memref<1x82x128xi32, #tpu.memory_space<hbm>>
      %dma_wait3A_43 = tpu.memref_squeeze %dma_wait3A_42 : memref<1x82x128xi32, #tpu.memory_space<hbm>> -> memref<82x128xi32, #tpu.memory_space<hbm>>
      %dma_wait3A_44 = arith.constant 0 : i32
      %dma_wait3A_45 = arith.constant 0 : i32
      %dma_wait3A_46 = tpu.memref_slice %arg4[%add3A, %dma_wait3A_44, %dma_wait3A_45] : memref<32x82x128xi32, #tpu.memory_space<hbm>> -> memref<1x82x128xi32, #tpu.memory_space<hbm>>
      %dma_wait3A_47 = tpu.memref_squeeze %dma_wait3A_46 : memref<1x82x128xi32, #tpu.memory_space<hbm>> -> memref<82x128xi32, #tpu.memory_space<hbm>>
      tpu.wait_dma2 semaphore(%run_scoped3A : memref<!tpu.dma_semaphore, #tpu.memory_space<semaphore_mem>>) src(%dma_wait3A_47 : memref<82x128xi32, #tpu.memory_space<hbm>>) dst(%arg9 : memref<82x128xi32, #tpu.memory_space<vmem>>)
      tpu.yield
    }) : () -> ()
    "tpu.region"() ({
      %run_scoped3A = tpu.sem_alloc : memref<!tpu.dma_semaphore, #tpu.memory_space<semaphore_mem>>
      %dma_start3A_32 = arith.constant 0 : i32
      %dma_start3A_33 = tpu.memref_slice %arg5[%add3A, %dma_start3A_32] : memref<32x16xi32, #tpu.memory_space<hbm>> -> memref<1x16xi32, #tpu.memory_space<hbm>>
      %dma_start3A_34 = tpu.memref_squeeze %dma_start3A_33 : memref<1x16xi32, #tpu.memory_space<hbm>> -> memref<16xi32, #tpu.memory_space<hbm>>
      %dma_start3A_35 = arith.constant 0 : i32
      %dma_start3A_36 = tpu.memref_slice %arg5[%add3A, %dma_start3A_35] : memref<32x16xi32, #tpu.memory_space<hbm>> -> memref<1x16xi32, #tpu.memory_space<hbm>>
      %dma_start3A_37 = tpu.memref_squeeze %dma_start3A_36 : memref<1x16xi32, #tpu.memory_space<hbm>> -> memref<16xi32, #tpu.memory_space<hbm>>
      tpu.enqueue_dma source(%dma_start3A_37 : memref<16xi32, #tpu.memory_space<hbm>>) target(%arg11 : memref<16xi32, #tpu.memory_space<vmem>>) target_semaphore(%run_scoped3A : memref<!tpu.dma_semaphore, #tpu.memory_space<semaphore_mem>>)
      %dma_wait3A_38 = arith.constant 0 : i32
      %dma_wait3A_39 = tpu.memref_slice %arg5[%add3A, %dma_wait3A_38] : memref<32x16xi32, #tpu.memory_space<hbm>> -> memref<1x16xi32, #tpu.memory_space<hbm>>
      %dma_wait3A_40 = tpu.memref_squeeze %dma_wait3A_39 : memref<1x16xi32, #tpu.memory_space<hbm>> -> memref<16xi32, #tpu.memory_space<hbm>>
      %dma_wait3A_41 = arith.constant 0 : i32
      %dma_wait3A_42 = tpu.memref_slice %arg5[%add3A, %dma_wait3A_41] : memref<32x16xi32, #tpu.memory_space<hbm>> -> memref<1x16xi32, #tpu.memory_space<hbm>>
      %dma_wait3A_43 = tpu.memref_squeeze %dma_wait3A_42 : memref<1x16xi32, #tpu.memory_space<hbm>> -> memref<16xi32, #tpu.memory_space<hbm>>
      tpu.wait_dma2 semaphore(%run_scoped3A : memref<!tpu.dma_semaphore, #tpu.memory_space<semaphore_mem>>) src(%dma_wait3A_43 : memref<16xi32, #tpu.memory_space<hbm>>) dst(%arg11 : memref<16xi32, #tpu.memory_space<vmem>>)
      tpu.yield
    }) : () -> ()
    %get3A = arith.constant 0 : index
    %get3A_12 = tpu.vector_load %arg11[%get3A] {strides = array<i32>} : memref<16xi32, #tpu.memory_space<vmem>>, vector<16xi32>,
    %slice3A = vector.extract_strided_slice %get3A_12 {offsets = [0], sizes = [1], strides = [1]} : vector<16xi32> to vector<1xi32>
    %squeeze3A = vector.extract %slice3A[0] : i32 from vector<1xi32>
    %dma_wait3A = arith.constant 0 : i32
    %dma_wait3A_13 = arith.constant 0 : i32
    %dma_wait3A_14 = tpu.memref_slice %arg3[%add3A, %dma_wait3A, %dma_wait3A_13] : memref<32x82x128xi32, #tpu.memory_space<hbm>> -> memref<1x82x128xi32, #tpu.memory_space<hbm>>
    %dma_wait3A_15 = tpu.memref_squeeze %dma_wait3A_14 : memref<1x82x128xi32, #tpu.memory_space<hbm>> -> memref<82x128xi32, #tpu.memory_space<hbm>>
    %dma_wait3A_16 = arith.constant 0 : i32
    %dma_wait3A_17 = arith.constant 0 : i32
    %dma_wait3A_18 = tpu.memref_slice %arg3[%add3A, %dma_wait3A_16, %dma_wait3A_17] : memref<32x82x128xi32, #tpu.memory_space<hbm>> -> memref<1x82x128xi32, #tpu.memory_space<hbm>>
    %dma_wait3A_19 = tpu.memref_squeeze %dma_wait3A_18 : memref<1x82x128xi32, #tpu.memory_space<hbm>> -> memref<82x128xi32, #tpu.memory_space<hbm>>
    tpu.wait_dma2 semaphore(%arg14 : memref<!tpu.dma_semaphore, #tpu.memory_space<semaphore_mem>>) src(%dma_wait3A_19 : memref<82x128xi32, #tpu.memory_space<hbm>>) dst(%arg8 : memref<82x128xi32, #tpu.memory_space<vmem>>)
    %dma_wait3A_20 = arith.constant 0 : i32
    %dma_wait3A_21 = tpu.memref_slice %arg12[%mul3A_2, %dma_wait3A_20] : memref<10112x128xf32, #tpu.memory_space<vmem_shared>> -> memref<632x128xf32, #tpu.memory_space<vmem_shared>>
    tpu.wait_dma2 semaphore(%arg13 : memref<!tpu.dma_semaphore, #tpu.memory_space<semaphore_mem>>) src(%arg6 : memref<632x128xf32, #tpu.memory_space<hbm>>) dst(%dma_wait3A_21 : memref<632x128xf32, #tpu.memory_space<vmem_shared>>)
    %barrier3A = arith.constant 0 : index
    tpu.barrier barrier_id(%barrier3A)
    %while3A = arith.constant 0 : i32
    %while3A_22 = arith.constant 0 : i32
    %while3A_23 = arith.subi %squeeze3A, %while3A_22 : i32
    %while3A_24 = arith.addi %while3A_22, %while3A_23 : i32
    %while3A_25 = arith.constant 1 : i32
    %while3A_26 = arith.divsi %while3A_23, %while3A_25 : i32
    %while3A_27 = arith.muli %while3A_26, %while3A_25 : i32
    %while3A_28 = arith.addi %while3A_22, %while3A_27 : i32
    %while3A_29 = arith.constant 1 : i32
    scf.for %while3A_32 = %while3A_22 to %while3A_28 step %while3A_29  : i32 {
      %dma_start3A_33 = arith.constant 0 : i32
      %dma_start3A_34 = arith.constant 0 : i32
      %dma_start3A_35 = tpu.memref_slice %arg10[%dma_start3A_33, %dma_start3A_34] : memref<128x128xf32, #tpu.memory_space<vmem>> -> memref<64x128xf32, #tpu.memory_space<vmem>>
      %dma_start3A_36 = arith.constant 0 : i32
      %dma_start3A_37 = tpu.memref_slice %arg8[%while3A_32, %dma_start3A_36] : memref<82x128xi32, #tpu.memory_space<vmem>> -> memref<1x64xi32, #tpu.memory_space<vmem>>
      %dma_start3A_38 = tpu.memref_squeeze %dma_start3A_37 : memref<1x64xi32, #tpu.memory_space<vmem>> -> memref<64xi32, #tpu.memory_space<vmem>>
      %dma_start3A_39 = arith.constant 0 : i32
      %dma_start3A_40 = arith.constant 0 : i32
      %dma_start3A_41 = tpu.memref_slice %arg2[%dma_start3A_39, %dma_start3A_40] : memref<10112x128xf32, #tpu.memory_space<hbm>> -> memref<10112x128xf32, #tpu.memory_space<hbm>>
      tpu.enqueue_indirect_dma source(%dma_start3A_41 : memref<10112x128xf32, #tpu.memory_space<hbm>>) target(%dma_start3A_35 : memref<64x128xf32, #tpu.memory_space<vmem>>) offsets(%dma_start3A_38 : memref<64xi32, #tpu.memory_space<vmem>>) semaphore(%arg13 : memref<!tpu.dma_semaphore, #tpu.memory_space<semaphore_mem>>)
      %dma_start3A_42 = arith.constant 64 : i32
      %dma_start3A_43 = arith.constant 0 : i32
      %dma_start3A_44 = tpu.memref_slice %arg10[%dma_start3A_42, %dma_start3A_43] : memref<128x128xf32, #tpu.memory_space<vmem>> -> memref<64x128xf32, #tpu.memory_space<vmem>>
      %dma_start3A_45 = arith.constant 64 : i32
      %dma_start3A_46 = tpu.memref_slice %arg8[%while3A_32, %dma_start3A_45] : memref<82x128xi32, #tpu.memory_space<vmem>> -> memref<1x64xi32, #tpu.memory_space<vmem>>
      %dma_start3A_47 = tpu.memref_squeeze %dma_start3A_46 : memref<1x64xi32, #tpu.memory_space<vmem>> -> memref<64xi32, #tpu.memory_space<vmem>>
      %dma_start3A_48 = arith.constant 0 : i32
      %dma_start3A_49 = arith.constant 0 : i32
      %dma_start3A_50 = tpu.memref_slice %arg2[%dma_start3A_48, %dma_start3A_49] : memref<10112x128xf32, #tpu.memory_space<hbm>> -> memref<10112x128xf32, #tpu.memory_space<hbm>>
      tpu.enqueue_indirect_dma source(%dma_start3A_50 : memref<10112x128xf32, #tpu.memory_space<hbm>>) target(%dma_start3A_44 : memref<64x128xf32, #tpu.memory_space<vmem>>) offsets(%dma_start3A_47 : memref<64xi32, #tpu.memory_space<vmem>>) semaphore(%arg14 : memref<!tpu.dma_semaphore, #tpu.memory_space<semaphore_mem>>)
      %dma_wait3A_51 = arith.constant 0 : i32
      %dma_wait3A_52 = arith.constant 0 : i32
      %dma_wait3A_53 = tpu.memref_slice %arg10[%dma_wait3A_51, %dma_wait3A_52] : memref<128x128xf32, #tpu.memory_space<vmem>> -> memref<64x128xf32, #tpu.memory_space<vmem>>
      %dma_wait3A_54 = arith.constant 0 : i32
      %dma_wait3A_55 = tpu.memref_slice %arg8[%while3A_32, %dma_wait3A_54] : memref<82x128xi32, #tpu.memory_space<vmem>> -> memref<1x64xi32, #tpu.memory_space<vmem>>
      %dma_wait3A_56 = tpu.memref_squeeze %dma_wait3A_55 : memref<1x64xi32, #tpu.memory_space<vmem>> -> memref<64xi32, #tpu.memory_space<vmem>>
      %dma_wait3A_57 = arith.constant 0 : i32
      %dma_wait3A_58 = arith.constant 0 : i32
      %dma_wait3A_59 = tpu.memref_slice %arg2[%dma_wait3A_57, %dma_wait3A_58] : memref<10112x128xf32, #tpu.memory_space<hbm>> -> memref<10112x128xf32, #tpu.memory_space<hbm>>
      tpu.wait_indirect_dma semaphore(%arg13 : memref<!tpu.dma_semaphore, #tpu.memory_space<semaphore_mem>>) src(%dma_wait3A_59 : memref<10112x128xf32, #tpu.memory_space<hbm>>) dst(%dma_wait3A_53 : memref<64x128xf32, #tpu.memory_space<vmem>>)
      %dma_wait3A_60 = arith.constant 64 : i32
      %dma_wait3A_61 = arith.constant 0 : i32
      %dma_wait3A_62 = tpu.memref_slice %arg10[%dma_wait3A_60, %dma_wait3A_61] : memref<128x128xf32, #tpu.memory_space<vmem>> -> memref<64x128xf32, #tpu.memory_space<vmem>>
      %dma_wait3A_63 = arith.constant 64 : i32
      %dma_wait3A_64 = tpu.memref_slice %arg8[%while3A_32, %dma_wait3A_63] : memref<82x128xi32, #tpu.memory_space<vmem>> -> memref<1x64xi32, #tpu.memory_space<vmem>>
      %dma_wait3A_65 = tpu.memref_squeeze %dma_wait3A_64 : memref<1x64xi32, #tpu.memory_space<vmem>> -> memref<64xi32, #tpu.memory_space<vmem>>
      %dma_wait3A_66 = arith.constant 0 : i32
      %dma_wait3A_67 = arith.constant 0 : i32
      %dma_wait3A_68 = tpu.memref_slice %arg2[%dma_wait3A_66, %dma_wait3A_67] : memref<10112x128xf32, #tpu.memory_space<hbm>> -> memref<10112x128xf32, #tpu.memory_space<hbm>>
      tpu.wait_indirect_dma semaphore(%arg14 : memref<!tpu.dma_semaphore, #tpu.memory_space<semaphore_mem>>) src(%dma_wait3A_68 : memref<10112x128xf32, #tpu.memory_space<hbm>>) dst(%dma_wait3A_62 : memref<64x128xf32, #tpu.memory_space<vmem>>)
      "tpu.region"() ({
        %run_scoped3A = tpu.sem_alloc : memref<!tpu.dma_semaphore, #tpu.memory_space<semaphore_mem>>
        %dma_start3A_69 = arith.constant 0 : i32
        %dma_start3A_70 = tpu.memref_slice %arg9[%while3A_32, %dma_start3A_69] : memref<82x128xi32, #tpu.memory_space<vmem>> -> memref<1x128xi32, #tpu.memory_space<vmem>>
        %dma_start3A_71 = tpu.memref_squeeze %dma_start3A_70 : memref<1x128xi32, #tpu.memory_space<vmem>> -> memref<128xi32, #tpu.memory_space<vmem>>
        %dma_start3A_72 = arith.constant 0 : i32
        %dma_start3A_73 = arith.constant 0 : i32
        %dma_start3A_74 = tpu.memref_slice %arg12[%dma_start3A_72, %dma_start3A_73] : memref<10112x128xf32, #tpu.memory_space<vmem_shared>> -> memref<10112x128xf32, #tpu.memory_space<vmem_shared>>
        tpu.enqueue_indirect_dma source(%arg10 : memref<128x128xf32, #tpu.memory_space<vmem>>) target(%dma_start3A_74 : memref<10112x128xf32, #tpu.memory_space<vmem_shared>>) offsets(%dma_start3A_71 : memref<128xi32, #tpu.memory_space<vmem>>) semaphore(%run_scoped3A : memref<!tpu.dma_semaphore, #tpu.memory_space<semaphore_mem>>) {add = true}
        %dma_wait3A_75 = arith.constant 0 : i32
        %dma_wait3A_76 = tpu.memref_slice %arg9[%while3A_32, %dma_wait3A_75] : memref<82x128xi32, #tpu.memory_space<vmem>> -> memref<1x128xi32, #tpu.memory_space<vmem>>
        %dma_wait3A_77 = tpu.memref_squeeze %dma_wait3A_76 : memref<1x128xi32, #tpu.memory_space<vmem>> -> memref<128xi32, #tpu.memory_space<vmem>>
        %dma_wait3A_78 = arith.constant 0 : i32
        %dma_wait3A_79 = arith.constant 0 : i32
        %dma_wait3A_80 = tpu.memref_slice %arg12[%dma_wait3A_78, %dma_wait3A_79] : memref<10112x128xf32, #tpu.memory_space<vmem_shared>> -> memref<10112x128xf32, #tpu.memory_space<vmem_shared>>
        tpu.wait_indirect_dma semaphore(%run_scoped3A : memref<!tpu.dma_semaphore, #tpu.memory_space<semaphore_mem>>) src(%arg10 : memref<128x128xf32, #tpu.memory_space<vmem>>) dst(%dma_wait3A_80 : memref<10112x128xf32, #tpu.memory_space<vmem_shared>>)
        tpu.yield
      }) : () -> ()
    }
    %while3A_30 = arith.constant 1 : i32
    scf.for %while3A_32 = %while3A_28 to %while3A_24 step %while3A_30  : i32 {
      %dma_start3A_33 = arith.constant 0 : i32
      %dma_start3A_34 = arith.constant 0 : i32
      %dma_start3A_35 = tpu.memref_slice %arg10[%dma_start3A_33, %dma_start3A_34] : memref<128x128xf32, #tpu.memory_space<vmem>> -> memref<64x128xf32, #tpu.memory_space<vmem>>
      %dma_start3A_36 = arith.constant 0 : i32
      %dma_start3A_37 = tpu.memref_slice %arg8[%while3A_32, %dma_start3A_36] : memref<82x128xi32, #tpu.memory_space<vmem>> -> memref<1x64xi32, #tpu.memory_space<vmem>>
      %dma_start3A_38 = tpu.memref_squeeze %dma_start3A_37 : memref<1x64xi32, #tpu.memory_space<vmem>> -> memref<64xi32, #tpu.memory_space<vmem>>
      %dma_start3A_39 = arith.constant 0 : i32
      %dma_start3A_40 = arith.constant 0 : i32
      %dma_start3A_41 = tpu.memref_slice %arg2[%dma_start3A_39, %dma_start3A_40] : memref<10112x128xf32, #tpu.memory_space<hbm>> -> memref<10112x128xf32, #tpu.memory_space<hbm>>
      tpu.enqueue_indirect_dma source(%dma_start3A_41 : memref<10112x128xf32, #tpu.memory_space<hbm>>) target(%dma_start3A_35 : memref<64x128xf32, #tpu.memory_space<vmem>>) offsets(%dma_start3A_38 : memref<64xi32, #tpu.memory_space<vmem>>) semaphore(%arg13 : memref<!tpu.dma_semaphore, #tpu.memory_space<semaphore_mem>>)
      %dma_start3A_42 = arith.constant 64 : i32
      %dma_start3A_43 = arith.constant 0 : i32
      %dma_start3A_44 = tpu.memref_slice %arg10[%dma_start3A_42, %dma_start3A_43] : memref<128x128xf32, #tpu.memory_space<vmem>> -> memref<64x128xf32, #tpu.memory_space<vmem>>
      %dma_start3A_45 = arith.constant 64 : i32
      %dma_start3A_46 = tpu.memref_slice %arg8[%while3A_32, %dma_start3A_45] : memref<82x128xi32, #tpu.memory_space<vmem>> -> memref<1x64xi32, #tpu.memory_space<vmem>>
      %dma_start3A_47 = tpu.memref_squeeze %dma_start3A_46 : memref<1x64xi32, #tpu.memory_space<vmem>> -> memref<64xi32, #tpu.memory_space<vmem>>
      %dma_start3A_48 = arith.constant 0 : i32
      %dma_start3A_49 = arith.constant 0 : i32
      %dma_start3A_50 = tpu.memref_slice %arg2[%dma_start3A_48, %dma_start3A_49] : memref<10112x128xf32, #tpu.memory_space<hbm>> -> memref<10112x128xf32, #tpu.memory_space<hbm>>
      tpu.enqueue_indirect_dma source(%dma_start3A_50 : memref<10112x128xf32, #tpu.memory_space<hbm>>) target(%dma_start3A_44 : memref<64x128xf32, #tpu.memory_space<vmem>>) offsets(%dma_start3A_47 : memref<64xi32, #tpu.memory_space<vmem>>) semaphore(%arg14 : memref<!tpu.dma_semaphore, #tpu.memory_space<semaphore_mem>>)
      %dma_wait3A_51 = arith.constant 0 : i32
      %dma_wait3A_52 = arith.constant 0 : i32
      %dma_wait3A_53 = tpu.memref_slice %arg10[%dma_wait3A_51, %dma_wait3A_52] : memref<128x128xf32, #tpu.memory_space<vmem>> -> memref<64x128xf32, #tpu.memory_space<vmem>>
      %dma_wait3A_54 = arith.constant 0 : i32
      %dma_wait3A_55 = tpu.memref_slice %arg8[%while3A_32, %dma_wait3A_54] : memref<82x128xi32, #tpu.memory_space<vmem>> -> memref<1x64xi32, #tpu.memory_space<vmem>>
      %dma_wait3A_56 = tpu.memref_squeeze %dma_wait3A_55 : memref<1x64xi32, #tpu.memory_space<vmem>> -> memref<64xi32, #tpu.memory_space<vmem>>
      %dma_wait3A_57 = arith.constant 0 : i32
      %dma_wait3A_58 = arith.constant 0 : i32
      %dma_wait3A_59 = tpu.memref_slice %arg2[%dma_wait3A_57, %dma_wait3A_58] : memref<10112x128xf32, #tpu.memory_space<hbm>> -> memref<10112x128xf32, #tpu.memory_space<hbm>>
      tpu.wait_indirect_dma semaphore(%arg13 : memref<!tpu.dma_semaphore, #tpu.memory_space<semaphore_mem>>) src(%dma_wait3A_59 : memref<10112x128xf32, #tpu.memory_space<hbm>>) dst(%dma_wait3A_53 : memref<64x128xf32, #tpu.memory_space<vmem>>)
      %dma_wait3A_60 = arith.constant 64 : i32
      %dma_wait3A_61 = arith.constant 0 : i32
      %dma_wait3A_62 = tpu.memref_slice %arg10[%dma_wait3A_60, %dma_wait3A_61] : memref<128x128xf32, #tpu.memory_space<vmem>> -> memref<64x128xf32, #tpu.memory_space<vmem>>
      %dma_wait3A_63 = arith.constant 64 : i32
      %dma_wait3A_64 = tpu.memref_slice %arg8[%while3A_32, %dma_wait3A_63] : memref<82x128xi32, #tpu.memory_space<vmem>> -> memref<1x64xi32, #tpu.memory_space<vmem>>
      %dma_wait3A_65 = tpu.memref_squeeze %dma_wait3A_64 : memref<1x64xi32, #tpu.memory_space<vmem>> -> memref<64xi32, #tpu.memory_space<vmem>>
      %dma_wait3A_66 = arith.constant 0 : i32
      %dma_wait3A_67 = arith.constant 0 : i32
      %dma_wait3A_68 = tpu.memref_slice %arg2[%dma_wait3A_66, %dma_wait3A_67] : memref<10112x128xf32, #tpu.memory_space<hbm>> -> memref<10112x128xf32, #tpu.memory_space<hbm>>
      tpu.wait_indirect_dma semaphore(%arg14 : memref<!tpu.dma_semaphore, #tpu.memory_space<semaphore_mem>>) src(%dma_wait3A_68 : memref<10112x128xf32, #tpu.memory_space<hbm>>) dst(%dma_wait3A_62 : memref<64x128xf32, #tpu.memory_space<vmem>>)
      "tpu.region"() ({
        %run_scoped3A = tpu.sem_alloc : memref<!tpu.dma_semaphore, #tpu.memory_space<semaphore_mem>>
        %dma_start3A_69 = arith.constant 0 : i32
        %dma_start3A_70 = tpu.memref_slice %arg9[%while3A_32, %dma_start3A_69] : memref<82x128xi32, #tpu.memory_space<vmem>> -> memref<1x128xi32, #tpu.memory_space<vmem>>
        %dma_start3A_71 = tpu.memref_squeeze %dma_start3A_70 : memref<1x128xi32, #tpu.memory_space<vmem>> -> memref<128xi32, #tpu.memory_space<vmem>>
        %dma_start3A_72 = arith.constant 0 : i32
        %dma_start3A_73 = arith.constant 0 : i32
        %dma_start3A_74 = tpu.memref_slice %arg12[%dma_start3A_72, %dma_start3A_73] : memref<10112x128xf32, #tpu.memory_space<vmem_shared>> -> memref<10112x128xf32, #tpu.memory_space<vmem_shared>>
        tpu.enqueue_indirect_dma source(%arg10 : memref<128x128xf32, #tpu.memory_space<vmem>>) target(%dma_start3A_74 : memref<10112x128xf32, #tpu.memory_space<vmem_shared>>) offsets(%dma_start3A_71 : memref<128xi32, #tpu.memory_space<vmem>>) semaphore(%run_scoped3A : memref<!tpu.dma_semaphore, #tpu.memory_space<semaphore_mem>>) {add = true}
        %dma_wait3A_75 = arith.constant 0 : i32
        %dma_wait3A_76 = tpu.memref_slice %arg9[%while3A_32, %dma_wait3A_75] : memref<82x128xi32, #tpu.memory_space<vmem>> -> memref<1x128xi32, #tpu.memory_space<vmem>>
        %dma_wait3A_77 = tpu.memref_squeeze %dma_wait3A_76 : memref<1x128xi32, #tpu.memory_space<vmem>> -> memref<128xi32, #tpu.memory_space<vmem>>
        %dma_wait3A_78 = arith.constant 0 : i32
        %dma_wait3A_79 = arith.constant 0 : i32
        %dma_wait3A_80 = tpu.memref_slice %arg12[%dma_wait3A_78, %dma_wait3A_79] : memref<10112x128xf32, #tpu.memory_space<vmem_shared>> -> memref<10112x128xf32, #tpu.memory_space<vmem_shared>>
        tpu.wait_indirect_dma semaphore(%run_scoped3A : memref<!tpu.dma_semaphore, #tpu.memory_space<semaphore_mem>>) src(%arg10 : memref<128x128xf32, #tpu.memory_space<vmem>>) dst(%dma_wait3A_80 : memref<10112x128xf32, #tpu.memory_space<vmem_shared>>)
        tpu.yield
      }) : () -> ()
    }
    %barrier3A_31 = arith.constant 0 : index
    tpu.barrier barrier_id(%barrier3A_31)
    "tpu.region"() ({
      %run_scoped3A = tpu.sem_alloc : memref<!tpu.dma_semaphore, #tpu.memory_space<semaphore_mem>>
      %dma_start3A_32 = arith.constant 0 : i32
      %dma_start3A_33 = arith.constant 0 : i32
      %dma_start3A_34 = tpu.memref_slice %arg7[%arg0, %dma_start3A_32, %dma_start3A_33] : memref<2x10112x128xf32, #tpu.memory_space<hbm>> -> memref<1x10112x128xf32, #tpu.memory_space<hbm>>
      %dma_start3A_35 = tpu.memref_squeeze %dma_start3A_34 : memref<1x10112x128xf32, #tpu.memory_space<hbm>> -> memref<10112x128xf32, #tpu.memory_space<hbm>>
      %dma_start3A_36 = arith.constant 0 : i32
      %dma_start3A_37 = tpu.memref_slice %dma_start3A_35[%mul3A_2, %dma_start3A_36] : memref<10112x128xf32, #tpu.memory_space<hbm>> -> memref<632x128xf32, #tpu.memory_space<hbm>>
      %dma_start3A_38 = arith.constant 0 : i32
      %dma_start3A_39 = tpu.memref_slice %arg12[%mul3A_2, %dma_start3A_38] : memref<10112x128xf32, #tpu.memory_space<vmem_shared>> -> memref<632x128xf32, #tpu.memory_space<vmem_shared>>
      tpu.enqueue_dma source(%dma_start3A_39 : memref<632x128xf32, #tpu.memory_space<vmem_shared>>) target(%dma_start3A_37 : memref<632x128xf32, #tpu.memory_space<hbm>>) target_semaphore(%run_scoped3A : memref<!tpu.dma_semaphore, #tpu.memory_space<semaphore_mem>>)
      %dma_wait3A_40 = arith.constant 0 : i32
      %dma_wait3A_41 = arith.constant 0 : i32
      %dma_wait3A_42 = tpu.memref_slice %arg7[%arg0, %dma_wait3A_40, %dma_wait3A_41] : memref<2x10112x128xf32, #tpu.memory_space<hbm>> -> memref<1x10112x128xf32, #tpu.memory_space<hbm>>
      %dma_wait3A_43 = tpu.memref_squeeze %dma_wait3A_42 : memref<1x10112x128xf32, #tpu.memory_space<hbm>> -> memref<10112x128xf32, #tpu.memory_space<hbm>>
      %dma_wait3A_44 = arith.constant 0 : i32
      %dma_wait3A_45 = tpu.memref_slice %dma_wait3A_43[%mul3A_2, %dma_wait3A_44] : memref<10112x128xf32, #tpu.memory_space<hbm>> -> memref<632x128xf32, #tpu.memory_space<hbm>>
      %dma_wait3A_46 = arith.constant 0 : i32
      %dma_wait3A_47 = tpu.memref_slice %arg12[%mul3A_2, %dma_wait3A_46] : memref<10112x128xf32, #tpu.memory_space<vmem_shared>> -> memref<632x128xf32, #tpu.memory_space<vmem_shared>>
      tpu.wait_dma2 semaphore(%run_scoped3A : memref<!tpu.dma_semaphore, #tpu.memory_space<semaphore_mem>>) src(%dma_wait3A_47 : memref<632x128xf32, #tpu.memory_space<vmem_shared>>) dst(%dma_wait3A_45 : memref<632x128xf32, #tpu.memory_space<hbm>>)
      tpu.yield
    }) : () -> ()
    return
  }
}

module attributes {stable_mosaic.version = 14 : i64} {
  func.func @_k1_score(%arg0: memref<79x128x128xf32, #tpu.memory_space<vmem>>, %arg1: memref<1x128xf32, #tpu.memory_space<vmem>>, %arg2: memref<79x128xf32, #tpu.memory_space<vmem>>, %arg3: memref<1x128xf32, #tpu.memory_space<vmem>>) attributes {dimension_semantics = [], scalar_prefetch = 0 : i64, scratch_operands = 0 : i64, tpu.core_type = #tpu.core_type<tc>} {
    %get3A = arith.constant 0 : index
    %get3A_0 = arith.constant 0 : index
    %get3A_1 = arith.constant 0 : index
    %get3A_2 = vector.load %arg0[%get3A, %get3A_0, %get3A_1] : memref<79x128x128xf32, #tpu.memory_space<vmem>>, vector<79x128x128xf32>
    %get3A_3 = arith.constant 0 : index
    %get3A_4 = arith.constant 0 : index
    %get3A_5 = vector.load %arg1[%get3A_3, %get3A_4] : memref<1x128xf32, #tpu.memory_space<vmem>>, vector<1x128xf32>
    %broadcast_in_dim3A = vector.shape_cast %get3A_5 : vector<1x128xf32> to vector<1x1x128xf32>
    %mul3A = vector.broadcast %broadcast_in_dim3A : vector<1x1x128xf32> to vector<79x128x128xf32>
    %mul3A_6 = arith.mulf %get3A_2, %mul3A : vector<79x128x128xf32>
    %reduce_sum3A = arith.constant dense<0.000000e+00> : vector<79x128xf32>
    %reduce_sum3A_7 = vector.multi_reduction <add>, %mul3A_6, %reduce_sum3A [2] : vector<79x128x128xf32> to vector<79x128xf32>
    %iota3A = tpu.iota {dimensions = array<i32: 0>} : vector<79x128xi32>
    %mul3A_8 = arith.constant 128 : i32
    %mul3A_9 = vector.broadcast %mul3A_8 : i32 to vector<79x128xi32>
    %mul3A_10 = arith.muli %iota3A, %mul3A_9 : vector<79x128xi32>
    %iota3A_11 = tpu.iota {dimensions = array<i32: 1>} : vector<79x128xi32>
    %add3A = arith.addi %mul3A_10, %iota3A_11 : vector<79x128xi32>
    %lt3A = arith.constant 10000 : i32
    %lt3A_12 = vector.broadcast %lt3A : i32 to vector<79x128xi32>
    %lt3A_13 = arith.cmpi slt, %add3A, %lt3A_12 : vector<79x128xi32>
    %jit3A = arith.constant -1.000000e+30 : f32
    %broadcast_in_dim3A_14 = vector.broadcast %jit3A : f32 to vector<79x128xf32>
    %select_n3A = arith.select %lt3A_13, %reduce_sum3A_7, %broadcast_in_dim3A_14 : vector<79x128xi1>, vector<79x128xf32>
    %swap3A = arith.constant 0 : index
    %swap3A_15 = arith.constant 0 : index
    %swap3A_16 = vector.load %arg2[%swap3A, %swap3A_15] : memref<79x128xf32, #tpu.memory_space<vmem>>, vector<79x128xf32>
    tpu.vector_store %arg2[%swap3A, %swap3A_15], %select_n3A {strides = array<i32>} : memref<79x128xf32, #tpu.memory_space<vmem>>, vector<79x128xf32>,
    %mul3A_17 = arith.mulf %get3A_5, %get3A_5 : vector<1x128xf32>
    %reduce_sum3A_18 = vector.shape_cast %mul3A_17 : vector<1x128xf32> to vector<1x1x128xf32>
    %reduce_sum3A_19 = arith.constant dense<0.000000e+00> : vector<1xf32>
    %reduce_sum3A_20 = vector.multi_reduction <add>, %reduce_sum3A_18, %reduce_sum3A_19 [1, 2] : vector<1x1x128xf32> to vector<1xf32>
    %reduce_sum3A_21 = vector.shape_cast %reduce_sum3A_20 : vector<1xf32> to vector<1x1x1xf32>
    %reduce_sum3A_22 = vector.extract %reduce_sum3A_21[0, 0, 0] : f32 from vector<1x1x1xf32>
    %sqrt3A = math.sqrt %reduce_sum3A_22 : f32
    %add3A_23 = arith.constant 9.99999996E-13 : f32
    %add3A_24 = arith.addf %sqrt3A, %add3A_23 : f32
    %broadcast_in_dim3A_25 = arith.constant -0.847297847 : f32
    %broadcast_in_dim3A_26 = vector.broadcast %broadcast_in_dim3A_25 : f32 to vector<1x128xf32>
    %mul3A_27 = vector.broadcast %add3A_24 : f32 to vector<1x128xf32>
    %mul3A_28 = arith.mulf %broadcast_in_dim3A_26, %mul3A_27 : vector<1x128xf32>
    %swap3A_29 = arith.constant 0 : index
    %swap3A_30 = arith.constant 0 : index
    %swap3A_31 = vector.load %arg3[%swap3A_29, %swap3A_30] : memref<1x128xf32, #tpu.memory_space<vmem>>, vector<1x128xf32>
    tpu.vector_store %arg3[%swap3A_29, %swap3A_30], %mul3A_28 {strides = array<i32>} : memref<1x128xf32, #tpu.memory_space<vmem>>, vector<1x128xf32>,
    return
  }
}

module attributes {stable_mosaic.version = 14 : i64} {
  func.func @_k4_mlp(%arg0: i32, %arg1: memref<2528x128xf32, #tpu.memory_space<vmem>>, %arg2: memref<2528x128xf32, #tpu.memory_space<vmem>>, %arg3: memref<2528x128xf32, #tpu.memory_space<vmem>>, %arg4: memref<1x128xf32, #tpu.memory_space<vmem>>, %arg5: memref<128x128xf32, #tpu.memory_space<vmem>>, %arg6: memref<1x128xf32, #tpu.memory_space<vmem>>, %arg7: memref<128x128xf32, #tpu.memory_space<vmem>>, %arg8: memref<1x128xf32, #tpu.memory_space<vmem>>, %arg9: memref<2528x128xf32, #tpu.memory_space<vmem>>) attributes {dimension_semantics = [#tpu.dimension_semantics<arbitrary>], iteration_bounds = array<i64: 4>, scalar_prefetch = 0 : i64, scratch_operands = 0 : i64, tpu.core_type = #tpu.core_type<tc>, window_params = [{transform_indices = @transform_0, window_bounds = array<i64: 2528, 128>}, {transform_indices = @transform_1, window_bounds = array<i64: 2528, 128>}, {transform_indices = @transform_2, window_bounds = array<i64: 2528, 128>}, {pipeline_mode = #tpu.pipeline_mode<synchronous>, transform_indices = @transform_3, window_bounds = array<i64: 1, 128>}, {pipeline_mode = #tpu.pipeline_mode<synchronous>, transform_indices = @transform_4, window_bounds = array<i64: 128, 128>}, {pipeline_mode = #tpu.pipeline_mode<synchronous>, transform_indices = @transform_5, window_bounds = array<i64: 1, 128>}, {pipeline_mode = #tpu.pipeline_mode<synchronous>, transform_indices = @transform_6, window_bounds = array<i64: 128, 128>}, {pipeline_mode = #tpu.pipeline_mode<synchronous>, transform_indices = @transform_7, window_bounds = array<i64: 1, 128>}, {transform_indices = @transform_8, window_bounds = array<i64: 2528, 128>}]} {
    %get3A = arith.constant 0 : index
    %get3A_0 = arith.constant 0 : index
    %get3A_1 = vector.load %arg1[%get3A, %get3A_0] : memref<2528x128xf32, #tpu.memory_space<vmem>>, vector<2528x128xf32>
    %get3A_2 = arith.constant 0 : index
    %get3A_3 = arith.constant 0 : index
    %get3A_4 = vector.load %arg4[%get3A_2, %get3A_3] : memref<1x128xf32, #tpu.memory_space<vmem>>, vector<1x128xf32>
    %mul3A = vector.broadcast %get3A_4 : vector<1x128xf32> to vector<2528x128xf32>
    %mul3A_5 = arith.mulf %get3A_1, %mul3A : vector<2528x128xf32>
    %get3A_6 = arith.constant 0 : index
    %get3A_7 = arith.constant 0 : index
    %get3A_8 = vector.load %arg2[%get3A_6, %get3A_7] : memref<2528x128xf32, #tpu.memory_space<vmem>>, vector<2528x128xf32>
    %add3A = arith.addf %mul3A_5, %get3A_8 : vector<2528x128xf32>
    %get3A_9 = arith.constant 0 : index
    %get3A_10 = arith.constant 0 : index
    %get3A_11 = vector.load %arg3[%get3A_9, %get3A_10] : memref<2528x128xf32, #tpu.memory_space<vmem>>, vector<2528x128xf32>
    %add3A_12 = arith.addf %add3A, %get3A_11 : vector<2528x128xf32>
    %get3A_13 = arith.constant 0 : index
    %get3A_14 = arith.constant 0 : index
    %get3A_15 = vector.load %arg5[%get3A_13, %get3A_14] : memref<128x128xf32, #tpu.memory_space<vmem>>, vector<128x128xf32>
    %dot_general3A = arith.constant dense<0.000000e+00> : vector<2528x128xf32>
    %dot_general3A_16 = tpu.matmul %add3A_12, %get3A_15, %dot_general3A {dimension_numbers = #tpu.dot_dimension_numbers<[1], [0], [0], [1], [0, 0, 1, 1], [], []>, transpose_lhs_hint = false} : vector<2528x128xf32>, vector<128x128xf32>, vector<2528x128xf32> -> vector<2528x128xf32>
    %get3A_17 = arith.constant 0 : index
    %get3A_18 = arith.constant 0 : index
    %get3A_19 = vector.load %arg6[%get3A_17, %get3A_18] : memref<1x128xf32, #tpu.memory_space<vmem>>, vector<1x128xf32>
    %add3A_20 = vector.broadcast %get3A_19 : vector<1x128xf32> to vector<2528x128xf32>
    %add3A_21 = arith.addf %dot_general3A_16, %add3A_20 : vector<2528x128xf32>
    %max3A = arith.constant 0.000000e+00 : f32
    %max3A_22 = vector.broadcast %max3A : f32 to vector<2528x128xf32>
    %max3A_23 = arith.maximumf %add3A_21, %max3A_22 : vector<2528x128xf32>
    %get3A_24 = arith.constant 0 : index
    %get3A_25 = arith.constant 0 : index
    %get3A_26 = vector.load %arg7[%get3A_24, %get3A_25] : memref<128x128xf32, #tpu.memory_space<vmem>>, vector<128x128xf32>
    %dot_general3A_27 = arith.constant dense<0.000000e+00> : vector<2528x128xf32>
    %dot_general3A_28 = tpu.matmul %max3A_23, %get3A_26, %dot_general3A_27 {dimension_numbers = #tpu.dot_dimension_numbers<[1], [0], [0], [1], [0, 0, 1, 1], [], []>, transpose_lhs_hint = false} : vector<2528x128xf32>, vector<128x128xf32>, vector<2528x128xf32> -> vector<2528x128xf32>
    %get3A_29 = arith.constant 0 : index
    %get3A_30 = arith.constant 0 : index
    %get3A_31 = vector.load %arg8[%get3A_29, %get3A_30] : memref<1x128xf32, #tpu.memory_space<vmem>>, vector<1x128xf32>
    %add3A_32 = vector.broadcast %get3A_31 : vector<1x128xf32> to vector<2528x128xf32>
    %add3A_33 = arith.addf %dot_general3A_28, %add3A_32 : vector<2528x128xf32>
    %swap3A = arith.constant 0 : index
    %swap3A_34 = arith.constant 0 : index
    %swap3A_35 = vector.load %arg9[%swap3A, %swap3A_34] : memref<2528x128xf32, #tpu.memory_space<vmem>>, vector<2528x128xf32>
    tpu.vector_store %arg9[%swap3A, %swap3A_34], %add3A_33 {strides = array<i32>} : memref<2528x128xf32, #tpu.memory_space<vmem>>, vector<2528x128xf32>,
    return
  }
  func.func @transform_0(%arg0: i32) -> (i32, i32) {
    %c0_i32 = arith.constant 0 : i32
    %c0_i32_0 = arith.constant 0 : i32
    return %arg0, %c0_i32 : i32, i32
  }
  func.func @transform_1(%arg0: i32) -> (i32, i32) {
    %c0_i32 = arith.constant 0 : i32
    %c0_i32_0 = arith.constant 0 : i32
    return %arg0, %c0_i32 : i32, i32
  }
  func.func @transform_2(%arg0: i32) -> (i32, i32) {
    %c0_i32 = arith.constant 0 : i32
    %c0_i32_0 = arith.constant 0 : i32
    return %arg0, %c0_i32 : i32, i32
  }
  func.func @transform_3(%arg0: i32) -> (i32, i32) {
    %c0_i32 = arith.constant 0 : i32
    %c0_i32_0 = arith.constant 0 : i32
    %c0_i32_1 = arith.constant 0 : i32
    return %c0_i32, %c0_i32_0 : i32, i32
  }
  func.func @transform_4(%arg0: i32) -> (i32, i32) {
    %c0_i32 = arith.constant 0 : i32
    %c0_i32_0 = arith.constant 0 : i32
    %c0_i32_1 = arith.constant 0 : i32
    return %c0_i32, %c0_i32_0 : i32, i32
  }
  func.func @transform_5(%arg0: i32) -> (i32, i32) {
    %c0_i32 = arith.constant 0 : i32
    %c0_i32_0 = arith.constant 0 : i32
    %c0_i32_1 = arith.constant 0 : i32
    return %c0_i32, %c0_i32_0 : i32, i32
  }
  func.func @transform_6(%arg0: i32) -> (i32, i32) {
    %c0_i32 = arith.constant 0 : i32
    %c0_i32_0 = arith.constant 0 : i32
    %c0_i32_1 = arith.constant 0 : i32
    return %c0_i32, %c0_i32_0 : i32, i32
  }
  func.func @transform_7(%arg0: i32) -> (i32, i32) {
    %c0_i32 = arith.constant 0 : i32
    %c0_i32_0 = arith.constant 0 : i32
    %c0_i32_1 = arith.constant 0 : i32
    return %c0_i32, %c0_i32_0 : i32, i32
  }
  func.func @transform_8(%arg0: i32) -> (i32, i32) {
    %c0_i32 = arith.constant 0 : i32
    %c0_i32_0 = arith.constant 0 : i32
    return %arg0, %c0_i32 : i32, i32
  }
}

module attributes {stable_mosaic.version = 14 : i64} {
  func.func @_k5_pool(%arg0: i32, %arg1: memref<1x1x128xi32, #tpu.memory_space<vmem>>, %arg2: memref<32x128xf32, #tpu.memory_space<vmem>>, %arg3: memref<128x128xf32, #tpu.memory_space<vmem>>, %arg4: memref<128x128xf32, #tpu.memory_space<vmem>>, %arg5: memref<128x128xf32, #tpu.memory_space<vmem>>, %arg6: memref<8x128xi32, #tpu.memory_space<vmem>>, %arg7: memref<384x128xf32, #tpu.memory_space<vmem>>, %arg8: memref<1x128xf32, #tpu.memory_space<vmem>>, %arg9: memref<128x128xf32, #tpu.memory_space<vmem>>, %arg10: memref<1x128xf32, #tpu.memory_space<vmem>>, %arg11: memref<16x128xf32, #tpu.memory_space<vmem>>, %arg12: memref<128x512xbf16, #tpu.memory_space<vmem>>, %arg13: memref<1024x512xf32, #tpu.memory_space<vmem>>) attributes {dimension_semantics = [#tpu.dimension_semantics<arbitrary>], iteration_bounds = array<i64: 79>, scalar_prefetch = 0 : i64, scratch_operands = 2 : i64, tpu.core_type = #tpu.core_type<tc>, window_params = [{transform_indices = @transform_0, window_bounds = array<i64: 1, 1, 128>}, {transform_indices = @transform_1, window_bounds = array<i64: 32, 128>}, {transform_indices = @transform_2, window_bounds = array<i64: 128, 128>}, {transform_indices = @transform_3, window_bounds = array<i64: 128, 128>}, {transform_indices = @transform_4, window_bounds = array<i64: 128, 128>}, {pipeline_mode = #tpu.pipeline_mode<synchronous>, transform_indices = @transform_5, window_bounds = array<i64: 8, 128>}, {pipeline_mode = #tpu.pipeline_mode<synchronous>, transform_indices = @transform_6, window_bounds = array<i64: 384, 128>}, {pipeline_mode = #tpu.pipeline_mode<synchronous>, transform_indices = @transform_7, window_bounds = array<i64: 1, 128>}, {pipeline_mode = #tpu.pipeline_mode<synchronous>, transform_indices = @transform_8, window_bounds = array<i64: 128, 128>}, {pipeline_mode = #tpu.pipeline_mode<synchronous>, transform_indices = @transform_9, window_bounds = array<i64: 1, 128>}, {pipeline_mode = #tpu.pipeline_mode<synchronous>, transform_indices = @transform_10, window_bounds = array<i64: 16, 128>}]} {
    %get3A = arith.constant 0 : index
    %get3A_0 = arith.constant 0 : index
    %get3A_1 = arith.constant 0 : index
    %get3A_2 = vector.load %arg1[%get3A, %get3A_0, %get3A_1] : memref<1x1x128xi32, #tpu.memory_space<vmem>>, vector<1x1x128xi32>
    %reshape3A = vector.shape_cast %get3A_2 : vector<1x1x128xi32> to vector<1x128xi32>
    %get3A_3 = arith.constant 0 : index
    %get3A_4 = arith.constant 0 : index
    %get3A_5 = vector.load %arg2[%get3A_3, %get3A_4] : memref<32x128xf32, #tpu.memory_space<vmem>>, vector<32x128xf32>
    %reduce_sum3A = arith.constant dense<0.000000e+00> : vector<128xf32>
    %reduce_sum3A_6 = vector.multi_reduction <add>, %get3A_5, %reduce_sum3A [0] : vector<32x128xf32> to vector<128xf32>
    %broadcast_in_dim3A = vector.shape_cast %reduce_sum3A_6 : vector<128xf32> to vector<1x128xf32>
    %gt3A = arith.constant 0.000000e+00 : f32
    %gt3A_7 = vector.broadcast %gt3A : f32 to vector<1x128xf32>
    %gt3A_8 = arith.cmpf ogt, %broadcast_in_dim3A, %gt3A_7 : vector<1x128xf32>
    %convert_element_type3A = arith.extui %gt3A_8 : vector<1x128xi1> to vector<1x128xi32>
    %convert_element_type3A_9 = arith.sitofp %convert_element_type3A : vector<1x128xi32> to vector<1x128xf32>
    %convert_element_type3A_10 = arith.truncf %convert_element_type3A_9 : vector<1x128xf32> to vector<1x128xbf16>
    %iota3A = tpu.iota {dimensions = array<i32: 0>} : vector<1024x128xi32>
    %eq3A = vector.broadcast %reshape3A : vector<1x128xi32> to vector<1024x128xi32>
    %eq3A_11 = arith.cmpi eq, %iota3A, %eq3A : vector<1024x128xi32>
    %convert_element_type3A_12 = arith.extui %eq3A_11 : vector<1024x128xi1> to vector<1024x128xi32>
    %convert_element_type3A_13 = arith.sitofp %convert_element_type3A_12 : vector<1024x128xi32> to vector<1024x128xf32>
    %convert_element_type3A_14 = arith.truncf %convert_element_type3A_13 : vector<1024x128xf32> to vector<1024x128xbf16>
    %mul3A = vector.broadcast %convert_element_type3A_10 : vector<1x128xbf16> to vector<1024x128xbf16>
    %mul3A_15 = arith.mulf %convert_element_type3A_14, %mul3A : vector<1024x128xbf16>
    %get3A_16 = arith.constant 0 : index
    %get3A_17 = arith.constant 0 : index
    %get3A_18 = vector.load %arg3[%get3A_16, %get3A_17] : memref<128x128xf32, #tpu.memory_space<vmem>>, vector<128x128xf32>
    %convert_element_type3A_19 = arith.truncf %get3A_18 : vector<128x128xf32> to vector<128x128xbf16>
    %swap3A = arith.constant 0 : index
    %swap3A_20 = arith.constant 0 : index
    %swap3A_21 = vector.load %arg12[%swap3A, %swap3A_20] : memref<128x512xbf16, #tpu.memory_space<vmem>>, vector<128x128xbf16>
    tpu.vector_store %arg12[%swap3A, %swap3A_20], %convert_element_type3A_19 {strides = array<i32>} : memref<128x512xbf16, #tpu.memory_space<vmem>>, vector<128x128xbf16>,
    %get3A_22 = arith.constant 0 : index
    %get3A_23 = arith.constant 0 : index
    %get3A_24 = vector.load %arg4[%get3A_22, %get3A_23] : memref<128x128xf32, #tpu.memory_space<vmem>>, vector<128x128xf32>
    %convert_element_type3A_25 = arith.truncf %get3A_24 : vector<128x128xf32> to vector<128x128xbf16>
    %swap3A_26 = arith.constant 0 : index
    %swap3A_27 = arith.constant 128 : index
    %swap3A_28 = vector.load %arg12[%swap3A_26, %swap3A_27] : memref<128x512xbf16, #tpu.memory_space<vmem>>, vector<128x128xbf16>
    tpu.vector_store %arg12[%swap3A_26, %swap3A_27], %convert_element_type3A_25 {strides = array<i32>} : memref<128x512xbf16, #tpu.memory_space<vmem>>, vector<128x128xbf16>,
    %get3A_29 = arith.constant 0 : index
    %get3A_30 = arith.constant 0 : index
    %get3A_31 = vector.load %arg5[%get3A_29, %get3A_30] : memref<128x128xf32, #tpu.memory_space<vmem>>, vector<128x128xf32>
    %convert_element_type3A_32 = arith.truncf %get3A_31 : vector<128x128xf32> to vector<128x128xbf16>
    %swap3A_33 = arith.constant 0 : index
    %swap3A_34 = arith.constant 256 : index
    %swap3A_35 = vector.load %arg12[%swap3A_33, %swap3A_34] : memref<128x512xbf16, #tpu.memory_space<vmem>>, vector<128x128xbf16>
    tpu.vector_store %arg12[%swap3A_33, %swap3A_34], %convert_element_type3A_32 {strides = array<i32>} : memref<128x512xbf16, #tpu.memory_space<vmem>>, vector<128x128xbf16>,
    %iota3A_36 = tpu.iota {dimensions = array<i32: 1>} : vector<128x128xi32>
    %eq3A_37 = arith.constant 0 : i32
    %eq3A_38 = vector.broadcast %eq3A_37 : i32 to vector<128x128xi32>
    %eq3A_39 = arith.cmpi eq, %iota3A_36, %eq3A_38 : vector<128x128xi32>
    %convert_element_type3A_40 = arith.extui %eq3A_39 : vector<128x128xi1> to vector<128x128xi32>
    %convert_element_type3A_41 = arith.sitofp %convert_element_type3A_40 : vector<128x128xi32> to vector<128x128xf32>
    %convert_element_type3A_42 = arith.truncf %convert_element_type3A_41 : vector<128x128xf32> to vector<128x128xbf16>
    %swap3A_43 = arith.constant 0 : index
    %swap3A_44 = arith.constant 384 : index
    %swap3A_45 = vector.load %arg12[%swap3A_43, %swap3A_44] : memref<128x512xbf16, #tpu.memory_space<vmem>>, vector<128x128xbf16>
    tpu.vector_store %arg12[%swap3A_43, %swap3A_44], %convert_element_type3A_42 {strides = array<i32>} : memref<128x512xbf16, #tpu.memory_space<vmem>>, vector<128x128xbf16>,
    %eq3A_46 = arith.constant 0 : i32
    %eq3A_47 = arith.cmpi eq, %arg0, %eq3A_46 : i32
    %convert_element_type3A_48 = arith.extui %eq3A_47 : i1 to i32
    %cond3A = arith.constant 0 : i32
    %cond3A_49 = arith.cmpi ne, %convert_element_type3A_48, %cond3A : i32
    scf.if %cond3A_49 {
      %broadcast_in_dim3A_65 = arith.constant 0.000000e+00 : f32
      %broadcast_in_dim3A_66 = vector.broadcast %broadcast_in_dim3A_65 : f32 to vector<1024x512xf32>
      %swap3A_67 = arith.constant 0 : index
      %swap3A_68 = arith.constant 0 : index
      %swap3A_69 = vector.load %arg13[%swap3A_67, %swap3A_68] : memref<1024x512xf32, #tpu.memory_space<vmem>>, vector<1024x512xf32>
      tpu.vector_store %arg13[%swap3A_67, %swap3A_68], %broadcast_in_dim3A_66 {strides = array<i32>} : memref<1024x512xf32, #tpu.memory_space<vmem>>, vector<1024x512xf32>,
    } else {
    }
    %get3A_50 = arith.constant 0 : index
    %get3A_51 = arith.constant 0 : index
    %get3A_52 = vector.load %arg13[%get3A_50, %get3A_51] : memref<1024x512xf32, #tpu.memory_space<vmem>>, vector<1024x512xf32>
    %get3A_53 = arith.constant 0 : index
    %get3A_54 = arith.constant 0 : index
    %get3A_55 = vector.load %arg12[%get3A_53, %get3A_54] : memref<128x512xbf16, #tpu.memory_space<vmem>>, vector<128x512xbf16>
    %dot_general3A = arith.constant dense<0.000000e+00> : vector<1024x512xf32>
    %dot_general3A_56 = tpu.matmul %mul3A_15, %get3A_55, %dot_general3A {dimension_numbers = #tpu.dot_dimension_numbers<[1], [0], [0], [1], [0, 0, 1, 1], [], []>, transpose_lhs_hint = false} : vector<1024x128xbf16>, vector<128x512xbf16>, vector<1024x512xf32> -> vector<1024x512xf32>
    %add3A = arith.addf %get3A_52, %dot_general3A_56 : vector<1024x512xf32>
    %swap3A_57 = arith.constant 0 : index
    %swap3A_58 = arith.constant 0 : index
    %swap3A_59 = vector.load %arg13[%swap3A_57, %swap3A_58] : memref<1024x512xf32, #tpu.memory_space<vmem>>, vector<1024x512xf32>
    tpu.vector_store %arg13[%swap3A_57, %swap3A_58], %add3A {strides = array<i32>} : memref<1024x512xf32, #tpu.memory_space<vmem>>, vector<1024x512xf32>,
    %eq3A_60 = arith.constant 78 : i32
    %eq3A_61 = arith.cmpi eq, %arg0, %eq3A_60 : i32
    %convert_element_type3A_62 = arith.extui %eq3A_61 : i1 to i32
    %cond3A_63 = arith.constant 0 : i32
    %cond3A_64 = arith.cmpi ne, %convert_element_type3A_62, %cond3A_63 : i32
    scf.if %cond3A_64 {
      %get3A_65 = arith.constant 0 : index
      %get3A_66 = arith.constant 0 : index
      %get3A_67 = vector.load %arg13[%get3A_65, %get3A_66] : memref<1024x512xf32, #tpu.memory_space<vmem>>, vector<1024x512xf32>
      %get3A_68 = arith.constant 0 : index
      %get3A_69 = arith.constant 0 : index
      %get3A_70 = vector.load %arg6[%get3A_68, %get3A_69] : memref<8x128xi32, #tpu.memory_space<vmem>>, vector<8x128xi32>
      %reshape3A_71 = vector.shape_cast %get3A_70 : vector<8x128xi32> to vector<1x1024xi32>
      %slice3A = vector.extract_strided_slice %get3A_67 {offsets = [0, 384], sizes = [1024, 128], strides = [1, 1]} : vector<1024x512xf32> to vector<1024x128xf32>
      %broadcast_in_dim3A_72 = arith.constant 1.000000e+00 : f32
      %broadcast_in_dim3A_73 = vector.broadcast %broadcast_in_dim3A_72 : f32 to vector<128x128xf32>
      %dot_general3A_74 = arith.constant dense<0.000000e+00> : vector<1024x128xf32>
      %dot_general3A_75 = tpu.matmul %slice3A, %broadcast_in_dim3A_73, %dot_general3A_74 {dimension_numbers = #tpu.dot_dimension_numbers<[1], [0], [0], [1], [0, 0, 1, 1], [], []>, transpose_lhs_hint = false} : vector<1024x128xf32>, vector<128x128xf32>, vector<1024x128xf32> -> vector<1024x128xf32>
      %max3A = arith.constant 1.000000e+00 : f32
      %max3A_76 = vector.broadcast %max3A : f32 to vector<1024x128xf32>
      %max3A_77 = arith.maximumf %dot_general3A_75, %max3A_76 : vector<1024x128xf32>
      %iota3A_78 = tpu.iota {dimensions = array<i32: 0>} : vector<16x1024xi32>
      %eq3A_79 = vector.broadcast %reshape3A_71 : vector<1x1024xi32> to vector<16x1024xi32>
      %eq3A_80 = arith.cmpi eq, %iota3A_78, %eq3A_79 : vector<16x1024xi32>
      %convert_element_type3A_81 = arith.extui %eq3A_80 : vector<16x1024xi1> to vector<16x1024xi32>
      %convert_element_type3A_82 = arith.sitofp %convert_element_type3A_81 : vector<16x1024xi32> to vector<16x1024xf32>
      %slice3A_83 = vector.extract_strided_slice %get3A_67 {offsets = [0, 0], sizes = [1024, 128], strides = [1, 1]} : vector<1024x512xf32> to vector<1024x128xf32>
      %div3A = arith.divf %slice3A_83, %max3A_77 : vector<1024x128xf32>
      %dot_general3A_84 = arith.constant dense<0.000000e+00> : vector<16x128xf32>
      %dot_general3A_85 = tpu.matmul %convert_element_type3A_82, %div3A, %dot_general3A_84 {dimension_numbers = #tpu.dot_dimension_numbers<[1], [0], [0], [1], [0, 0, 1, 1], [], []>, transpose_lhs_hint = false} : vector<16x1024xf32>, vector<1024x128xf32>, vector<16x128xf32> -> vector<16x128xf32>
      %slice3A_86 = vector.extract_strided_slice %get3A_67 {offsets = [0, 128], sizes = [1024, 128], strides = [1, 1]} : vector<1024x512xf32> to vector<1024x128xf32>
      %div3A_87 = arith.divf %slice3A_86, %max3A_77 : vector<1024x128xf32>
      %dot_general3A_88 = arith.constant dense<0.000000e+00> : vector<16x128xf32>
      %dot_general3A_89 = tpu.matmul %convert_element_type3A_82, %div3A_87, %dot_general3A_88 {dimension_numbers = #tpu.dot_dimension_numbers<[1], [0], [0], [1], [0, 0, 1, 1], [], []>, transpose_lhs_hint = false} : vector<16x1024xf32>, vector<1024x128xf32>, vector<16x128xf32> -> vector<16x128xf32>
      %slice3A_90 = vector.extract_strided_slice %get3A_67 {offsets = [0, 256], sizes = [1024, 128], strides = [1, 1]} : vector<1024x512xf32> to vector<1024x128xf32>
      %div3A_91 = arith.divf %slice3A_90, %max3A_77 : vector<1024x128xf32>
      %dot_general3A_92 = arith.constant dense<0.000000e+00> : vector<16x128xf32>
      %dot_general3A_93 = tpu.matmul %convert_element_type3A_82, %div3A_91, %dot_general3A_92 {dimension_numbers = #tpu.dot_dimension_numbers<[1], [0], [0], [1], [0, 0, 1, 1], [], []>, transpose_lhs_hint = false} : vector<16x1024xf32>, vector<1024x128xf32>, vector<16x128xf32> -> vector<16x128xf32>
      %concatenate3A = tpu.concatenate %dot_general3A_85, %dot_general3A_89, %dot_general3A_93 in 1 : vector<16x128xf32>, vector<16x128xf32>, vector<16x128xf32> -> vector<16x384xf32>
      %get3A_94 = arith.constant 0 : index
      %get3A_95 = arith.constant 0 : index
      %get3A_96 = vector.load %arg7[%get3A_94, %get3A_95] : memref<384x128xf32, #tpu.memory_space<vmem>>, vector<384x128xf32>
      %dot_general3A_97 = arith.constant dense<0.000000e+00> : vector<16x128xf32>
      %dot_general3A_98 = tpu.matmul %concatenate3A, %get3A_96, %dot_general3A_97 {dimension_numbers = #tpu.dot_dimension_numbers<[1], [0], [0], [1], [0, 0, 1, 1], [], []>, transpose_lhs_hint = false} : vector<16x384xf32>, vector<384x128xf32>, vector<16x128xf32> -> vector<16x128xf32>
      %get3A_99 = arith.constant 0 : index
      %get3A_100 = arith.constant 0 : index
      %get3A_101 = vector.load %arg8[%get3A_99, %get3A_100] : memref<1x128xf32, #tpu.memory_space<vmem>>, vector<1x128xf32>
      %add3A_102 = vector.broadcast %get3A_101 : vector<1x128xf32> to vector<16x128xf32>
      %add3A_103 = arith.addf %dot_general3A_98, %add3A_102 : vector<16x128xf32>
      %max3A_104 = arith.constant 0.000000e+00 : f32
      %max3A_105 = vector.broadcast %max3A_104 : f32 to vector<16x128xf32>
      %max3A_106 = arith.maximumf %add3A_103, %max3A_105 : vector<16x128xf32>
      %get3A_107 = arith.constant 0 : index
      %get3A_108 = arith.constant 0 : index
      %get3A_109 = vector.load %arg9[%get3A_107, %get3A_108] : memref<128x128xf32, #tpu.memory_space<vmem>>, vector<128x128xf32>
      %dot_general3A_110 = arith.constant dense<0.000000e+00> : vector<16x128xf32>
      %dot_general3A_111 = tpu.matmul %max3A_106, %get3A_109, %dot_general3A_110 {dimension_numbers = #tpu.dot_dimension_numbers<[1], [0], [0], [1], [0, 0, 1, 1], [], []>, transpose_lhs_hint = false} : vector<16x128xf32>, vector<128x128xf32>, vector<16x128xf32> -> vector<16x128xf32>
      %get3A_112 = arith.constant 0 : index
      %get3A_113 = arith.constant 0 : index
      %get3A_114 = vector.load %arg10[%get3A_112, %get3A_113] : memref<1x128xf32, #tpu.memory_space<vmem>>, vector<1x128xf32>
      %add3A_115 = vector.broadcast %get3A_114 : vector<1x128xf32> to vector<16x128xf32>
      %add3A_116 = arith.addf %dot_general3A_111, %add3A_115 : vector<16x128xf32>
      %swap3A_117 = arith.constant 0 : index
      %swap3A_118 = arith.constant 0 : index
      %swap3A_119 = vector.load %arg11[%swap3A_117, %swap3A_118] : memref<16x128xf32, #tpu.memory_space<vmem>>, vector<16x128xf32>
      tpu.vector_store %arg11[%swap3A_117, %swap3A_118], %add3A_116 {strides = array<i32>} : memref<16x128xf32, #tpu.memory_space<vmem>>, vector<16x128xf32>,
    } else {
    }
    return
  }
  func.func @transform_0(%arg0: i32) -> (i32, i32, i32) {
    %c0_i32 = arith.constant 0 : i32
    %c0_i32_0 = arith.constant 0 : i32
    %c0_i32_1 = arith.constant 0 : i32
    return %arg0, %c0_i32, %c0_i32_0 : i32, i32, i32
  }
  func.func @transform_1(%arg0: i32) -> (i32, i32) {
    %c0_i32 = arith.constant 0 : i32
    %c0_i32_0 = arith.constant 0 : i32
    return %c0_i32, %arg0 : i32, i32
  }
  func.func @transform_2(%arg0: i32) -> (i32, i32) {
    %c0_i32 = arith.constant 0 : i32
    %c0_i32_0 = arith.constant 0 : i32
    return %arg0, %c0_i32 : i32, i32
  }
  func.func @transform_3(%arg0: i32) -> (i32, i32) {
    %c0_i32 = arith.constant 0 : i32
    %c0_i32_0 = arith.constant 0 : i32
    return %arg0, %c0_i32 : i32, i32
  }
  func.func @transform_4(%arg0: i32) -> (i32, i32) {
    %c0_i32 = arith.constant 0 : i32
    %c0_i32_0 = arith.constant 0 : i32
    return %arg0, %c0_i32 : i32, i32
  }
  func.func @transform_5(%arg0: i32) -> (i32, i32) {
    %c0_i32 = arith.constant 0 : i32
    %c0_i32_0 = arith.constant 0 : i32
    %c0_i32_1 = arith.constant 0 : i32
    return %c0_i32, %c0_i32_0 : i32, i32
  }
  func.func @transform_6(%arg0: i32) -> (i32, i32) {
    %c0_i32 = arith.constant 0 : i32
    %c0_i32_0 = arith.constant 0 : i32
    %c0_i32_1 = arith.constant 0 : i32
    return %c0_i32, %c0_i32_0 : i32, i32
  }
  func.func @transform_7(%arg0: i32) -> (i32, i32) {
    %c0_i32 = arith.constant 0 : i32
    %c0_i32_0 = arith.constant 0 : i32
    %c0_i32_1 = arith.constant 0 : i32
    return %c0_i32, %c0_i32_0 : i32, i32
  }
  func.func @transform_8(%arg0: i32) -> (i32, i32) {
    %c0_i32 = arith.constant 0 : i32
    %c0_i32_0 = arith.constant 0 : i32
    %c0_i32_1 = arith.constant 0 : i32
    return %c0_i32, %c0_i32_0 : i32, i32
  }
  func.func @transform_9(%arg0: i32) -> (i32, i32) {
    %c0_i32 = arith.constant 0 : i32
    %c0_i32_0 = arith.constant 0 : i32
    %c0_i32_1 = arith.constant 0 : i32
    return %c0_i32, %c0_i32_0 : i32, i32
  }
  func.func @transform_10(%arg0: i32) -> (i32, i32) {
    %c0_i32 = arith.constant 0 : i32
    %c0_i32_0 = arith.constant 0 : i32
    %c0_i32_1 = arith.constant 0 : i32
    return %c0_i32, %c0_i32_0 : i32, i32
  }
}

</mosaic_0001>

<sc_bundles>
// kernel: kernel.11.cloned.1.call-start
scs
__scs_entry_jumppad:
0x0: {  	(pc) =	sbr.rel $0x88, $3  }
0x1: {  	(tag) =	ssettag $0x0;
	lr =	simm.s32 $0x1  }
0x2: {  	[smem:$0x3F89] =	sst lr;
	_ =	strace $0xD0000000  }
0x3: {  	_ = 	snop  }
0x4: {  	_ = 	snop  }
0x5: {  	_ = 	snop  }
0x6: {  	_ = 	snop  }
0x7: {  	_ = 	snop  }
__scs_overlays_trampoline_lowered:
0x8: {  	[smem:$0x3F98] =	sst s0  }
0x9: {  	[smem:$0x3F99] =	sst s1  }
0xa: {  	[smem:$0x3F9A] =	sst s2  }
0xb: {  	[smem:$0x3F9B] =	sst s3  }
0xc: {  	[smem:$0x3F9C] =	sst s4  }
0xd: {  	[smem:$0x3F9D] =	sst s5  }
0xe: {  	[smem:$0x3F9E] =	sst s6  }
0xf: {  	[smem:$0x3F9F] =	sst s7  }
0x10: {  	[smem:$0x3FA0] =	sst s8  }
0x11: {  	[smem:$0x3FA1] =	sst s9;
	s0 =	simm.s32 @!p0 $0x0  }
0x12: {  	s1 =	sld [smem:$0x3F87];
	s0 =	simm.s32 @p0 $0x1  }
0x13: {  	[smem:$0x3FA2] =	sst s0;
	s0 =	simm.s32 @!p1 $0x0  }
0x14: {  	s2 =	sld [smem:$0x3F86];
	s0 =	simm.s32 @p1 $0x1  }
0x15: {  	[smem:$0x3FA3] =	sst s0;
	s0 =	simm.s32 @!p2 $0x0  }
0x16: {  	s3 =	sld [smem:$0x3FDB];
	s0 =	simm.s32 @p2 $0x1  }
0x17: {  	s4 =	simm.s32 $0x1BF5;
	[smem:$0x3FA5] =	sst s0  }
0x18: {  	s0 =	sld [smem:$0x3F88];
	_ =	swait.ge [sflag:s4], $0x0  }
0x19: {  	s7 =	sld [smem:$0x3F89]  }
0x1a: {  	s8 =	sadd.s32 $0xFFFFE003, lr  }
0x1b: {  	s9 =	sadd.s32 $0xFFFFFEF7, lr;
	s5 =	simm.s32 $0xFFFFFFFF;
	p2 =	slt.u32 s8, $0xFFFFF086  }
0x1c: {  	p1 =	slt.u32 s9, $0xF7A;
	s5 =	simm.s32 @!p2 $0x0  }
0x1d: {  	s5 =	simm.s32 @p1 $0x1;
	p0 =	seq.s32 s7, s2  }
0x1e: {  	s7 =	smul.u32 @!p0 $0xF7A, s2;
	p2 =	seq.s32 @!p0 s5, $0x0  }
0x1f: {  	s9 =	smul.u32 $0xF7A, s1;
	s8 =	simm.s32 @!p0 $0x1BF5;
	p2 =	por !p2, p0  }
0x20: {  	[sflag:s8] =	ssyncset.s32 @!p0 $0xFFFFF086;
	s6 =	sadd.s32 @!p0 s3, s7;
	s7 =	simm.s32 @!p0 $0x108  }
0x21: {  	s3 =	sadd.s32 s3, s9;
	s6 =	sadd.s32 @!p0 $0x88, s6;
	s7 =	simm.s32 @p2 $0x1082  }
0x22: {  	[simem:s7], [sflag:s8] =	dma.local @!p0 [hbm:s6], $0xF7A  }
0x23: {  	s9 =	sor.u32 $0xD0000000, s2;
	s6 =	simm.s32 $0x108;
	_ =	swait.ge @!p0 [sflag:s8], $0x0  }
0x24: {  	s3 =	sadd.s32 $0x88, s3;
	s6 =	simm.s32 @!p1 $0x1082;
	[sflag:s4] =	ssyncset.s32 $0xFFFFF086  }
0x25: {  	[simem:s6], [sflag:s4] =	dma.local [hbm:s3], $0xF7A  }
0x26: {  	[smem:$0x3F89] =	sst s1;
	(tag) =	ssettag s2;
	_ =	strace s9  }
0x27: {  	s1 =	sld [smem:$0x3F99]  }
0x28: {  	s2 =	sld [smem:$0x3F9A]  }
0x29: {  	s4 =	sld [smem:$0x3F9C]  }
0x2a: {  	p0 =	seq.s32 s5, $0x0;
	s5 =	sld [smem:$0x3F9D]  }
0x2b: {  	s6 =	sld [smem:$0x3F9E]  }
0x2c: {  	s7 =	sld [smem:$0x3F9F]  }
0x2d: {  	s3 =	simm.s32 $0x108;
	s8 =	sld [smem:$0x3FA0]  }
0x2e: {  	s3 =	simm.s32 @!p0 $0x1082;
	s9 =	sld [smem:$0x3FA1]  }
0x2f: {  	lr =	sadd.s32 s0, s3;
	s0 =	sld [smem:$0x3F98]  }
0x30: {  	s3 =	sld [smem:$0x3F9B]  }
0x31: {  	[smem:$0x3FA4] =	sst s10  }
0x32: {  	s10 =	sld [smem:$0x3FA2];
	_ =	sdelay $0x3  }
0x33: {  	p0 =	seq.s32 s10, $0x1;
	s10 =	sld [smem:$0x3FA4];
	_ =	sdelay $0x3  }
0x34: {  	[smem:$0x3FA4] =	sst s10  }
0x35: {  	s10 =	sld [smem:$0x3FA3];
	_ =	sdelay $0x3  }
0x36: {  	p1 =	seq.s32 s10, $0x1;
	s10 =	sld [smem:$0x3FA4];
	_ =	sdelay $0x3  }
0x37: {  	[smem:$0x3FA4] =	sst s10  }
0x38: {  	s10 =	sld [smem:$0x3FA5]  }
0x39: {  	_ = 	snop;
	(pc) =	sbr.ind lr, $3  }
0x3a: {  	_ = 	snop  }
0x3b: {  	_ = 	snop  }
0x3c: {  	p2 =	seq.s32 s10, $0x1;
	s10 =	sld [smem:$0x3FA4]  }
0x3d: {  	_ =	shalt  }
0x3e: {  	_ =	shalt  }
0x3f: {  	_ =	shalt  }
0x40: {  	_ =	shalt  }
0x41: {  	_ =	shalt  }
0x42: {  	_ =	shalt  }
0x43: {  	_ =	shalt  }
0x44: {  	_ =	shalt  }
0x45: {  	_ =	shalt  }
0x46: {  	_ =	shalt  }
0x47: {  	_ =	shalt  }
0x48: {  	_ =	shalt  }
0x49: {  	_ =	shalt  }
0x4a: {  	_ =	shalt  }
0x4b: {  	_ =	shalt  }
0x4c: {  	_ =	shalt  }
0x4d: {  	_ =	shalt  }
0x4e: {  	_ =	shalt  }
0x4f: {  	_ =	shalt  }
0x50: {  	_ =	shalt  }
0x51: {  	_ =	shalt  }
0x52: {  	_ =	shalt  }
0x53: {  	_ =	shalt  }
0x54: {  	_ =	shalt  }
0x55: {  	_ =	shalt  }
0x56: {  	_ =	shalt  }
0x57: {  	_ =	shalt  }
0x58: {  	_ =	shalt  }
0x59: {  	_ =	shalt  }
0x5a: {  	_ =	shalt  }
0x5b: {  	_ =	shalt  }
0x5c: {  	_ =	shalt  }
0x5d: {  	_ =	shalt  }
0x5e: {  	_ =	shalt  }
0x5f: {  	_ =	shalt  }
0x60: {  	_ =	shalt  }
0x61: {  	_ =	shalt  }
0x62: {  	_ =	shalt  }
0x63: {  	_ =	shalt  }
0x64: {  	_ =	shalt  }
0x65: {  	_ =	shalt  }
0x66: {  	_ =	shalt  }
0x67: {  	_ =	shalt  }
0x68: {  	_ =	shalt  }
0x69: {  	_ =	shalt  }
0x6a: {  	_ =	shalt  }
0x6b: {  	_ =	shalt  }
0x6c: {  	_ =	shalt  }
0x6d: {  	_ =	shalt  }
0x6e: {  	_ =	shalt  }
0x6f: {  	_ =	shalt  }
0x70: {  	_ =	shalt  }
0x71: {  	_ =	shalt  }
0x72: {  	_ =	shalt  }
0x73: {  	_ =	shalt  }
0x74: {  	_ =	shalt  }
0x75: {  	_ =	shalt  }
0x76: {  	_ =	shalt  }
0x77: {  	_ =	shalt  }
0x78: {  	_ =	shalt  }
0x79: {  	_ =	shalt  }
0x7a: {  	_ =	shalt  }
0x7b: {  	_ =	shalt  }
0x7c: {  	_ =	shalt  }
0x7d: {  	_ =	shalt  }
0x7e: {  	_ =	shalt  }
0x7f: {  	_ =	shalt  }
0x80: {  	_ =	shalt  }
0x81: {  	_ =	shalt  }
0x82: {  	_ =	shalt  }
0x83: {  	_ =	shalt  }
0x84: {  	_ =	shalt  }
0x85: {  	_ =	shalt  }
0x86: {  	_ =	shalt  }
0x87: {  	_ =	shalt  }
.Lfunc_end0:
.L_simem_size_0:
called_computation_lowered:
.L_overlay_start_0:
0x88: {  	s2 =	sld [smem:$0x3FD9]  }
0x89: {  	s3 =	sld [smem:$0x3FFE];
	_ =	sdelay $0x1  }
0x8a: {  	s1 =	srdreg.scid  }
0x8b: {  	s0 =	sand.u32 $0x1, s1  }
0x8c: {  	s17 =	sshll.u32 s0, $0xA;
	s2 =	sadd.s32 s3, s2  }
0x8d: {  	s2 =	sadd.s32 s2, s17  }
0x8e: {  	[smem:$0x3FB0] =	sst s2  }
0x8f: {  	_ = 	snop  }
0x90: {  	s2 =	sld [smem:$0x3FD0];
	(tm) =	ssettm $0x1  }
0x91: {  	s18 =	sld [smem:$0x3FFB];
	_ =	sdelay $0x3  }
0x92: {  	_ =	strace s18  }
0x93: {  	s3 =	sld [smem:$0x3FFC];
	_ =	sdelay $0x3  }
0x94: {  	_ =	strace s3  }
0x95: {  	s3 =	sld [smem:$0x3FFD];
	_ =	sdelay $0x3  }
0x96: {  	_ =	strace s3  }
0x97: {  	_ =	strace $0x8FFFFFFF  }
0x98: {  	s19 =	sld [smem:$0x3FDB];
	_ =	sdelay $0x1  }
0x99: {  	s4 =	simm.s32 $_scs_section_size  }
0x9a: {  	s5 =	simm.s32 $_size__tile_overlayer_lowered;
	s6 =	simm.s32 $_tile_overlayer_lowered  }
0x9b: {  	s22 =	simm.s32 $0x1BFF;
	s21 =	sshll.u32 s6, $0x1;
	s3 =	sadd.s32 s4, s19  }
0x9c: {  	s7 =	simm.s32 $0x0;
	s20 =	sshll.u32 s5, $0x1;
	s5 =	sadd.s32 s21, s3  }
0x9d: {  	[timem:s7], [sflag:s22] =	dma.local [hbm:s5], s20  }
0x9e: {  	_ =	swait.ge [sflag:s22], s20  }
0x9f: {  	s4 =	ssub.s32 $0x0, s20;
	[sflag:s22] =	ssyncset.done $0x0  }
0xa0: {  	[sflag:s22] =	ssyncadd.s32 s4;
	_ =	sdelay $0x1  }
0xa1: {  	s23 =	simm.s32 $0x1B8B  }
0xa2: {  	_ =	swait.ge [sflag:s23], $0x1  }
0xa3: {  	[sflag:s23] =	ssyncset.done $0x0  }
0xa4: {  	s25 =	simm.s32 $0x1B8E;
	s24 =	sld [smem:$0x3FFE];
	[sflag:s23] =	ssyncadd.s32 $0xFFFFFFFF  }
0xa5: {  	s26 =	simm.s32 $execute0_lowered;
	[smem:$0x3FD2] =	sst s25  }
0xa6: {  	s5 =	sshll.u32 s26, $0x1;
	_ =	strace $0x80000046;
	[dreg:$0x1] =	wrdreg $0xFFFFFFFF  }
0xa7: {  	s28 =	simm.s32 $_size_execute0_lowered;
	s3 =	sadd.s32 s3, s5;
	[dreg:$0x0] =	wrdreg $0x0  }
0xa8: {  	s5 =	sshll.u32 s28, $0x1;
	[dreg:$0x2] =	wrdreg s3  }
0xa9: {  	[dreg:$0x3] =	wrdreg s5  }
0xaa: {  	[dreg:$0x4] =	wrdreg $0xC0  }
0xab: {  	_ =	task [dreg:s7], $0x5FFFF  }
0xac: {  	[dreg:$0x1] =	wrdreg $0xFFFFFFFF  }
0xad: {  	[dreg:$0x0] =	wrdreg $0x60  }
0xae: {  	[dreg:$0x2] =	wrdreg s24  }
0xaf: {  	[dreg:$0x3] =	wrdreg s2  }
0xb0: {  	[dreg:$0x4] =	wrdreg $0x9  }
0xb1: {  	_ =	task.clear_ibuf [dreg:s7], $0x5FFFF;
	_ =	strace $0x90000046  }
0xb2: {  	s29 =	simm.s32 $0x9;
	_ =	strace $0x80000048  }
0xb3: {  	_ =	swait.ge [sflag:s29], $0x1  }
0xb4: {  	[sflag:s29] =	ssyncadd.s32 $0xFFFFFFFF  }
0xb5: {  	_ =	strace $0x90000048  }
0xb6: {  	_ =	sfence  }
0xb7: {  	s30 =	sld [smem:$0x0];
	_ =	sdelay $0x2  }
0xb8: {  	s31 =	sshll.u32 s1, $0xD;
	s1 =	sshrl.u32 s1, $0x2  }
0xb9: {  	s3 =	sand.u32 $0x4000, s31;
	s1 =	sadd.s32 s1, s30  }
0xba: {  	s0 =	sor.u32 s3, s0;
	s1 =	sshll.u32 s1, $0x11  }
0xbb: {  	s0 =	sor.u32 s1, s0  }
0xbc: {  	s0 =	sadd.s32 $0x8F2B, s0  }
0xbd: {  	[sflag:s0] =	ssyncadd.remote.s32 $0x1  }
0xbe: {  	_ =	sfence.sel $0xFFFF  }
0xbf: {  	[dreg:$0x0] =	wrdreg $0xFFFFFFFF;
	(pc) =	sbr.abs _section_cstart, $3  }
0xc0: {  	[dreg:$0x1] =	wrdreg $0xFFFFFFFF  }
0xc1: {  	_ =	task.clear_ibuf [dreg:s7], $0x2FFFF;
	_ =	strace $0x9FFFFFFF  }
0xc2: {  	(tm) =	ssettm $0x7FFFFFFF  }
0xc3: {  	_ =	shalt  }
tec
execute0_lowered:
.L_overlay_start_1:
0x0: {  	(tag) =	ssettag $0x1  }
0x1: {  	s0 =	srdreg.scid;
	s6 =	rddreg [dreg:$0x0]  }
0x2: {  	s2 =	rddreg [dreg:$0x1];
	s3 =	simm.s32 $0x0;
	s14 =	simm.s32 $0x2780  }
0x3: {  	s15 =	simm.s32 $0x4;
	s16 =	simm.s32 $0x1;
	s17 =	simm.s32 $0x2  }
0x4: {  	s18 =	simm.s32 $0x3;
	s19 =	simm.s32 $0xCA00;
	s20 =	simm.s32 $0x80  }
0x5: {  	s21 =	simm.s32 $0x400;
	s22 =	simm.s32 $0x7800;
	s23 =	simm.s32 $0xA100  }
0x6: {  	s24 =	simm.s32 $0xF180;
	s25 =	simm.s32 $0x0;
	s5 =	sand.u32 $0x1, s0  }
0x7: {  	s0 =	stileid.u32;
	[smem:$0x7FF] =	sst s3;
	s1 =	sshll.u32 s5, $0x4  }
0x8: {  	s8 =	sshll.u32 s0, $0x7;
	s5 =	ssub.s32 $0x2, s5;
	s4 =	sor.u32 s0, s1  }
0x9: {  	s1 =	rddreg [dreg:$0x2];
	s7 =	sshrl.u32 s4, $0x3;
	s10 =	smul.u32 $0x500, s4  }
0xa: {  	s8 =	sand.u32 $0x380, s8;
	_ =	strace $0x80000047;
	s9 =	smul.u32 $0x14800, s7  }
0xb: {  	s31 =	sshrl.u32 s5, $0x1;
	s11 =	smul.u32 $0x13C00, s7;
	s7 =	sshll.u32 s7, $0xA  }
0xc: {  	s4 =	sadd.s32 $0x2D000, s6;
	s10 =	sadd.s32 s10, s6;
	s7 =	sor.u32 s8, s7  }
0xd: {  	s9 =	sor.u32 s8, s9;
	s8 =	sor.u32 s8, s11;
	s7 =	sshrl.u32 s7, $0x3  }
0xe: {  	s11 =	ssub.s32 s5, s31;
	s5 =	sadd.s32 $0x37600, s10;
	s9 =	sshrl.u32 s9, $0x3  }
0xf: {  	s8 =	sshrl.u32 s8, $0x3;
	s12 =	sadd.s32 s7, s6;
	s11 =	smax.u32 s11, $0x1  }
0x10: {  	s9 =	sadd.s32 s9, s6;
	s13 =	sadd.s32 s8, s6;
	s6 =	sadd.s32 $0x2D600, s10  }
0x11: {  	v0 =	vimm.f32 $0.0e+00;
	v3 =	vlaneseq.u32;
	s7 =	sadd.s32 $0x41600, s9;
	s8 =	sadd.s32 $0x4BA00, s9;
	s9 =	sadd.s32 $0x55E00, s12  }
0x12: {  	v1 =	vimm.f32 $1.000000000e+00;
	v2 =	vimm.s32 $0x0;
	v3 =	vor.u32 $0x2750, v3;
	s10 =	sadd.s32 $0x56000, s13;
	s12 =	simm.s32 $0x2800;
	s13 =	simm.s32 $0x5000  }
.LBB2_1:
0x13: {  	[tilespmem:s3], [sflag:$0x1] =	stream.linear.gather [hbm4b:s4+s3], $0x2780, $0x38;
	[tilespmem:$0xF200] =	vst v63  }
0x14: {  	_ = 	snop  }
0x15: {  	[tilespmem:s12], [sflag:$0x2] =	stream.linear.gather [hbm4b:s5+s3], $0x2800, $0x38;
	[tilespmem:$0xF200] =	vst v63  }
0x16: {  	_ = 	snop  }
0x17: {  	[tilespmem:s13], [sflag:$0x3] =	stream.linear.gather [hbm4b:s6+s3], $0x2800, $0x38;
	[tilespmem:$0xF200] =	vst v63  }
0x18: {  	_ = 	snop  }
0x19: {  	[tilespmem:s14], [sflag:$0x4] =	stream.linear.gather [hbm4b:s2+s3], $0x80, $0x38;
	[tilespmem:$0xF200] =	vst v63  }
0x1a: {  	_ =	swait.ge [sflag:s15], $0x80  }
0x1b: {  	[sflag:s15] =	ssyncset.done $0x0  }
0x1c: {  	[sflag:s15] =	ssyncadd.s32 $0xFFFFFF80  }
0x1d: {  	s26 =	simm.s32 $0x40;
	s28 =	simm.s32 $0x0;
	v4 =	vld [tilespmem:$0x2780]  }
.LBB2_2:
0x1e: {  	p0 =	sne.s32 s26, $0x9DC0;
	[tilespmem:s28+$0xCA00] =	vst v0;
	s28 =	smov.u32 s26;
	s26 =	sadd.s32 $0x40, s26  }
.Ltmp0:
0x1f: {  	(pc) =	sbr.rel @p0 .LBB2_2-.Ltmp0, $2  }
0x20: {  	_ =	sdelay $0x2  }
0x21: {  	s28 =	sshra.s32 s28, $0x2  }
0x22: {  	[tilespmem:s28+$0xCA00] =	vst v0  }
0x23: {  	_ =	swait.ge [sflag:s16], $0x2780  }
0x24: {  	[sflag:s16] =	ssyncset.done $0x0  }
0x25: {  	[sflag:s16] =	ssyncadd.s32 $0xFFFFD880  }
0x26: {  	_ =	swait.ge [sflag:s17], $0x2800  }
0x27: {  	[sflag:s17] =	ssyncset.done $0x0  }
0x28: {  	[sflag:s17] =	ssyncadd.s32 $0xFFFFD800  }
0x29: {  	_ =	swait.ge [sflag:s18], $0x2800  }
0x2a: {  	[sflag:s18] =	ssyncset.done $0x0  }
0x2b: {  	s26 =	simm.s32 $0x0;
	[sflag:s18] =	ssyncadd.s32 $0xFFFFD800  }
0x2c: {  	v5 =	vld [tilespmem:s26+$0x2800]  }
0x2d: {  	v6 =	vld [tilespmem:s26+$0x5000];
	_ =	sdelay $0x6  }
0x2e: {  	v7 =	vld.idx.msk [tilespmem:v5+s3+$0x0], $0xffff  }
0x2f: {  	v8 =	vld.idx.msk [tilespmem:v6+s3+$0x0], $0xffff;
	_ =	sdelay $0x4  }
0x30: {  	v7 =	vadd.f32 v8, v7;
	_ =	sdelay $0x1  }
0x31: {  	vm0 =	vgt.f32 v7, v4  }
0x32: {  	v7 =	vmpcnt.ones.xlane vm0;
	_ =	sdelay $0x1  }
0x33: {  	(v2sf) =	vpush v7, $0x0;
	_ =	sdelay $0x2  }
0x34: {  	[tilespmem:v5+s19+$0x0] =	vst.idx.msk vm0, v1  }
0x35: {  	s26 =	simm.s32 $0x0;
	[tilespmem:v6+s19+$0x0] =	vst.idx.msk vm0, v1  }
0x36: {  	[tilespmem:s26+$0x7800] =	vst.msk vm0, v5  }
0x37: {  	s29 =	simm.s32 $0x10;
	[tilespmem:s26+$0xA100] =	vst.msk vm0, v6  }
0x38: {  	s28 =	simm.s32 $0x80;
	v5 =	vld [tilespmem:s29+$0x2800]  }
.LBB2_4:
0x39: {  	p0 =	sne.s32 s28, $0x9FC0;
	v6 =	vld [tilespmem:s29+$0x5000];
	_ =	sdelay $0x6  }
0x3a: {  	v7 =	vld.idx.msk [tilespmem:v5+s3+$0x0], $0xffff;
	s29 =	spop (v2sf)  }
0x3b: {  	v8 =	vld.idx.msk [tilespmem:v6+s3+$0x0], $0xffff;
	s26 =	sadd.s32 s26, s29;
	_ =	sdelay $0x5  }
0x3c: {  	v7 =	vadd.f32 v8, v7;
	_ =	sdelay $0x1  }
0x3d: {  	vm0 =	vgt.f32 v7, v4  }
0x3e: {  	v7 =	vmpcnt.ones.xlane vm0;
	_ =	sdelay $0x1  }
0x3f: {  	(v2sf) =	vpush v7, $0x0;
	_ =	sdelay $0x2  }
.Ltmp1:
0x40: {  	[tilespmem:v5+s19+$0x0] =	vst.idx.msk vm0, v1;
	(pc) =	sbr.rel @p0 .LBB2_4-.Ltmp1, $4  }
0x41: {  	[tilespmem:v6+s19+$0x0] =	vst.idx.msk vm0, v1  }
0x42: {  	[tilespmem:s26+$0x7800] =	vst.msk vm0, v5  }
0x43: {  	s29 =	sshra.s32 s28, $0x2;
	[tilespmem:s26+$0xA100] =	vst.msk vm0, v6  }
0x44: {  	s28 =	sadd.s32 $0x40, s28;
	v5 =	vld [tilespmem:s29+$0x2800]  }
0x45: {  	_ = 	snop  }
0x46: {  	v6 =	vld [tilespmem:s29+$0x5000];
	_ =	sdelay $0x6  }
0x47: {  	v7 =	vld.idx.msk [tilespmem:v5+s3+$0x0], $0xffff  }
0x48: {  	v8 =	vld.idx.msk [tilespmem:v6+s3+$0x0], $0xffff;
	_ =	sdelay $0x4  }
0x49: {  	v7 =	vadd.f32 v8, v7;
	_ =	sdelay $0x1  }
0x4a: {  	vm0 =	vgt.f32 v7, v4  }
0x4b: {  	v4 =	vmpcnt.ones.xlane vm0;
	_ =	sdelay $0x1  }
0x4c: {  	(v2sf) =	vpush v4, $0x0;
	_ =	sdelay $0xc  }
0x4d: {  	s28 =	spop (v2sf);
	[tilespmem:v5+s19+$0x0] =	vst.idx.msk vm0, v1  }
0x4e: {  	s26 =	sadd.s32 s26, s28;
	[tilespmem:v6+s19+$0x0] =	vst.idx.msk vm0, v1  }
0x4f: {  	[tilespmem:s26+$0x7800] =	vst.msk vm0, v5;
	s29 =	spop (v2sf)  }
0x50: {  	[tilespmem:s26+$0xA100] =	vst.msk vm0, v6;
	s26 =	sadd.s32 s26, s29  }
0x51: {  	[tilespmem:s26+$0x7800] =	vst v2  }
0x52: {  	[tilespmem:s26+$0xA100] =	vst v3  }
0x53: {  	[tilespmem:s26+$0x7810] =	vst v2  }
0x54: {  	[tilespmem:s26+$0xA110] =	vst v3  }
0x55: {  	[tilespmem:s26+$0x7820] =	vst v2  }
0x56: {  	[tilespmem:s26+$0xA120] =	vst v3  }
0x57: {  	[tilespmem:s26+$0x7830] =	vst v2  }
0x58: {  	[tilespmem:s26+$0xA130] =	vst v3  }
0x59: {  	[tilespmem:s26+$0x7840] =	vst v2;
	s28 =	sadd.s32 $0x7F, s26  }
0x5a: {  	[tilespmem:s26+$0xA140] =	vst v3;
	s30 =	sand.u32 $0x7F, s28  }
0x5b: {  	[tilespmem:s26+$0x7850] =	vst v2;
	s31 =	sshra.s32 s28, $0x1F;
	p1 =	slt.s32 s28, $0x1;
	p0 =	sne.s32 s30, $0x0  }
0x5c: {  	[tilespmem:s26+$0xA150] =	vst v3;
	s29 =	sshrl.u32 s31, $0x19;
	p0 =	por !p1, !p0  }
0x5d: {  	[tilespmem:s26+$0x7860] =	vst v2;
	s28 =	sadd.s32 s29, s28;
	s29 =	simm.s32 $0x1;
	p0 =	por !p0, !p0  }
0x5e: {  	[tilespmem:s26+$0xA160] =	vst v3;
	s28 =	sshra.s32 s28, $0x7;
	s29 =	simm.s32 @!p0 $0x0  }
0x5f: {  	[tilespmem:s26+$0x7870] =	vst v2;
	s28 =	ssub.s32 s28, s29  }
0x60: {  	[tilespmem:s26+$0xA170] =	vst v3;
	v4 =	vmov s28  }
0x61: {  	[tilespmem:$0xF180] =	vst v4  }
0x62: {  	[hbm4b:s7+s20] =	stream.strided.scatter [tilespmem:s22], [sflag:$0x4], $0x2900, s21, s20, $0x38;
	[tilespmem:$0xF200] =	vst v63  }
0x63: {  	_ =	swait.ge [sflag:s15], $0x2900  }
0x64: {  	[sflag:s15] =	ssyncset.done $0x0  }
0x65: {  	[sflag:s15] =	ssyncadd.s32 $0xFFFFD700  }
0x66: {  	[hbm4b:s8+s20] =	stream.strided.scatter [tilespmem:s23], [sflag:$0x4], $0x2900, s21, s20, $0x38;
	[tilespmem:$0xF200] =	vst v63  }
0x67: {  	_ =	swait.ge [sflag:s15], $0x2900  }
0x68: {  	[sflag:s15] =	ssyncset.done $0x0  }
0x69: {  	[sflag:s15] =	ssyncadd.s32 $0xFFFFD700  }
0x6a: {  	[hbm4b:s9+s3] =	stream.linear.scatter [tilespmem:s24], [sflag:$0x4], $0x80, $0x38;
	[tilespmem:$0xF200] =	vst v63  }
0x6b: {  	s25 =	sadd.s32 $0x1, s25;
	_ =	swait.ge [sflag:s15], $0x80  }
0x6c: {  	p0 =	sne.s32 s25, s11;
	[sflag:s15] =	ssyncset.done $0x0  }
.Ltmp2:
0x6d: {  	[sflag:s15] =	ssyncadd.s32 $0xFFFFFF80;
	(pc) =	sbr.rel @p0 .LBB2_1-.Ltmp2, $4  }
0x6e: {  	[hbm4b:s10+s20] =	stream.strided.scatter [tilespmem:s19], [sflag:$0x4], $0x2780, s21, s20, $0x38;
	[tilespmem:$0xF200] =	vst v63  }
0x6f: {  	_ =	swait.ge [sflag:s15], $0x2780  }
0x70: {  	[sflag:s15] =	ssyncset.done $0x0  }
0x71: {  	[sflag:s15] =	ssyncadd.s32 $0xFFFFD880  }
0x72: {  	_ =	sfence.sel $0x180000  }
0x73: {  	[bflag:$0x0] =	sbarrier.arrive $0xFFFF  }
0x74: {  	p0 =	sne.s32 s0, $0x0;
	_ =	strace $0x90000047  }
0x75: {  	s0 =	sadd.s32 @!p0 $0x100000, s1;
	[bflag:$0x2] =	sbarrier.arrive $0xFFFF  }
0x76: {  	[sflag:s0] =	ssyncadd.tile.s32 @!p0 $0x1;
	_ =	shalt  }
.Lfunc_end2:
_tile_overlayer_lowered:
.L_overlay_start_2:
0x77: {  	(tag) =	ssettag $0x2  }
0x78: {  	s0 =	rddreg [dreg:$0x0];
	s2 =	stileid.u32  }
0x79: {  	s1 =	rddreg [dreg:$0x1];
	p0 =	sne.s32 s2, $0x0  }
0x7a: {  	s3 =	rddreg [dreg:$0x2];
	[bflag:$0x3] =	sbarrier.arrive $0xFFFF;
	s2 =	simm.s32 @!p0 $0x1C04  }
0x7b: {  	[timem:s3], [sflag:s2] =	dma.local @!p0 [hbm:s0], s1  }
0x7c: {  	s0 =	simm.s32 @!p0 $0x4  }
0x7d: {  	_ =	swait.ge @!p0 [sflag:s0], s1  }
0x7e: {  	s1 =	ssub.s32 @!p0 $0x0, s1;
	[sflag:s0] =	ssyncset.done @!p0 $0x0  }
0x7f: {  	[sflag:s0] =	ssyncadd.s32 @!p0 s1  }
0x80: {  	[bflag:$0x3] =	sbarrier.arrive $0xFFFF  }
0x81: {  	_ =	shalt  }

// kernel: kernel.14.cloned.1.call-start
scs
__scs_entry_jumppad:
0x0: {  	(pc) =	sbr.rel $0x88, $3  }
0x1: {  	(tag) =	ssettag $0x0;
	lr =	simm.s32 $0x1  }
0x2: {  	[smem:$0x3F89] =	sst lr;
	_ =	strace $0xD0000000  }
0x3: {  	_ = 	snop  }
0x4: {  	_ = 	snop  }
0x5: {  	_ = 	snop  }
0x6: {  	_ = 	snop  }
0x7: {  	_ = 	snop  }
__scs_overlays_trampoline_lowered:
0x8: {  	[smem:$0x3F98] =	sst s0  }
0x9: {  	[smem:$0x3F99] =	sst s1  }
0xa: {  	[smem:$0x3F9A] =	sst s2  }
0xb: {  	[smem:$0x3F9B] =	sst s3  }
0xc: {  	[smem:$0x3F9C] =	sst s4  }
0xd: {  	[smem:$0x3F9D] =	sst s5  }
0xe: {  	[smem:$0x3F9E] =	sst s6  }
0xf: {  	[smem:$0x3F9F] =	sst s7  }
0x10: {  	[smem:$0x3FA0] =	sst s8  }
0x11: {  	[smem:$0x3FA1] =	sst s9;
	s0 =	simm.s32 @!p0 $0x0  }
0x12: {  	s1 =	sld [smem:$0x3F87];
	s0 =	simm.s32 @p0 $0x1  }
0x13: {  	[smem:$0x3FA2] =	sst s0;
	s0 =	simm.s32 @!p1 $0x0  }
0x14: {  	s2 =	sld [smem:$0x3F86];
	s0 =	simm.s32 @p1 $0x1  }
0x15: {  	[smem:$0x3FA3] =	sst s0;
	s0 =	simm.s32 @!p2 $0x0  }
0x16: {  	s3 =	sld [smem:$0x3FDB];
	s0 =	simm.s32 @p2 $0x1  }
0x17: {  	s4 =	simm.s32 $0x1BF5;
	[smem:$0x3FA5] =	sst s0  }
0x18: {  	s0 =	sld [smem:$0x3F88];
	_ =	swait.ge [sflag:s4], $0x0  }
0x19: {  	s7 =	sld [smem:$0x3F89]  }
0x1a: {  	s8 =	sadd.s32 $0xFFFFE003, lr  }
0x1b: {  	s9 =	sadd.s32 $0xFFFFFEF7, lr;
	s5 =	simm.s32 $0xFFFFFFFF;
	p2 =	slt.u32 s8, $0xFFFFF086  }
0x1c: {  	p1 =	slt.u32 s9, $0xF7A;
	s5 =	simm.s32 @!p2 $0x0  }
0x1d: {  	s5 =	simm.s32 @p1 $0x1;
	p0 =	seq.s32 s7, s2  }
0x1e: {  	s7 =	smul.u32 @!p0 $0xF7A, s2;
	p2 =	seq.s32 @!p0 s5, $0x0  }
0x1f: {  	s9 =	smul.u32 $0xF7A, s1;
	s8 =	simm.s32 @!p0 $0x1BF5;
	p2 =	por !p2, p0  }
0x20: {  	[sflag:s8] =	ssyncset.s32 @!p0 $0xFFFFF086;
	s6 =	sadd.s32 @!p0 s3, s7;
	s7 =	simm.s32 @!p0 $0x108  }
0x21: {  	s3 =	sadd.s32 s3, s9;
	s6 =	sadd.s32 @!p0 $0x88, s6;
	s7 =	simm.s32 @p2 $0x1082  }
0x22: {  	[simem:s7], [sflag:s8] =	dma.local @!p0 [hbm:s6], $0xF7A  }
0x23: {  	s9 =	sor.u32 $0xD0000000, s2;
	s6 =	simm.s32 $0x108;
	_ =	swait.ge @!p0 [sflag:s8], $0x0  }
0x24: {  	s3 =	sadd.s32 $0x88, s3;
	s6 =	simm.s32 @!p1 $0x1082;
	[sflag:s4] =	ssyncset.s32 $0xFFFFF086  }
0x25: {  	[simem:s6], [sflag:s4] =	dma.local [hbm:s3], $0xF7A  }
0x26: {  	[smem:$0x3F89] =	sst s1;
	(tag) =	ssettag s2;
	_ =	strace s9  }
0x27: {  	s1 =	sld [smem:$0x3F99]  }
0x28: {  	s2 =	sld [smem:$0x3F9A]  }
0x29: {  	s4 =	sld [smem:$0x3F9C]  }
0x2a: {  	p0 =	seq.s32 s5, $0x0;
	s5 =	sld [smem:$0x3F9D]  }
0x2b: {  	s6 =	sld [smem:$0x3F9E]  }
0x2c: {  	s7 =	sld [smem:$0x3F9F]  }
0x2d: {  	s3 =	simm.s32 $0x108;
	s8 =	sld [smem:$0x3FA0]  }
0x2e: {  	s3 =	simm.s32 @!p0 $0x1082;
	s9 =	sld [smem:$0x3FA1]  }
0x2f: {  	lr =	sadd.s32 s0, s3;
	s0 =	sld [smem:$0x3F98]  }
0x30: {  	s3 =	sld [smem:$0x3F9B]  }
0x31: {  	[smem:$0x3FA4] =	sst s10  }
0x32: {  	s10 =	sld [smem:$0x3FA2];
	_ =	sdelay $0x3  }
0x33: {  	p0 =	seq.s32 s10, $0x1;
	s10 =	sld [smem:$0x3FA4];
	_ =	sdelay $0x3  }
0x34: {  	[smem:$0x3FA4] =	sst s10  }
0x35: {  	s10 =	sld [smem:$0x3FA3];
	_ =	sdelay $0x3  }
0x36: {  	p1 =	seq.s32 s10, $0x1;
	s10 =	sld [smem:$0x3FA4];
	_ =	sdelay $0x3  }
0x37: {  	[smem:$0x3FA4] =	sst s10  }
0x38: {  	s10 =	sld [smem:$0x3FA5]  }
0x39: {  	_ = 	snop;
	(pc) =	sbr.ind lr, $3  }
0x3a: {  	_ = 	snop  }
0x3b: {  	_ = 	snop  }
0x3c: {  	p2 =	seq.s32 s10, $0x1;
	s10 =	sld [smem:$0x3FA4]  }
0x3d: {  	_ =	shalt  }
0x3e: {  	_ =	shalt  }
0x3f: {  	_ =	shalt  }
0x40: {  	_ =	shalt  }
0x41: {  	_ =	shalt  }
0x42: {  	_ =	shalt  }
0x43: {  	_ =	shalt  }
0x44: {  	_ =	shalt  }
0x45: {  	_ =	shalt  }
0x46: {  	_ =	shalt  }
0x47: {  	_ =	shalt  }
0x48: {  	_ =	shalt  }
0x49: {  	_ =	shalt  }
0x4a: {  	_ =	shalt  }
0x4b: {  	_ =	shalt  }
0x4c: {  	_ =	shalt  }
0x4d: {  	_ =	shalt  }
0x4e: {  	_ =	shalt  }
0x4f: {  	_ =	shalt  }
0x50: {  	_ =	shalt  }
0x51: {  	_ =	shalt  }
0x52: {  	_ =	shalt  }
0x53: {  	_ =	shalt  }
0x54: {  	_ =	shalt  }
0x55: {  	_ =	shalt  }
0x56: {  	_ =	shalt  }
0x57: {  	_ =	shalt  }
0x58: {  	_ =	shalt  }
0x59: {  	_ =	shalt  }
0x5a: {  	_ =	shalt  }
0x5b: {  	_ =	shalt  }
0x5c: {  	_ =	shalt  }
0x5d: {  	_ =	shalt  }
0x5e: {  	_ =	shalt  }
0x5f: {  	_ =	shalt  }
0x60: {  	_ =	shalt  }
0x61: {  	_ =	shalt  }
0x62: {  	_ =	shalt  }
0x63: {  	_ =	shalt  }
0x64: {  	_ =	shalt  }
0x65: {  	_ =	shalt  }
0x66: {  	_ =	shalt  }
0x67: {  	_ =	shalt  }
0x68: {  	_ =	shalt  }
0x69: {  	_ =	shalt  }
0x6a: {  	_ =	shalt  }
0x6b: {  	_ =	shalt  }
0x6c: {  	_ =	shalt  }
0x6d: {  	_ =	shalt  }
0x6e: {  	_ =	shalt  }
0x6f: {  	_ =	shalt  }
0x70: {  	_ =	shalt  }
0x71: {  	_ =	shalt  }
0x72: {  	_ =	shalt  }
0x73: {  	_ =	shalt  }
0x74: {  	_ =	shalt  }
0x75: {  	_ =	shalt  }
0x76: {  	_ =	shalt  }
0x77: {  	_ =	shalt  }
0x78: {  	_ =	shalt  }
0x79: {  	_ =	shalt  }
0x7a: {  	_ =	shalt  }
0x7b: {  	_ =	shalt  }
0x7c: {  	_ =	shalt  }
0x7d: {  	_ =	shalt  }
0x7e: {  	_ =	shalt  }
0x7f: {  	_ =	shalt  }
0x80: {  	_ =	shalt  }
0x81: {  	_ =	shalt  }
0x82: {  	_ =	shalt  }
0x83: {  	_ =	shalt  }
0x84: {  	_ =	shalt  }
0x85: {  	_ =	shalt  }
0x86: {  	_ =	shalt  }
0x87: {  	_ =	shalt  }
.Lfunc_end0:
.L_simem_size_0:
called_computation.1_lowered:
.L_overlay_start_0:
0x88: {  	s2 =	sld [smem:$0x3FD9]  }
0x89: {  	s3 =	sld [smem:$0x3FFE];
	_ =	sdelay $0x1  }
0x8a: {  	s1 =	srdreg.scid  }
0x8b: {  	s0 =	sand.u32 $0x1, s1  }
0x8c: {  	s16 =	sshll.u32 s0, $0xA;
	s2 =	sadd.s32 s3, s2  }
0x8d: {  	s2 =	sadd.s32 s2, s16  }
0x8e: {  	[smem:$0x3FB0] =	sst s2  }
0x8f: {  	_ = 	snop  }
0x90: {  	(tm) =	ssettm $0x1  }
0x91: {  	s17 =	sld [smem:$0x3FFB];
	_ =	sdelay $0x3  }
0x92: {  	_ =	strace s17  }
0x93: {  	s2 =	sld [smem:$0x3FFC];
	_ =	sdelay $0x3  }
0x94: {  	_ =	strace s2  }
0x95: {  	s2 =	sld [smem:$0x3FFD];
	_ =	sdelay $0x3  }
0x96: {  	_ =	strace s2  }
0x97: {  	_ =	strace $0x8FFFFFFF  }
0x98: {  	s18 =	sld [smem:$0x3FDB];
	_ =	sdelay $0x1  }
0x99: {  	s19 =	simm.s32 $_scs_section_size  }
0x9a: {  	s4 =	simm.s32 $_size__tile_overlayer_lowered;
	s5 =	simm.s32 $_tile_overlayer_lowered  }
0x9b: {  	s22 =	simm.s32 $0x1BFF;
	s21 =	sshll.u32 s5, $0x1;
	s2 =	sadd.s32 s19, s18  }
0x9c: {  	s6 =	simm.s32 $0x0;
	s20 =	sshll.u32 s4, $0x1;
	s4 =	sadd.s32 s21, s2  }
0x9d: {  	[timem:s6], [sflag:s22] =	dma.local [hbm:s4], s20  }
0x9e: {  	_ =	swait.ge [sflag:s22], s20  }
0x9f: {  	s3 =	ssub.s32 $0x0, s20;
	[sflag:s22] =	ssyncset.done $0x0  }
0xa0: {  	[sflag:s22] =	ssyncadd.s32 s3;
	_ =	sdelay $0x1  }
0xa1: {  	s23 =	simm.s32 $0x1B8B  }
0xa2: {  	_ =	swait.ge [sflag:s23], $0x1  }
0xa3: {  	[sflag:s23] =	ssyncset.done $0x0  }
0xa4: {  	s25 =	simm.s32 $0x1B8E;
	s24 =	sld [smem:$0x3FFE];
	[sflag:s23] =	ssyncadd.s32 $0xFFFFFFFF  }
0xa5: {  	s26 =	simm.s32 $execute0_lowered;
	[smem:$0x3FD2] =	sst s25  }
0xa6: {  	s4 =	sshll.u32 s26, $0x1;
	_ =	strace $0x80000049;
	[dreg:$0x1] =	wrdreg $0xFFFFFFFF  }
0xa7: {  	s28 =	simm.s32 $_size_execute0_lowered;
	s2 =	sadd.s32 s2, s4;
	[dreg:$0x0] =	wrdreg $0x0  }
0xa8: {  	s4 =	sshll.u32 s28, $0x1;
	[dreg:$0x2] =	wrdreg s2  }
0xa9: {  	[dreg:$0x3] =	wrdreg s4  }
0xaa: {  	[dreg:$0x4] =	wrdreg $0xC0  }
0xab: {  	_ =	task [dreg:s6], $0x5FFFF  }
0xac: {  	[dreg:$0x1] =	wrdreg $0xFFFFFFFF  }
0xad: {  	[dreg:$0x0] =	wrdreg $0x60  }
0xae: {  	[dreg:$0x2] =	wrdreg s24  }
0xaf: {  	[dreg:$0x3] =	wrdreg $0x98800  }
0xb0: {  	[dreg:$0x4] =	wrdreg $0x9  }
0xb1: {  	_ =	task.clear_ibuf [dreg:s6], $0x5FFFF;
	_ =	strace $0x90000049  }
0xb2: {  	s29 =	simm.s32 $0x9;
	_ =	strace $0x8000004B  }
0xb3: {  	_ =	swait.ge [sflag:s29], $0x1  }
0xb4: {  	[sflag:s29] =	ssyncadd.s32 $0xFFFFFFFF  }
0xb5: {  	_ =	strace $0x9000004B  }
0xb6: {  	_ =	sfence  }
0xb7: {  	s30 =	sld [smem:$0x0];
	_ =	sdelay $0x2  }
0xb8: {  	s31 =	sshll.u32 s1, $0xD;
	s1 =	sshrl.u32 s1, $0x2  }
0xb9: {  	s3 =	sand.u32 $0x4000, s31;
	s1 =	sadd.s32 s1, s30  }
0xba: {  	s0 =	sor.u32 s3, s0;
	s1 =	sshll.u32 s1, $0x11  }
0xbb: {  	s0 =	sor.u32 s1, s0  }
0xbc: {  	s0 =	sadd.s32 $0x8F2B, s0  }
0xbd: {  	[sflag:s0] =	ssyncadd.remote.s32 $0x1  }
0xbe: {  	_ =	sfence.sel $0xFFFF  }
0xbf: {  	[dreg:$0x0] =	wrdreg $0xFFFFFFFF;
	(pc) =	sbr.abs _section_cstart, $3  }
0xc0: {  	[dreg:$0x1] =	wrdreg $0xFFFFFFFF  }
0xc1: {  	_ =	task.clear_ibuf [dreg:s6], $0x2FFFF;
	_ =	strace $0x9FFFFFFF  }
0xc2: {  	(tm) =	ssettm $0x7FFFFFFF  }
0xc3: {  	_ =	shalt  }
tec
execute0_lowered:
.L_overlay_start_1:
0x0: {  	(tag) =	ssettag $0x1  }
0x1: {  	s0 =	srdreg.scid;
	s6 =	rddreg [dreg:$0x0]  }
0x2: {  	s2 =	rddreg [dreg:$0x1];
	s1 =	stileid.u32;
	s3 =	simm.s32 $0x0  }
0x3: {  	s14 =	simm.s32 $0x2;
	s15 =	simm.s32 $0x1;
	s16 =	simm.s32 $0x40  }
0x4: {  	s17 =	simm.s32 $0x5800;
	s5 =	sand.u32 $0x1, s0;
	s0 =	rddreg [dreg:$0x2]  }
0x5: {  	s18 =	simm.s32 $0x7800;
	s19 =	simm.s32 $0x80;
	[smem:$0x7FF] =	sst s3  }
0x6: {  	s9 =	sshll.u32 s1, $0x4;
	s13 =	smul.u32 $0x4F000, s1;
	s21 =	sshll.u32 s1, $0x6  }
0x7: {  	s22 =	smul.u32 $0x2780, s1;
	s4 =	sshll.u32 s5, $0x4;
	_ =	strace $0x8000004A  }
0x8: {  	s9 =	sand.u32 $0x70, s9;
	s10 =	smul.u32 $0x27800, s5;
	s11 =	ssub.s32 $0x2, s5  }
0x9: {  	s5 =	sadd.s32 $0x43000, s6;
	s7 =	sor.u32 s1, s4;
	s4 =	sadd.s32 $0x5800, s6  }
0xa: {  	s9 =	sadd.s32 s9, s6;
	s12 =	sshrl.u32 s11, $0x1;
	s30 =	sshrl.u32 s13, $0x2  }
0xb: {  	s8 =	smul.u32 $0x580, s7;
	s10 =	sadd.s32 s10, s6;
	s11 =	ssub.s32 s11, s12  }
0xc: {  	s29 =	sshll.u32 s7, $0x4;
	s13 =	sadd.s32 s30, s2;
	s12 =	simm.s32 $0x3  }
.Ltmp0:
0xd: {  	s31 =	sand.u32 $0x180, s29;
	s20 =	sadd.s32 $0x5FE00, s10;
	(pc) =	sbr.rel .LBB2_1-.Ltmp0, $4  }
0xe: {  	s10 =	smax.u32 s11, $0x1;
	s11 =	sshrl.u32 s13, $0x3;
	s13 =	simm.s32 $0x9800  }
0xf: {  	s8 =	sadd.s32 s8, s6;
	s6 =	sor.u32 $0x1C01, s21;
	s9 =	sadd.s32 s31, s9  }
0x10: {  	s20 =	sadd.s32 s22, s20;
	s21 =	sor.u32 $0x1C03, s21;
	s22 =	simm.s32 $0x0  }
0x11: {  	s7 =	sadd.s32 $0x2D000, s8;
	s8 =	sadd.s32 $0x38000, s8;
	s9 =	sadd.s32 $0x55E00, s9  }
.LBB2_4:
0x12: {  	s24 =	simm.s32 $0x2C00  }
.LBB2_6:
0x13: {  	s26 =	sadd.s32 $0xFFFFFFC0, s25;
	[sflag:s12] =	ssyncadd.s32 @p0 $0xFFFFC000  }
0x14: {  	[tilespmem:s17], [sflag:$0x1] =	stream.indirect.gather [hbm4b:s4+s16], $0x80, s26, s16, $0xb8;
	[tilespmem:$0x1D480] =	vst v63  }
0x15: {  	_ = 	snop  }
0x16: {  	[tilespmem:s18], [sflag:$0x2] =	stream.indirect.gather [hbm4b:s4+s16], $0x80, s25, s16, $0xb8;
	[tilespmem:$0x1D480] =	vst v63  }
0x17: {  	_ =	swait.ge [sflag:s15], $0x2000  }
0x18: {  	[sflag:s15] =	ssyncset.done $0x0  }
0x19: {  	[sflag:s15] =	ssyncadd.s32 $0xFFFFE000  }
0x1a: {  	_ =	swait.ge [sflag:s14], $0x2000  }
0x1b: {  	s24 =	sadd.s32 @p0 $0x80, s24;
	[sflag:s14] =	ssyncset.done $0x0  }
0x1c: {  	s23 =	smov.u32 @p0 s24;
	[sflag:s14] =	ssyncadd.s32 $0xFFFFE000  }
0x1d: {  	[spmem:s2] =	stream.indirect.scatter.add.f32 [tilespmem:s17], [sflag:$0x3], $0x80, s23, s19, $0xb8;
	[tilespmem:$0x1D480] =	vst v63  }
0x1e: {  	_ =	swait.ge [sflag:s12], $0x4000  }
0x1f: {  	[sflag:s12] =	ssyncset.done $0x0  }
0x20: {  	[sflag:s12] =	ssyncadd.s32 $0xFFFFC000  }
.LBB2_7:
0x21: {  	s22 =	sadd.s32 $0x1, s22  }
0x22: {  	p0 =	sne.s32 s22, s10  }
.Ltmp1:
0x23: {  	[bflag:$0x0] =	sbarrier.arrive $0xFFFF;
	(pc) =	sbr.rel @!p0 .LBB2_8-.Ltmp1, $4  }
0x24: {  	[hbm:s20], [sflag:s21] =	dma.local [spmem:s11], $0x2780  }
0x25: {  	_ =	swait.ge [sflag:s12], $0x2780  }
0x26: {  	[sflag:s12] =	ssyncset.done $0x0  }
0x27: {  	[sflag:s12] =	ssyncadd.s32 $0xFFFFD880  }
.LBB2_1:
0x28: {  	[spmem:s11], [sflag:s6] =	dma.local [hbm:s5], $0x2780  }
0x29: {  	[tilespmem:s3], [sflag:$0x2] =	stream.linear.gather [hbm4b:s7+s3], $0x2900, $0x38;
	[tilespmem:$0x1D480] =	vst v63  }
0x2a: {  	s23 =	simm.s32 $0x2C00  }
0x2b: {  	[tilespmem:s23], [sflag:$0x3] =	stream.linear.gather [hbm4b:s8+s3], $0x2900, $0x38;
	[tilespmem:$0x1D480] =	vst v63  }
0x2c: {  	_ =	swait.ge [sflag:s12], $0x2900  }
0x2d: {  	[sflag:s12] =	ssyncset.done $0x0  }
0x2e: {  	[sflag:s12] =	ssyncadd.s32 $0xFFFFD700  }
0x2f: {  	[tilespmem:s13], [sflag:$0x3] =	stream.linear.gather [hbm4b:s9+s3], $0x80, $0x38;
	[tilespmem:$0x1D480] =	vst v63  }
0x30: {  	_ =	swait.ge [sflag:s12], $0x80  }
0x31: {  	[sflag:s12] =	ssyncset.done $0x0  }
0x32: {  	[sflag:s12] =	ssyncadd.s32 $0xFFFFFF80  }
0x33: {  	v0 =	vld [tilespmem:$0x9800];
	_ =	sdelay $0x4  }
0x34: {  	(v2sf) =	vpush v0, $0x0;
	_ =	sdelay $0xe  }
0x35: {  	s24 =	spop (v2sf)  }
0x36: {  	_ =	swait.ge [sflag:s14], $0x2900  }
0x37: {  	[sflag:s14] =	ssyncset.done $0x0  }
0x38: {  	p0 =	slt.s32 s24, $0x1;
	[sflag:s14] =	ssyncadd.s32 $0xFFFFD700  }
.Ltmp2:
0x39: {  	_ =	swait.ge [sflag:s15], $0x2780;
	(pc) =	sbr.rel @p0 .LBB2_7-.Ltmp2, $3  }
0x3a: {  	[sflag:s15] =	ssyncset.done $0x0  }
0x3b: {  	[sflag:s15] =	ssyncadd.s32 $0xFFFFD880  }
0x3c: {  	[bflag:$0x0] =	sbarrier.arrive $0xFFFF;
	_ =	sdelay $0x1  }
0x3d: {  	p1 =	sne.s32 s24, $0x1  }
.Ltmp3:
0x3e: {  	_ = 	snop;
	(pc) =	sbr.rel @!p1 .LBB2_6-.Ltmp3, $3  }
0x3f: {  	_ =	sdelay $0x1  }
0x40: {  	s26 =	sadd.s32 $0xFFFFFFFF, s24  }
0x41: {  	p0 =	por $0x0, $0x0;
	s25 =	simm.s32 $0x40;
	s24 =	simm.s32 $0x2C00  }
0x42: {  	s24 =	sadd.s32 $0xFFFFFFC0, s16  }
0x43: {  	[tilespmem:s17], [sflag:$0x1] =	stream.indirect.gather [hbm4b:s4+s16], $0x80, s24, s16, $0xb8;
	[tilespmem:$0x1D480] =	vst v63  }
0x44: {  	_ = 	snop  }
0x45: {  	[tilespmem:s18], [sflag:$0x2] =	stream.indirect.gather [hbm4b:s4+s16], $0x80, s16, s16, $0xb8;
	[tilespmem:$0x1D480] =	vst v63  }
0x46: {  	_ =	swait.ge [sflag:s15], $0x2000  }
0x47: {  	[sflag:s15] =	ssyncset.done $0x0  }
0x48: {  	[sflag:s15] =	ssyncadd.s32 $0xFFFFE000  }
0x49: {  	p1 =	sne.s32 s26, $0x1;
	_ =	swait.ge [sflag:s14], $0x2000  }
.Ltmp4:
0x4a: {  	[sflag:s14] =	ssyncset.done $0x0;
	(pc) =	sbr.rel @!p1 .LBB2_4-.Ltmp4, $4  }
0x4b: {  	[sflag:s14] =	ssyncadd.s32 $0xFFFFE000  }
0x4c: {  	[spmem:s2] =	stream.indirect.scatter.add.f32 [tilespmem:s17], [sflag:$0x3], $0x80, s23, s19, $0xb8;
	[tilespmem:$0x1D480] =	vst v63  }
0x4d: {  	s26 =	sadd.s32 $0xFFFFFFFF, s26;
	s25 =	sadd.s32 $0x80, s16;
	_ =	swait.ge [sflag:s12], $0x4000  }
0x4e: {  	p0 =	por $0x1, $0x1;
	s24 =	simm.s32 $0x2C00;
	[sflag:s12] =	ssyncset.done $0x0  }
.LBB2_5:
0x4f: {  	s28 =	sadd.s32 $0xFFFFFFC0, s25;
	[sflag:s12] =	ssyncadd.s32 $0xFFFFC000;
	s24 =	sadd.s32 $0x80, s24  }
0x50: {  	[tilespmem:s17], [sflag:$0x1] =	stream.indirect.gather [hbm4b:s4+s16], $0x80, s28, s16, $0xb8;
	[tilespmem:$0x1D480] =	vst v63  }
0x51: {  	p1 =	sne.s32 s26, $0x1;
	s26 =	sadd.s32 $0xFFFFFFFF, s26  }
0x52: {  	[tilespmem:s18], [sflag:$0x2] =	stream.indirect.gather [hbm4b:s4+s16], $0x80, s25, s16, $0xb8;
	[tilespmem:$0x1D480] =	vst v63  }
0x53: {  	_ =	swait.ge [sflag:s15], $0x2000  }
0x54: {  	[sflag:s15] =	ssyncset.done $0x0  }
0x55: {  	[sflag:s15] =	ssyncadd.s32 $0xFFFFE000  }
0x56: {  	_ =	swait.ge [sflag:s14], $0x2000  }
.Ltmp5:
0x57: {  	[sflag:s14] =	ssyncset.done $0x0;
	(pc) =	sbr.rel @p1 .LBB2_5-.Ltmp5, $4  }
0x58: {  	[sflag:s14] =	ssyncadd.s32 $0xFFFFE000  }
0x59: {  	[spmem:s2] =	stream.indirect.scatter.add.f32 [tilespmem:s17], [sflag:$0x3], $0x80, s24, s19, $0xb8;
	[tilespmem:$0x1D480] =	vst v63  }
0x5a: {  	_ =	swait.ge [sflag:s12], $0x4000  }
0x5b: {  	s25 =	sadd.s32 $0x80, s25;
	[sflag:s12] =	ssyncset.done $0x0  }
.Ltmp6:
0x5c: {  	_ = 	snop;
	(pc) =	sbr.rel .LBB2_6-.Ltmp6, $1  }
0x5d: {  	_ =	sdelay $0x3  }
.LBB2_8:
0x5e: {  	_ =	sfence.sel $0x180000  }
0x5f: {  	[bflag:$0x0] =	sbarrier.arrive $0xFFFF  }
0x60: {  	p0 =	sne.s32 s1, $0x0;
	_ =	strace $0x9000004A  }
0x61: {  	s0 =	sadd.s32 @!p0 $0x100000, s0;
	[bflag:$0x2] =	sbarrier.arrive $0xFFFF  }
0x62: {  	[sflag:s0] =	ssyncadd.tile.s32 @!p0 $0x1;
	_ =	shalt  }
.Lfunc_end2:
_tile_overlayer_lowered:
.L_overlay_start_2:
0x63: {  	(tag) =	ssettag $0x2  }
0x64: {  	s0 =	rddreg [dreg:$0x0];
	s2 =	stileid.u32  }
0x65: {  	s1 =	rddreg [dreg:$0x1];
	p0 =	sne.s32 s2, $0x0  }
0x66: {  	s3 =	rddreg [dreg:$0x2];
	[bflag:$0x3] =	sbarrier.arrive $0xFFFF;
	s2 =	simm.s32 @!p0 $0x1C03  }
0x67: {  	[timem:s3], [sflag:s2] =	dma.local @!p0 [hbm:s0], s1  }
0x68: {  	s0 =	simm.s32 @!p0 $0x3  }
0x69: {  	_ =	swait.ge @!p0 [sflag:s0], s1  }
0x6a: {  	s1 =	ssub.s32 @!p0 $0x0, s1;
	[sflag:s0] =	ssyncset.done @!p0 $0x0  }
0x6b: {  	[sflag:s0] =	ssyncadd.s32 @!p0 s1  }
0x6c: {  	[bflag:$0x3] =	sbarrier.arrive $0xFFFF  }
0x6d: {  	_ =	shalt  }

// kernel: kernel.17.cloned.1.call-start
scs
__scs_entry_jumppad:
0x0: {  	(pc) =	sbr.rel $0x88, $3  }
0x1: {  	(tag) =	ssettag $0x0;
	lr =	simm.s32 $0x1  }
0x2: {  	[smem:$0x3F89] =	sst lr;
	_ =	strace $0xD0000000  }
0x3: {  	_ = 	snop  }
0x4: {  	_ = 	snop  }
0x5: {  	_ = 	snop  }
0x6: {  	_ = 	snop  }
0x7: {  	_ = 	snop  }
__scs_overlays_trampoline_lowered:
0x8: {  	[smem:$0x3F98] =	sst s0  }
0x9: {  	[smem:$0x3F99] =	sst s1  }
0xa: {  	[smem:$0x3F9A] =	sst s2  }
0xb: {  	[smem:$0x3F9B] =	sst s3  }
0xc: {  	[smem:$0x3F9C] =	sst s4  }
0xd: {  	[smem:$0x3F9D] =	sst s5  }
0xe: {  	[smem:$0x3F9E] =	sst s6  }
0xf: {  	[smem:$0x3F9F] =	sst s7  }
0x10: {  	[smem:$0x3FA0] =	sst s8  }
0x11: {  	[smem:$0x3FA1] =	sst s9;
	s0 =	simm.s32 @!p0 $0x0  }
0x12: {  	s1 =	sld [smem:$0x3F87];
	s0 =	simm.s32 @p0 $0x1  }
0x13: {  	[smem:$0x3FA2] =	sst s0;
	s0 =	simm.s32 @!p1 $0x0  }
0x14: {  	s2 =	sld [smem:$0x3F86];
	s0 =	simm.s32 @p1 $0x1  }
0x15: {  	[smem:$0x3FA3] =	sst s0;
	s0 =	simm.s32 @!p2 $0x0  }
0x16: {  	s3 =	sld [smem:$0x3FDB];
	s0 =	simm.s32 @p2 $0x1  }
0x17: {  	s4 =	simm.s32 $0x1BF5;
	[smem:$0x3FA5] =	sst s0  }
0x18: {  	s0 =	sld [smem:$0x3F88];
	_ =	swait.ge [sflag:s4], $0x0  }
0x19: {  	s7 =	sld [smem:$0x3F89]  }
0x1a: {  	s8 =	sadd.s32 $0xFFFFE003, lr  }
0x1b: {  	s9 =	sadd.s32 $0xFFFFFEF7, lr;
	s5 =	simm.s32 $0xFFFFFFFF;
	p2 =	slt.u32 s8, $0xFFFFF086  }
0x1c: {  	p1 =	slt.u32 s9, $0xF7A;
	s5 =	simm.s32 @!p2 $0x0  }
0x1d: {  	s5 =	simm.s32 @p1 $0x1;
	p0 =	seq.s32 s7, s2  }
0x1e: {  	s7 =	smul.u32 @!p0 $0xF7A, s2;
	p2 =	seq.s32 @!p0 s5, $0x0  }
0x1f: {  	s9 =	smul.u32 $0xF7A, s1;
	s8 =	simm.s32 @!p0 $0x1BF5;
	p2 =	por !p2, p0  }
0x20: {  	[sflag:s8] =	ssyncset.s32 @!p0 $0xFFFFF086;
	s6 =	sadd.s32 @!p0 s3, s7;
	s7 =	simm.s32 @!p0 $0x108  }
0x21: {  	s3 =	sadd.s32 s3, s9;
	s6 =	sadd.s32 @!p0 $0x88, s6;
	s7 =	simm.s32 @p2 $0x1082  }
0x22: {  	[simem:s7], [sflag:s8] =	dma.local @!p0 [hbm:s6], $0xF7A  }
0x23: {  	s9 =	sor.u32 $0xD0000000, s2;
	s6 =	simm.s32 $0x108;
	_ =	swait.ge @!p0 [sflag:s8], $0x0  }
0x24: {  	s3 =	sadd.s32 $0x88, s3;
	s6 =	simm.s32 @!p1 $0x1082;
	[sflag:s4] =	ssyncset.s32 $0xFFFFF086  }
0x25: {  	[simem:s6], [sflag:s4] =	dma.local [hbm:s3], $0xF7A  }
0x26: {  	[smem:$0x3F89] =	sst s1;
	(tag) =	ssettag s2;
	_ =	strace s9  }
0x27: {  	s1 =	sld [smem:$0x3F99]  }
0x28: {  	s2 =	sld [smem:$0x3F9A]  }
0x29: {  	s4 =	sld [smem:$0x3F9C]  }
0x2a: {  	p0 =	seq.s32 s5, $0x0;
	s5 =	sld [smem:$0x3F9D]  }
0x2b: {  	s6 =	sld [smem:$0x3F9E]  }
0x2c: {  	s7 =	sld [smem:$0x3F9F]  }
0x2d: {  	s3 =	simm.s32 $0x108;
	s8 =	sld [smem:$0x3FA0]  }
0x2e: {  	s3 =	simm.s32 @!p0 $0x1082;
	s9 =	sld [smem:$0x3FA1]  }
0x2f: {  	lr =	sadd.s32 s0, s3;
	s0 =	sld [smem:$0x3F98]  }
0x30: {  	s3 =	sld [smem:$0x3F9B]  }
0x31: {  	[smem:$0x3FA4] =	sst s10  }
0x32: {  	s10 =	sld [smem:$0x3FA2];
	_ =	sdelay $0x3  }
0x33: {  	p0 =	seq.s32 s10, $0x1;
	s10 =	sld [smem:$0x3FA4];
	_ =	sdelay $0x3  }
0x34: {  	[smem:$0x3FA4] =	sst s10  }
0x35: {  	s10 =	sld [smem:$0x3FA3];
	_ =	sdelay $0x3  }
0x36: {  	p1 =	seq.s32 s10, $0x1;
	s10 =	sld [smem:$0x3FA4];
	_ =	sdelay $0x3  }
0x37: {  	[smem:$0x3FA4] =	sst s10  }
0x38: {  	s10 =	sld [smem:$0x3FA5]  }
0x39: {  	_ = 	snop;
	(pc) =	sbr.ind lr, $3  }
0x3a: {  	_ = 	snop  }
0x3b: {  	_ = 	snop  }
0x3c: {  	p2 =	seq.s32 s10, $0x1;
	s10 =	sld [smem:$0x3FA4]  }
0x3d: {  	_ =	shalt  }
0x3e: {  	_ =	shalt  }
0x3f: {  	_ =	shalt  }
0x40: {  	_ =	shalt  }
0x41: {  	_ =	shalt  }
0x42: {  	_ =	shalt  }
0x43: {  	_ =	shalt  }
0x44: {  	_ =	shalt  }
0x45: {  	_ =	shalt  }
0x46: {  	_ =	shalt  }
0x47: {  	_ =	shalt  }
0x48: {  	_ =	shalt  }
0x49: {  	_ =	shalt  }
0x4a: {  	_ =	shalt  }
0x4b: {  	_ =	shalt  }
0x4c: {  	_ =	shalt  }
0x4d: {  	_ =	shalt  }
0x4e: {  	_ =	shalt  }
0x4f: {  	_ =	shalt  }
0x50: {  	_ =	shalt  }
0x51: {  	_ =	shalt  }
0x52: {  	_ =	shalt  }
0x53: {  	_ =	shalt  }
0x54: {  	_ =	shalt  }
0x55: {  	_ =	shalt  }
0x56: {  	_ =	shalt  }
0x57: {  	_ =	shalt  }
0x58: {  	_ =	shalt  }
0x59: {  	_ =	shalt  }
0x5a: {  	_ =	shalt  }
0x5b: {  	_ =	shalt  }
0x5c: {  	_ =	shalt  }
0x5d: {  	_ =	shalt  }
0x5e: {  	_ =	shalt  }
0x5f: {  	_ =	shalt  }
0x60: {  	_ =	shalt  }
0x61: {  	_ =	shalt  }
0x62: {  	_ =	shalt  }
0x63: {  	_ =	shalt  }
0x64: {  	_ =	shalt  }
0x65: {  	_ =	shalt  }
0x66: {  	_ =	shalt  }
0x67: {  	_ =	shalt  }
0x68: {  	_ =	shalt  }
0x69: {  	_ =	shalt  }
0x6a: {  	_ =	shalt  }
0x6b: {  	_ =	shalt  }
0x6c: {  	_ =	shalt  }
0x6d: {  	_ =	shalt  }
0x6e: {  	_ =	shalt  }
0x6f: {  	_ =	shalt  }
0x70: {  	_ =	shalt  }
0x71: {  	_ =	shalt  }
0x72: {  	_ =	shalt  }
0x73: {  	_ =	shalt  }
0x74: {  	_ =	shalt  }
0x75: {  	_ =	shalt  }
0x76: {  	_ =	shalt  }
0x77: {  	_ =	shalt  }
0x78: {  	_ =	shalt  }
0x79: {  	_ =	shalt  }
0x7a: {  	_ =	shalt  }
0x7b: {  	_ =	shalt  }
0x7c: {  	_ =	shalt  }
0x7d: {  	_ =	shalt  }
0x7e: {  	_ =	shalt  }
0x7f: {  	_ =	shalt  }
0x80: {  	_ =	shalt  }
0x81: {  	_ =	shalt  }
0x82: {  	_ =	shalt  }
0x83: {  	_ =	shalt  }
0x84: {  	_ =	shalt  }
0x85: {  	_ =	shalt  }
0x86: {  	_ =	shalt  }
0x87: {  	_ =	shalt  }
.Lfunc_end0:
.L_simem_size_0:
called_computation.2_lowered:
.L_overlay_start_0:
0x88: {  	s2 =	sld [smem:$0x3FD9]  }
0x89: {  	s3 =	sld [smem:$0x3FFE];
	_ =	sdelay $0x1  }
0x8a: {  	s1 =	srdreg.scid  }
0x8b: {  	s0 =	sand.u32 $0x1, s1  }
0x8c: {  	s16 =	sshll.u32 s0, $0xA;
	s2 =	sadd.s32 s3, s2  }
0x8d: {  	s2 =	sadd.s32 s2, s16  }
0x8e: {  	[smem:$0x3FB0] =	sst s2  }
0x8f: {  	_ = 	snop  }
0x90: {  	(tm) =	ssettm $0x1  }
0x91: {  	s17 =	sld [smem:$0x3FFB];
	_ =	sdelay $0x3  }
0x92: {  	_ =	strace s17  }
0x93: {  	s2 =	sld [smem:$0x3FFC];
	_ =	sdelay $0x3  }
0x94: {  	_ =	strace s2  }
0x95: {  	s2 =	sld [smem:$0x3FFD];
	_ =	sdelay $0x3  }
0x96: {  	_ =	strace s2  }
0x97: {  	_ =	strace $0x8FFFFFFF  }
0x98: {  	s18 =	sld [smem:$0x3FDB];
	_ =	sdelay $0x1  }
0x99: {  	s19 =	simm.s32 $_scs_section_size  }
0x9a: {  	s4 =	simm.s32 $_size__tile_overlayer_lowered;
	s5 =	simm.s32 $_tile_overlayer_lowered  }
0x9b: {  	s22 =	simm.s32 $0x1BFF;
	s21 =	sshll.u32 s5, $0x1;
	s2 =	sadd.s32 s19, s18  }
0x9c: {  	s6 =	simm.s32 $0x0;
	s20 =	sshll.u32 s4, $0x1;
	s4 =	sadd.s32 s21, s2  }
0x9d: {  	[timem:s6], [sflag:s22] =	dma.local [hbm:s4], s20  }
0x9e: {  	_ =	swait.ge [sflag:s22], s20  }
0x9f: {  	s3 =	ssub.s32 $0x0, s20;
	[sflag:s22] =	ssyncset.done $0x0  }
0xa0: {  	[sflag:s22] =	ssyncadd.s32 s3;
	_ =	sdelay $0x1  }
0xa1: {  	s23 =	simm.s32 $0x1B8B  }
0xa2: {  	_ =	swait.ge [sflag:s23], $0x1  }
0xa3: {  	[sflag:s23] =	ssyncset.done $0x0  }
0xa4: {  	s25 =	simm.s32 $0x1B8E;
	s24 =	sld [smem:$0x3FFE];
	[sflag:s23] =	ssyncadd.s32 $0xFFFFFFFF  }
0xa5: {  	s26 =	simm.s32 $execute0_lowered;
	[smem:$0x3FD2] =	sst s25  }
0xa6: {  	s4 =	sshll.u32 s26, $0x1;
	_ =	strace $0x8000004C;
	[dreg:$0x1] =	wrdreg $0xFFFFFFFF  }
0xa7: {  	s28 =	simm.s32 $_size_execute0_lowered;
	s2 =	sadd.s32 s2, s4;
	[dreg:$0x0] =	wrdreg $0x0  }
0xa8: {  	s4 =	sshll.u32 s28, $0x1;
	[dreg:$0x2] =	wrdreg s2  }
0xa9: {  	[dreg:$0x3] =	wrdreg s4  }
0xaa: {  	[dreg:$0x4] =	wrdreg $0xC0  }
0xab: {  	_ =	task [dreg:s6], $0x5FFFF  }
0xac: {  	[dreg:$0x1] =	wrdreg $0xFFFFFFFF  }
0xad: {  	[dreg:$0x0] =	wrdreg $0x60  }
0xae: {  	[dreg:$0x2] =	wrdreg s24  }
0xaf: {  	[dreg:$0x3] =	wrdreg $0x98800  }
0xb0: {  	[dreg:$0x4] =	wrdreg $0x9  }
0xb1: {  	_ =	task.clear_ibuf [dreg:s6], $0x5FFFF;
	_ =	strace $0x9000004C  }
0xb2: {  	s29 =	simm.s32 $0x9;
	_ =	strace $0x8000004E  }
0xb3: {  	_ =	swait.ge [sflag:s29], $0x1  }
0xb4: {  	[sflag:s29] =	ssyncadd.s32 $0xFFFFFFFF  }
0xb5: {  	_ =	strace $0x9000004E  }
0xb6: {  	_ =	sfence  }
0xb7: {  	s30 =	sld [smem:$0x0];
	_ =	sdelay $0x2  }
0xb8: {  	s31 =	sshll.u32 s1, $0xD;
	s1 =	sshrl.u32 s1, $0x2  }
0xb9: {  	s3 =	sand.u32 $0x4000, s31;
	s1 =	sadd.s32 s1, s30  }
0xba: {  	s0 =	sor.u32 s3, s0;
	s1 =	sshll.u32 s1, $0x11  }
0xbb: {  	s0 =	sor.u32 s1, s0  }
0xbc: {  	s0 =	sadd.s32 $0x8F2B, s0  }
0xbd: {  	[sflag:s0] =	ssyncadd.remote.s32 $0x1  }
0xbe: {  	_ =	sfence.sel $0xFFFF  }
0xbf: {  	[dreg:$0x0] =	wrdreg $0xFFFFFFFF;
	(pc) =	sbr.abs _section_cstart, $3  }
0xc0: {  	[dreg:$0x1] =	wrdreg $0xFFFFFFFF  }
0xc1: {  	_ =	task.clear_ibuf [dreg:s6], $0x2FFFF;
	_ =	strace $0x9FFFFFFF  }
0xc2: {  	(tm) =	ssettm $0x7FFFFFFF  }
0xc3: {  	_ =	shalt  }
tec
execute0_lowered:
.L_overlay_start_1:
0x0: {  	(tag) =	ssettag $0x1  }
0x1: {  	s0 =	srdreg.scid;
	s6 =	rddreg [dreg:$0x0]  }
0x2: {  	s2 =	rddreg [dreg:$0x1];
	s1 =	stileid.u32;
	s3 =	simm.s32 $0x0  }
0x3: {  	s14 =	simm.s32 $0x2;
	s15 =	simm.s32 $0x1;
	s16 =	simm.s32 $0x40  }
0x4: {  	s17 =	simm.s32 $0x5800;
	s5 =	sand.u32 $0x1, s0;
	s0 =	rddreg [dreg:$0x2]  }
0x5: {  	s18 =	simm.s32 $0x7800;
	s19 =	simm.s32 $0x80;
	[smem:$0x7FF] =	sst s3  }
0x6: {  	s9 =	sshll.u32 s1, $0x4;
	s13 =	smul.u32 $0x4F000, s1;
	s21 =	sshll.u32 s1, $0x6  }
0x7: {  	s22 =	smul.u32 $0x2780, s1;
	s4 =	sshll.u32 s5, $0x4;
	_ =	strace $0x8000004D  }
0x8: {  	s9 =	sand.u32 $0x70, s9;
	s10 =	smul.u32 $0x27800, s5;
	s11 =	ssub.s32 $0x2, s5  }
0x9: {  	s5 =	sadd.s32 $0x43000, s6;
	s7 =	sor.u32 s1, s4;
	s4 =	sadd.s32 $0x5800, s6  }
0xa: {  	s9 =	sadd.s32 s9, s6;
	s12 =	sshrl.u32 s11, $0x1;
	s30 =	sshrl.u32 s13, $0x2  }
0xb: {  	s8 =	smul.u32 $0x580, s7;
	s10 =	sadd.s32 s10, s6;
	s11 =	ssub.s32 s11, s12  }
0xc: {  	s29 =	sshll.u32 s7, $0x4;
	s13 =	sadd.s32 s30, s2;
	s12 =	simm.s32 $0x3  }
.Ltmp0:
0xd: {  	s31 =	sand.u32 $0x180, s29;
	s20 =	sadd.s32 $0x5FE00, s10;
	(pc) =	sbr.rel .LBB2_1-.Ltmp0, $4  }
0xe: {  	s10 =	smax.u32 s11, $0x1;
	s11 =	sshrl.u32 s13, $0x3;
	s13 =	simm.s32 $0x9800  }
0xf: {  	s8 =	sadd.s32 s8, s6;
	s6 =	sor.u32 $0x1C01, s21;
	s9 =	sadd.s32 s31, s9  }
0x10: {  	s20 =	sadd.s32 s22, s20;
	s21 =	sor.u32 $0x1C03, s21;
	s22 =	simm.s32 $0x0  }
0x11: {  	s7 =	sadd.s32 $0x2D000, s8;
	s8 =	sadd.s32 $0x38000, s8;
	s9 =	sadd.s32 $0x55E00, s9  }
.LBB2_4:
0x12: {  	s24 =	simm.s32 $0x2C00  }
.LBB2_6:
0x13: {  	s26 =	sadd.s32 $0xFFFFFFC0, s25;
	[sflag:s12] =	ssyncadd.s32 @p0 $0xFFFFC000  }
0x14: {  	[tilespmem:s17], [sflag:$0x1] =	stream.indirect.gather [hbm4b:s4+s16], $0x80, s26, s16, $0xb8;
	[tilespmem:$0x1D480] =	vst v63  }
0x15: {  	_ = 	snop  }
0x16: {  	[tilespmem:s18], [sflag:$0x2] =	stream.indirect.gather [hbm4b:s4+s16], $0x80, s25, s16, $0xb8;
	[tilespmem:$0x1D480] =	vst v63  }
0x17: {  	_ =	swait.ge [sflag:s15], $0x2000  }
0x18: {  	[sflag:s15] =	ssyncset.done $0x0  }
0x19: {  	[sflag:s15] =	ssyncadd.s32 $0xFFFFE000  }
0x1a: {  	_ =	swait.ge [sflag:s14], $0x2000  }
0x1b: {  	s24 =	sadd.s32 @p0 $0x80, s24;
	[sflag:s14] =	ssyncset.done $0x0  }
0x1c: {  	s23 =	smov.u32 @p0 s24;
	[sflag:s14] =	ssyncadd.s32 $0xFFFFE000  }
0x1d: {  	[spmem:s2] =	stream.indirect.scatter.add.f32 [tilespmem:s17], [sflag:$0x3], $0x80, s23, s19, $0xb8;
	[tilespmem:$0x1D480] =	vst v63  }
0x1e: {  	_ =	swait.ge [sflag:s12], $0x4000  }
0x1f: {  	[sflag:s12] =	ssyncset.done $0x0  }
0x20: {  	[sflag:s12] =	ssyncadd.s32 $0xFFFFC000  }
.LBB2_7:
0x21: {  	s22 =	sadd.s32 $0x1, s22  }
0x22: {  	p0 =	sne.s32 s22, s10  }
.Ltmp1:
0x23: {  	[bflag:$0x0] =	sbarrier.arrive $0xFFFF;
	(pc) =	sbr.rel @!p0 .LBB2_8-.Ltmp1, $4  }
0x24: {  	[hbm:s20], [sflag:s21] =	dma.local [spmem:s11], $0x2780  }
0x25: {  	_ =	swait.ge [sflag:s12], $0x2780  }
0x26: {  	[sflag:s12] =	ssyncset.done $0x0  }
0x27: {  	[sflag:s12] =	ssyncadd.s32 $0xFFFFD880  }
.LBB2_1:
0x28: {  	[spmem:s11], [sflag:s6] =	dma.local [hbm:s5], $0x2780  }
0x29: {  	[tilespmem:s3], [sflag:$0x2] =	stream.linear.gather [hbm4b:s7+s3], $0x2900, $0x38;
	[tilespmem:$0x1D480] =	vst v63  }
0x2a: {  	s23 =	simm.s32 $0x2C00  }
0x2b: {  	[tilespmem:s23], [sflag:$0x3] =	stream.linear.gather [hbm4b:s8+s3], $0x2900, $0x38;
	[tilespmem:$0x1D480] =	vst v63  }
0x2c: {  	_ =	swait.ge [sflag:s12], $0x2900  }
0x2d: {  	[sflag:s12] =	ssyncset.done $0x0  }
0x2e: {  	[sflag:s12] =	ssyncadd.s32 $0xFFFFD700  }
0x2f: {  	[tilespmem:s13], [sflag:$0x3] =	stream.linear.gather [hbm4b:s9+s3], $0x80, $0x38;
	[tilespmem:$0x1D480] =	vst v63  }
0x30: {  	_ =	swait.ge [sflag:s12], $0x80  }
0x31: {  	[sflag:s12] =	ssyncset.done $0x0  }
0x32: {  	[sflag:s12] =	ssyncadd.s32 $0xFFFFFF80  }
0x33: {  	v0 =	vld [tilespmem:$0x9800];
	_ =	sdelay $0x4  }
0x34: {  	(v2sf) =	vpush v0, $0x0;
	_ =	sdelay $0xe  }
0x35: {  	s24 =	spop (v2sf)  }
0x36: {  	_ =	swait.ge [sflag:s14], $0x2900  }
0x37: {  	[sflag:s14] =	ssyncset.done $0x0  }
0x38: {  	p0 =	slt.s32 s24, $0x1;
	[sflag:s14] =	ssyncadd.s32 $0xFFFFD700  }
.Ltmp2:
0x39: {  	_ =	swait.ge [sflag:s15], $0x2780;
	(pc) =	sbr.rel @p0 .LBB2_7-.Ltmp2, $3  }
0x3a: {  	[sflag:s15] =	ssyncset.done $0x0  }
0x3b: {  	[sflag:s15] =	ssyncadd.s32 $0xFFFFD880  }
0x3c: {  	[bflag:$0x0] =	sbarrier.arrive $0xFFFF;
	_ =	sdelay $0x1  }
0x3d: {  	p1 =	sne.s32 s24, $0x1  }
.Ltmp3:
0x3e: {  	_ = 	snop;
	(pc) =	sbr.rel @!p1 .LBB2_6-.Ltmp3, $3  }
0x3f: {  	_ =	sdelay $0x1  }
0x40: {  	s26 =	sadd.s32 $0xFFFFFFFF, s24  }
0x41: {  	p0 =	por $0x0, $0x0;
	s25 =	simm.s32 $0x40;
	s24 =	simm.s32 $0x2C00  }
0x42: {  	s24 =	sadd.s32 $0xFFFFFFC0, s16  }
0x43: {  	[tilespmem:s17], [sflag:$0x1] =	stream.indirect.gather [hbm4b:s4+s16], $0x80, s24, s16, $0xb8;
	[tilespmem:$0x1D480] =	vst v63  }
0x44: {  	_ = 	snop  }
0x45: {  	[tilespmem:s18], [sflag:$0x2] =	stream.indirect.gather [hbm4b:s4+s16], $0x80, s16, s16, $0xb8;
	[tilespmem:$0x1D480] =	vst v63  }
0x46: {  	_ =	swait.ge [sflag:s15], $0x2000  }
0x47: {  	[sflag:s15] =	ssyncset.done $0x0  }
0x48: {  	[sflag:s15] =	ssyncadd.s32 $0xFFFFE000  }
0x49: {  	p1 =	sne.s32 s26, $0x1;
	_ =	swait.ge [sflag:s14], $0x2000  }
.Ltmp4:
0x4a: {  	[sflag:s14] =	ssyncset.done $0x0;
	(pc) =	sbr.rel @!p1 .LBB2_4-.Ltmp4, $4  }
0x4b: {  	[sflag:s14] =	ssyncadd.s32 $0xFFFFE000  }
0x4c: {  	[spmem:s2] =	stream.indirect.scatter.add.f32 [tilespmem:s17], [sflag:$0x3], $0x80, s23, s19, $0xb8;
	[tilespmem:$0x1D480] =	vst v63  }
0x4d: {  	s26 =	sadd.s32 $0xFFFFFFFF, s26;
	s25 =	sadd.s32 $0x80, s16;
	_ =	swait.ge [sflag:s12], $0x4000  }
0x4e: {  	p0 =	por $0x1, $0x1;
	s24 =	simm.s32 $0x2C00;
	[sflag:s12] =	ssyncset.done $0x0  }
.LBB2_5:
0x4f: {  	s28 =	sadd.s32 $0xFFFFFFC0, s25;
	[sflag:s12] =	ssyncadd.s32 $0xFFFFC000;
	s24 =	sadd.s32 $0x80, s24  }
0x50: {  	[tilespmem:s17], [sflag:$0x1] =	stream.indirect.gather [hbm4b:s4+s16], $0x80, s28, s16, $0xb8;
	[tilespmem:$0x1D480] =	vst v63  }
0x51: {  	p1 =	sne.s32 s26, $0x1;
	s26 =	sadd.s32 $0xFFFFFFFF, s26  }
0x52: {  	[tilespmem:s18], [sflag:$0x2] =	stream.indirect.gather [hbm4b:s4+s16], $0x80, s25, s16, $0xb8;
	[tilespmem:$0x1D480] =	vst v63  }
0x53: {  	_ =	swait.ge [sflag:s15], $0x2000  }
0x54: {  	[sflag:s15] =	ssyncset.done $0x0  }
0x55: {  	[sflag:s15] =	ssyncadd.s32 $0xFFFFE000  }
0x56: {  	_ =	swait.ge [sflag:s14], $0x2000  }
.Ltmp5:
0x57: {  	[sflag:s14] =	ssyncset.done $0x0;
	(pc) =	sbr.rel @p1 .LBB2_5-.Ltmp5, $4  }
0x58: {  	[sflag:s14] =	ssyncadd.s32 $0xFFFFE000  }
0x59: {  	[spmem:s2] =	stream.indirect.scatter.add.f32 [tilespmem:s17], [sflag:$0x3], $0x80, s24, s19, $0xb8;
	[tilespmem:$0x1D480] =	vst v63  }
0x5a: {  	_ =	swait.ge [sflag:s12], $0x4000  }
0x5b: {  	s25 =	sadd.s32 $0x80, s25;
	[sflag:s12] =	ssyncset.done $0x0  }
.Ltmp6:
0x5c: {  	_ = 	snop;
	(pc) =	sbr.rel .LBB2_6-.Ltmp6, $1  }
0x5d: {  	_ =	sdelay $0x3  }
.LBB2_8:
0x5e: {  	_ =	sfence.sel $0x180000  }
0x5f: {  	[bflag:$0x0] =	sbarrier.arrive $0xFFFF  }
0x60: {  	p0 =	sne.s32 s1, $0x0;
	_ =	strace $0x9000004D  }
0x61: {  	s0 =	sadd.s32 @!p0 $0x100000, s0;
	[bflag:$0x2] =	sbarrier.arrive $0xFFFF  }
0x62: {  	[sflag:s0] =	ssyncadd.tile.s32 @!p0 $0x1;
	_ =	shalt  }
.Lfunc_end2:
_tile_overlayer_lowered:
.L_overlay_start_2:
0x63: {  	(tag) =	ssettag $0x2  }
0x64: {  	s0 =	rddreg [dreg:$0x0];
	s2 =	stileid.u32  }
0x65: {  	s1 =	rddreg [dreg:$0x1];
	p0 =	sne.s32 s2, $0x0  }
0x66: {  	s3 =	rddreg [dreg:$0x2];
	[bflag:$0x3] =	sbarrier.arrive $0xFFFF;
	s2 =	simm.s32 @!p0 $0x1C03  }
0x67: {  	[timem:s3], [sflag:s2] =	dma.local @!p0 [hbm:s0], s1  }
0x68: {  	s0 =	simm.s32 @!p0 $0x3  }
0x69: {  	_ =	swait.ge @!p0 [sflag:s0], s1  }
0x6a: {  	s1 =	ssub.s32 @!p0 $0x0, s1;
	[sflag:s0] =	ssyncset.done @!p0 $0x0  }
0x6b: {  	[sflag:s0] =	ssyncadd.s32 @!p0 s1  }
0x6c: {  	[bflag:$0x3] =	sbarrier.arrive $0xFFFF  }
0x6d: {  	_ =	shalt  }

// kernel: kernel.20.cloned.1.call-start
scs
__scs_entry_jumppad:
0x0: {  	(pc) =	sbr.rel $0x88, $3  }
0x1: {  	(tag) =	ssettag $0x0;
	lr =	simm.s32 $0x1  }
0x2: {  	[smem:$0x3F89] =	sst lr;
	_ =	strace $0xD0000000  }
0x3: {  	_ = 	snop  }
0x4: {  	_ = 	snop  }
0x5: {  	_ = 	snop  }
0x6: {  	_ = 	snop  }
0x7: {  	_ = 	snop  }
__scs_overlays_trampoline_lowered:
0x8: {  	[smem:$0x3F98] =	sst s0  }
0x9: {  	[smem:$0x3F99] =	sst s1  }
0xa: {  	[smem:$0x3F9A] =	sst s2  }
0xb: {  	[smem:$0x3F9B] =	sst s3  }
0xc: {  	[smem:$0x3F9C] =	sst s4  }
0xd: {  	[smem:$0x3F9D] =	sst s5  }
0xe: {  	[smem:$0x3F9E] =	sst s6  }
0xf: {  	[smem:$0x3F9F] =	sst s7  }
0x10: {  	[smem:$0x3FA0] =	sst s8  }
0x11: {  	[smem:$0x3FA1] =	sst s9;
	s0 =	simm.s32 @!p0 $0x0  }
0x12: {  	s1 =	sld [smem:$0x3F87];
	s0 =	simm.s32 @p0 $0x1  }
0x13: {  	[smem:$0x3FA2] =	sst s0;
	s0 =	simm.s32 @!p1 $0x0  }
0x14: {  	s2 =	sld [smem:$0x3F86];
	s0 =	simm.s32 @p1 $0x1  }
0x15: {  	[smem:$0x3FA3] =	sst s0;
	s0 =	simm.s32 @!p2 $0x0  }
0x16: {  	s3 =	sld [smem:$0x3FDB];
	s0 =	simm.s32 @p2 $0x1  }
0x17: {  	s4 =	simm.s32 $0x1BF5;
	[smem:$0x3FA5] =	sst s0  }
0x18: {  	s0 =	sld [smem:$0x3F88];
	_ =	swait.ge [sflag:s4], $0x0  }
0x19: {  	s7 =	sld [smem:$0x3F89]  }
0x1a: {  	s8 =	sadd.s32 $0xFFFFE003, lr  }
0x1b: {  	s9 =	sadd.s32 $0xFFFFFEF7, lr;
	s5 =	simm.s32 $0xFFFFFFFF;
	p2 =	slt.u32 s8, $0xFFFFF086  }
0x1c: {  	p1 =	slt.u32 s9, $0xF7A;
	s5 =	simm.s32 @!p2 $0x0  }
0x1d: {  	s5 =	simm.s32 @p1 $0x1;
	p0 =	seq.s32 s7, s2  }
0x1e: {  	s7 =	smul.u32 @!p0 $0xF7A, s2;
	p2 =	seq.s32 @!p0 s5, $0x0  }
0x1f: {  	s9 =	smul.u32 $0xF7A, s1;
	s8 =	simm.s32 @!p0 $0x1BF5;
	p2 =	por !p2, p0  }
0x20: {  	[sflag:s8] =	ssyncset.s32 @!p0 $0xFFFFF086;
	s6 =	sadd.s32 @!p0 s3, s7;
	s7 =	simm.s32 @!p0 $0x108  }
0x21: {  	s3 =	sadd.s32 s3, s9;
	s6 =	sadd.s32 @!p0 $0x88, s6;
	s7 =	simm.s32 @p2 $0x1082  }
0x22: {  	[simem:s7], [sflag:s8] =	dma.local @!p0 [hbm:s6], $0xF7A  }
0x23: {  	s9 =	sor.u32 $0xD0000000, s2;
	s6 =	simm.s32 $0x108;
	_ =	swait.ge @!p0 [sflag:s8], $0x0  }
0x24: {  	s3 =	sadd.s32 $0x88, s3;
	s6 =	simm.s32 @!p1 $0x1082;
	[sflag:s4] =	ssyncset.s32 $0xFFFFF086  }
0x25: {  	[simem:s6], [sflag:s4] =	dma.local [hbm:s3], $0xF7A  }
0x26: {  	[smem:$0x3F89] =	sst s1;
	(tag) =	ssettag s2;
	_ =	strace s9  }
0x27: {  	s1 =	sld [smem:$0x3F99]  }
0x28: {  	s2 =	sld [smem:$0x3F9A]  }
0x29: {  	s4 =	sld [smem:$0x3F9C]  }
0x2a: {  	p0 =	seq.s32 s5, $0x0;
	s5 =	sld [smem:$0x3F9D]  }
0x2b: {  	s6 =	sld [smem:$0x3F9E]  }
0x2c: {  	s7 =	sld [smem:$0x3F9F]  }
0x2d: {  	s3 =	simm.s32 $0x108;
	s8 =	sld [smem:$0x3FA0]  }
0x2e: {  	s3 =	simm.s32 @!p0 $0x1082;
	s9 =	sld [smem:$0x3FA1]  }
0x2f: {  	lr =	sadd.s32 s0, s3;
	s0 =	sld [smem:$0x3F98]  }
0x30: {  	s3 =	sld [smem:$0x3F9B]  }
0x31: {  	[smem:$0x3FA4] =	sst s10  }
0x32: {  	s10 =	sld [smem:$0x3FA2];
	_ =	sdelay $0x3  }
0x33: {  	p0 =	seq.s32 s10, $0x1;
	s10 =	sld [smem:$0x3FA4];
	_ =	sdelay $0x3  }
0x34: {  	[smem:$0x3FA4] =	sst s10  }
0x35: {  	s10 =	sld [smem:$0x3FA3];
	_ =	sdelay $0x3  }
0x36: {  	p1 =	seq.s32 s10, $0x1;
	s10 =	sld [smem:$0x3FA4];
	_ =	sdelay $0x3  }
0x37: {  	[smem:$0x3FA4] =	sst s10  }
0x38: {  	s10 =	sld [smem:$0x3FA5]  }
0x39: {  	_ = 	snop;
	(pc) =	sbr.ind lr, $3  }
0x3a: {  	_ = 	snop  }
0x3b: {  	_ = 	snop  }
0x3c: {  	p2 =	seq.s32 s10, $0x1;
	s10 =	sld [smem:$0x3FA4]  }
0x3d: {  	_ =	shalt  }
0x3e: {  	_ =	shalt  }
0x3f: {  	_ =	shalt  }
0x40: {  	_ =	shalt  }
0x41: {  	_ =	shalt  }
0x42: {  	_ =	shalt  }
0x43: {  	_ =	shalt  }
0x44: {  	_ =	shalt  }
0x45: {  	_ =	shalt  }
0x46: {  	_ =	shalt  }
0x47: {  	_ =	shalt  }
0x48: {  	_ =	shalt  }
0x49: {  	_ =	shalt  }
0x4a: {  	_ =	shalt  }
0x4b: {  	_ =	shalt  }
0x4c: {  	_ =	shalt  }
0x4d: {  	_ =	shalt  }
0x4e: {  	_ =	shalt  }
0x4f: {  	_ =	shalt  }
0x50: {  	_ =	shalt  }
0x51: {  	_ =	shalt  }
0x52: {  	_ =	shalt  }
0x53: {  	_ =	shalt  }
0x54: {  	_ =	shalt  }
0x55: {  	_ =	shalt  }
0x56: {  	_ =	shalt  }
0x57: {  	_ =	shalt  }
0x58: {  	_ =	shalt  }
0x59: {  	_ =	shalt  }
0x5a: {  	_ =	shalt  }
0x5b: {  	_ =	shalt  }
0x5c: {  	_ =	shalt  }
0x5d: {  	_ =	shalt  }
0x5e: {  	_ =	shalt  }
0x5f: {  	_ =	shalt  }
0x60: {  	_ =	shalt  }
0x61: {  	_ =	shalt  }
0x62: {  	_ =	shalt  }
0x63: {  	_ =	shalt  }
0x64: {  	_ =	shalt  }
0x65: {  	_ =	shalt  }
0x66: {  	_ =	shalt  }
0x67: {  	_ =	shalt  }
0x68: {  	_ =	shalt  }
0x69: {  	_ =	shalt  }
0x6a: {  	_ =	shalt  }
0x6b: {  	_ =	shalt  }
0x6c: {  	_ =	shalt  }
0x6d: {  	_ =	shalt  }
0x6e: {  	_ =	shalt  }
0x6f: {  	_ =	shalt  }
0x70: {  	_ =	shalt  }
0x71: {  	_ =	shalt  }
0x72: {  	_ =	shalt  }
0x73: {  	_ =	shalt  }
0x74: {  	_ =	shalt  }
0x75: {  	_ =	shalt  }
0x76: {  	_ =	shalt  }
0x77: {  	_ =	shalt  }
0x78: {  	_ =	shalt  }
0x79: {  	_ =	shalt  }
0x7a: {  	_ =	shalt  }
0x7b: {  	_ =	shalt  }
0x7c: {  	_ =	shalt  }
0x7d: {  	_ =	shalt  }
0x7e: {  	_ =	shalt  }
0x7f: {  	_ =	shalt  }
0x80: {  	_ =	shalt  }
0x81: {  	_ =	shalt  }
0x82: {  	_ =	shalt  }
0x83: {  	_ =	shalt  }
0x84: {  	_ =	shalt  }
0x85: {  	_ =	shalt  }
0x86: {  	_ =	shalt  }
0x87: {  	_ =	shalt  }
.Lfunc_end0:
.L_simem_size_0:
called_computation.3_lowered:
.L_overlay_start_0:
0x88: {  	s2 =	sld [smem:$0x3FD9]  }
0x89: {  	s3 =	sld [smem:$0x3FFE];
	_ =	sdelay $0x1  }
0x8a: {  	s1 =	srdreg.scid  }
0x8b: {  	s0 =	sand.u32 $0x1, s1  }
0x8c: {  	s16 =	sshll.u32 s0, $0xA;
	s2 =	sadd.s32 s3, s2  }
0x8d: {  	s2 =	sadd.s32 s2, s16  }
0x8e: {  	[smem:$0x3FB0] =	sst s2  }
0x8f: {  	_ = 	snop  }
0x90: {  	(tm) =	ssettm $0x1  }
0x91: {  	s17 =	sld [smem:$0x3FFB];
	_ =	sdelay $0x3  }
0x92: {  	_ =	strace s17  }
0x93: {  	s2 =	sld [smem:$0x3FFC];
	_ =	sdelay $0x3  }
0x94: {  	_ =	strace s2  }
0x95: {  	s2 =	sld [smem:$0x3FFD];
	_ =	sdelay $0x3  }
0x96: {  	_ =	strace s2  }
0x97: {  	_ =	strace $0x8FFFFFFF  }
0x98: {  	s18 =	sld [smem:$0x3FDB];
	_ =	sdelay $0x1  }
0x99: {  	s19 =	simm.s32 $_scs_section_size  }
0x9a: {  	s4 =	simm.s32 $_size__tile_overlayer_lowered;
	s5 =	simm.s32 $_tile_overlayer_lowered  }
0x9b: {  	s22 =	simm.s32 $0x1BFF;
	s21 =	sshll.u32 s5, $0x1;
	s2 =	sadd.s32 s19, s18  }
0x9c: {  	s6 =	simm.s32 $0x0;
	s20 =	sshll.u32 s4, $0x1;
	s4 =	sadd.s32 s21, s2  }
0x9d: {  	[timem:s6], [sflag:s22] =	dma.local [hbm:s4], s20  }
0x9e: {  	_ =	swait.ge [sflag:s22], s20  }
0x9f: {  	s3 =	ssub.s32 $0x0, s20;
	[sflag:s22] =	ssyncset.done $0x0  }
0xa0: {  	[sflag:s22] =	ssyncadd.s32 s3;
	_ =	sdelay $0x1  }
0xa1: {  	s23 =	simm.s32 $0x1B8B  }
0xa2: {  	_ =	swait.ge [sflag:s23], $0x1  }
0xa3: {  	[sflag:s23] =	ssyncset.done $0x0  }
0xa4: {  	s25 =	simm.s32 $0x1B8E;
	s24 =	sld [smem:$0x3FFE];
	[sflag:s23] =	ssyncadd.s32 $0xFFFFFFFF  }
0xa5: {  	s26 =	simm.s32 $execute0_lowered;
	[smem:$0x3FD2] =	sst s25  }
0xa6: {  	s4 =	sshll.u32 s26, $0x1;
	_ =	strace $0x8000004F;
	[dreg:$0x1] =	wrdreg $0xFFFFFFFF  }
0xa7: {  	s28 =	simm.s32 $_size_execute0_lowered;
	s2 =	sadd.s32 s2, s4;
	[dreg:$0x0] =	wrdreg $0x0  }
0xa8: {  	s4 =	sshll.u32 s28, $0x1;
	[dreg:$0x2] =	wrdreg s2  }
0xa9: {  	[dreg:$0x3] =	wrdreg s4  }
0xaa: {  	[dreg:$0x4] =	wrdreg $0xC0  }
0xab: {  	_ =	task [dreg:s6], $0x5FFFF  }
0xac: {  	[dreg:$0x1] =	wrdreg $0xFFFFFFFF  }
0xad: {  	[dreg:$0x0] =	wrdreg $0x60  }
0xae: {  	[dreg:$0x2] =	wrdreg s24  }
0xaf: {  	[dreg:$0x3] =	wrdreg $0x98800  }
0xb0: {  	[dreg:$0x4] =	wrdreg $0x9  }
0xb1: {  	_ =	task.clear_ibuf [dreg:s6], $0x5FFFF;
	_ =	strace $0x9000004F  }
0xb2: {  	s29 =	simm.s32 $0x9;
	_ =	strace $0x80000051  }
0xb3: {  	_ =	swait.ge [sflag:s29], $0x1  }
0xb4: {  	[sflag:s29] =	ssyncadd.s32 $0xFFFFFFFF  }
0xb5: {  	_ =	strace $0x90000051  }
0xb6: {  	_ =	sfence  }
0xb7: {  	s30 =	sld [smem:$0x0];
	_ =	sdelay $0x2  }
0xb8: {  	s31 =	sshll.u32 s1, $0xD;
	s1 =	sshrl.u32 s1, $0x2  }
0xb9: {  	s3 =	sand.u32 $0x4000, s31;
	s1 =	sadd.s32 s1, s30  }
0xba: {  	s0 =	sor.u32 s3, s0;
	s1 =	sshll.u32 s1, $0x11  }
0xbb: {  	s0 =	sor.u32 s1, s0  }
0xbc: {  	s0 =	sadd.s32 $0x8F2B, s0  }
0xbd: {  	[sflag:s0] =	ssyncadd.remote.s32 $0x1  }
0xbe: {  	_ =	sfence.sel $0xFFFF  }
0xbf: {  	[dreg:$0x0] =	wrdreg $0xFFFFFFFF;
	(pc) =	sbr.abs _section_cstart, $3  }
0xc0: {  	[dreg:$0x1] =	wrdreg $0xFFFFFFFF  }
0xc1: {  	_ =	task.clear_ibuf [dreg:s6], $0x2FFFF;
	_ =	strace $0x9FFFFFFF  }
0xc2: {  	(tm) =	ssettm $0x7FFFFFFF  }
0xc3: {  	_ =	shalt  }
tec
execute0_lowered:
.L_overlay_start_1:
0x0: {  	(tag) =	ssettag $0x1  }
0x1: {  	s0 =	srdreg.scid;
	s6 =	rddreg [dreg:$0x0]  }
0x2: {  	s2 =	rddreg [dreg:$0x1];
	s1 =	stileid.u32;
	s3 =	simm.s32 $0x0  }
0x3: {  	s14 =	simm.s32 $0x2;
	s15 =	simm.s32 $0x1;
	s16 =	simm.s32 $0x40  }
0x4: {  	s17 =	simm.s32 $0x5800;
	s5 =	sand.u32 $0x1, s0;
	s0 =	rddreg [dreg:$0x2]  }
0x5: {  	s18 =	simm.s32 $0x7800;
	s19 =	simm.s32 $0x80;
	[smem:$0x7FF] =	sst s3  }
0x6: {  	s9 =	sshll.u32 s1, $0x4;
	s13 =	smul.u32 $0x4F000, s1;
	s21 =	sshll.u32 s1, $0x6  }
0x7: {  	s22 =	smul.u32 $0x2780, s1;
	s4 =	sshll.u32 s5, $0x4;
	_ =	strace $0x80000050  }
0x8: {  	s9 =	sand.u32 $0x70, s9;
	s10 =	smul.u32 $0x27800, s5;
	s11 =	ssub.s32 $0x2, s5  }
0x9: {  	s5 =	sadd.s32 $0x43000, s6;
	s7 =	sor.u32 s1, s4;
	s4 =	sadd.s32 $0x5800, s6  }
0xa: {  	s9 =	sadd.s32 s9, s6;
	s12 =	sshrl.u32 s11, $0x1;
	s30 =	sshrl.u32 s13, $0x2  }
0xb: {  	s8 =	smul.u32 $0x580, s7;
	s10 =	sadd.s32 s10, s6;
	s11 =	ssub.s32 s11, s12  }
0xc: {  	s29 =	sshll.u32 s7, $0x4;
	s13 =	sadd.s32 s30, s2;
	s12 =	simm.s32 $0x3  }
.Ltmp0:
0xd: {  	s31 =	sand.u32 $0x180, s29;
	s20 =	sadd.s32 $0x5FE00, s10;
	(pc) =	sbr.rel .LBB2_1-.Ltmp0, $4  }
0xe: {  	s10 =	smax.u32 s11, $0x1;
	s11 =	sshrl.u32 s13, $0x3;
	s13 =	simm.s32 $0x9800  }
0xf: {  	s8 =	sadd.s32 s8, s6;
	s6 =	sor.u32 $0x1C01, s21;
	s9 =	sadd.s32 s31, s9  }
0x10: {  	s20 =	sadd.s32 s22, s20;
	s21 =	sor.u32 $0x1C03, s21;
	s22 =	simm.s32 $0x0  }
0x11: {  	s7 =	sadd.s32 $0x2D000, s8;
	s8 =	sadd.s32 $0x38000, s8;
	s9 =	sadd.s32 $0x55E00, s9  }
.LBB2_4:
0x12: {  	s24 =	simm.s32 $0x2C00  }
.LBB2_6:
0x13: {  	s26 =	sadd.s32 $0xFFFFFFC0, s25;
	[sflag:s12] =	ssyncadd.s32 @p0 $0xFFFFC000  }
0x14: {  	[tilespmem:s17], [sflag:$0x1] =	stream.indirect.gather [hbm4b:s4+s16], $0x80, s26, s16, $0xb8;
	[tilespmem:$0x1D480] =	vst v63  }
0x15: {  	_ = 	snop  }
0x16: {  	[tilespmem:s18], [sflag:$0x2] =	stream.indirect.gather [hbm4b:s4+s16], $0x80, s25, s16, $0xb8;
	[tilespmem:$0x1D480] =	vst v63  }
0x17: {  	_ =	swait.ge [sflag:s15], $0x2000  }
0x18: {  	[sflag:s15] =	ssyncset.done $0x0  }
0x19: {  	[sflag:s15] =	ssyncadd.s32 $0xFFFFE000  }
0x1a: {  	_ =	swait.ge [sflag:s14], $0x2000  }
0x1b: {  	s24 =	sadd.s32 @p0 $0x80, s24;
	[sflag:s14] =	ssyncset.done $0x0  }
0x1c: {  	s23 =	smov.u32 @p0 s24;
	[sflag:s14] =	ssyncadd.s32 $0xFFFFE000  }
0x1d: {  	[spmem:s2] =	stream.indirect.scatter.add.f32 [tilespmem:s17], [sflag:$0x3], $0x80, s23, s19, $0xb8;
	[tilespmem:$0x1D480] =	vst v63  }
0x1e: {  	_ =	swait.ge [sflag:s12], $0x4000  }
0x1f: {  	[sflag:s12] =	ssyncset.done $0x0  }
0x20: {  	[sflag:s12] =	ssyncadd.s32 $0xFFFFC000  }
.LBB2_7:
0x21: {  	s22 =	sadd.s32 $0x1, s22  }
0x22: {  	p0 =	sne.s32 s22, s10  }
.Ltmp1:
0x23: {  	[bflag:$0x0] =	sbarrier.arrive $0xFFFF;
	(pc) =	sbr.rel @!p0 .LBB2_8-.Ltmp1, $4  }
0x24: {  	[hbm:s20], [sflag:s21] =	dma.local [spmem:s11], $0x2780  }
0x25: {  	_ =	swait.ge [sflag:s12], $0x2780  }
0x26: {  	[sflag:s12] =	ssyncset.done $0x0  }
0x27: {  	[sflag:s12] =	ssyncadd.s32 $0xFFFFD880  }
.LBB2_1:
0x28: {  	[spmem:s11], [sflag:s6] =	dma.local [hbm:s5], $0x2780  }
0x29: {  	[tilespmem:s3], [sflag:$0x2] =	stream.linear.gather [hbm4b:s7+s3], $0x2900, $0x38;
	[tilespmem:$0x1D480] =	vst v63  }
0x2a: {  	s23 =	simm.s32 $0x2C00  }
0x2b: {  	[tilespmem:s23], [sflag:$0x3] =	stream.linear.gather [hbm4b:s8+s3], $0x2900, $0x38;
	[tilespmem:$0x1D480] =	vst v63  }
0x2c: {  	_ =	swait.ge [sflag:s12], $0x2900  }
0x2d: {  	[sflag:s12] =	ssyncset.done $0x0  }
0x2e: {  	[sflag:s12] =	ssyncadd.s32 $0xFFFFD700  }
0x2f: {  	[tilespmem:s13], [sflag:$0x3] =	stream.linear.gather [hbm4b:s9+s3], $0x80, $0x38;
	[tilespmem:$0x1D480] =	vst v63  }
0x30: {  	_ =	swait.ge [sflag:s12], $0x80  }
0x31: {  	[sflag:s12] =	ssyncset.done $0x0  }
0x32: {  	[sflag:s12] =	ssyncadd.s32 $0xFFFFFF80  }
0x33: {  	v0 =	vld [tilespmem:$0x9800];
	_ =	sdelay $0x4  }
0x34: {  	(v2sf) =	vpush v0, $0x0;
	_ =	sdelay $0xe  }
0x35: {  	s24 =	spop (v2sf)  }
0x36: {  	_ =	swait.ge [sflag:s14], $0x2900  }
0x37: {  	[sflag:s14] =	ssyncset.done $0x0  }
0x38: {  	p0 =	slt.s32 s24, $0x1;
	[sflag:s14] =	ssyncadd.s32 $0xFFFFD700  }
.Ltmp2:
0x39: {  	_ =	swait.ge [sflag:s15], $0x2780;
	(pc) =	sbr.rel @p0 .LBB2_7-.Ltmp2, $3  }
0x3a: {  	[sflag:s15] =	ssyncset.done $0x0  }
0x3b: {  	[sflag:s15] =	ssyncadd.s32 $0xFFFFD880  }
0x3c: {  	[bflag:$0x0] =	sbarrier.arrive $0xFFFF;
	_ =	sdelay $0x1  }
0x3d: {  	p1 =	sne.s32 s24, $0x1  }
.Ltmp3:
0x3e: {  	_ = 	snop;
	(pc) =	sbr.rel @!p1 .LBB2_6-.Ltmp3, $3  }
0x3f: {  	_ =	sdelay $0x1  }
0x40: {  	s26 =	sadd.s32 $0xFFFFFFFF, s24  }
0x41: {  	p0 =	por $0x0, $0x0;
	s25 =	simm.s32 $0x40;
	s24 =	simm.s32 $0x2C00  }
0x42: {  	s24 =	sadd.s32 $0xFFFFFFC0, s16  }
0x43: {  	[tilespmem:s17], [sflag:$0x1] =	stream.indirect.gather [hbm4b:s4+s16], $0x80, s24, s16, $0xb8;
	[tilespmem:$0x1D480] =	vst v63  }
0x44: {  	_ = 	snop  }
0x45: {  	[tilespmem:s18], [sflag:$0x2] =	stream.indirect.gather [hbm4b:s4+s16], $0x80, s16, s16, $0xb8;
	[tilespmem:$0x1D480] =	vst v63  }
0x46: {  	_ =	swait.ge [sflag:s15], $0x2000  }
0x47: {  	[sflag:s15] =	ssyncset.done $0x0  }
0x48: {  	[sflag:s15] =	ssyncadd.s32 $0xFFFFE000  }
0x49: {  	p1 =	sne.s32 s26, $0x1;
	_ =	swait.ge [sflag:s14], $0x2000  }
.Ltmp4:
0x4a: {  	[sflag:s14] =	ssyncset.done $0x0;
	(pc) =	sbr.rel @!p1 .LBB2_4-.Ltmp4, $4  }
0x4b: {  	[sflag:s14] =	ssyncadd.s32 $0xFFFFE000  }
0x4c: {  	[spmem:s2] =	stream.indirect.scatter.add.f32 [tilespmem:s17], [sflag:$0x3], $0x80, s23, s19, $0xb8;
	[tilespmem:$0x1D480] =	vst v63  }
0x4d: {  	s26 =	sadd.s32 $0xFFFFFFFF, s26;
	s25 =	sadd.s32 $0x80, s16;
	_ =	swait.ge [sflag:s12], $0x4000  }
0x4e: {  	p0 =	por $0x1, $0x1;
	s24 =	simm.s32 $0x2C00;
	[sflag:s12] =	ssyncset.done $0x0  }
.LBB2_5:
0x4f: {  	s28 =	sadd.s32 $0xFFFFFFC0, s25;
	[sflag:s12] =	ssyncadd.s32 $0xFFFFC000;
	s24 =	sadd.s32 $0x80, s24  }
0x50: {  	[tilespmem:s17], [sflag:$0x1] =	stream.indirect.gather [hbm4b:s4+s16], $0x80, s28, s16, $0xb8;
	[tilespmem:$0x1D480] =	vst v63  }
0x51: {  	p1 =	sne.s32 s26, $0x1;
	s26 =	sadd.s32 $0xFFFFFFFF, s26  }
0x52: {  	[tilespmem:s18], [sflag:$0x2] =	stream.indirect.gather [hbm4b:s4+s16], $0x80, s25, s16, $0xb8;
	[tilespmem:$0x1D480] =	vst v63  }
0x53: {  	_ =	swait.ge [sflag:s15], $0x2000  }
0x54: {  	[sflag:s15] =	ssyncset.done $0x0  }
0x55: {  	[sflag:s15] =	ssyncadd.s32 $0xFFFFE000  }
0x56: {  	_ =	swait.ge [sflag:s14], $0x2000  }
.Ltmp5:
0x57: {  	[sflag:s14] =	ssyncset.done $0x0;
	(pc) =	sbr.rel @p1 .LBB2_5-.Ltmp5, $4  }
0x58: {  	[sflag:s14] =	ssyncadd.s32 $0xFFFFE000  }
0x59: {  	[spmem:s2] =	stream.indirect.scatter.add.f32 [tilespmem:s17], [sflag:$0x3], $0x80, s24, s19, $0xb8;
	[tilespmem:$0x1D480] =	vst v63  }
0x5a: {  	_ =	swait.ge [sflag:s12], $0x4000  }
0x5b: {  	s25 =	sadd.s32 $0x80, s25;
	[sflag:s12] =	ssyncset.done $0x0  }
.Ltmp6:
0x5c: {  	_ = 	snop;
	(pc) =	sbr.rel .LBB2_6-.Ltmp6, $1  }
0x5d: {  	_ =	sdelay $0x3  }
.LBB2_8:
0x5e: {  	_ =	sfence.sel $0x180000  }
0x5f: {  	[bflag:$0x0] =	sbarrier.arrive $0xFFFF  }
0x60: {  	p0 =	sne.s32 s1, $0x0;
	_ =	strace $0x90000050  }
0x61: {  	s0 =	sadd.s32 @!p0 $0x100000, s0;
	[bflag:$0x2] =	sbarrier.arrive $0xFFFF  }
0x62: {  	[sflag:s0] =	ssyncadd.tile.s32 @!p0 $0x1;
	_ =	shalt  }
.Lfunc_end2:
_tile_overlayer_lowered:
.L_overlay_start_2:
0x63: {  	(tag) =	ssettag $0x2  }
0x64: {  	s0 =	rddreg [dreg:$0x0];
	s2 =	stileid.u32  }
0x65: {  	s1 =	rddreg [dreg:$0x1];
	p0 =	sne.s32 s2, $0x0  }
0x66: {  	s3 =	rddreg [dreg:$0x2];
	[bflag:$0x3] =	sbarrier.arrive $0xFFFF;
	s2 =	simm.s32 @!p0 $0x1C03  }
0x67: {  	[timem:s3], [sflag:s2] =	dma.local @!p0 [hbm:s0], s1  }
0x68: {  	s0 =	simm.s32 @!p0 $0x3  }
0x69: {  	_ =	swait.ge @!p0 [sflag:s0], s1  }
0x6a: {  	s1 =	ssub.s32 @!p0 $0x0, s1;
	[sflag:s0] =	ssyncset.done @!p0 $0x0  }
0x6b: {  	[sflag:s0] =	ssyncadd.s32 @!p0 s1  }
0x6c: {  	[bflag:$0x3] =	sbarrier.arrive $0xFFFF  }
0x6d: {  	_ =	shalt  }

</sc_bundles>
